<compile_context>
chip_gen: v7x
topology: tpu7x:2x2x1
jax: 0.10.2.dev20260603
libtpu: 0.0.44.dev20260713+nightly
codegen_flags: <defaults>
</compile_context>

<pallas_src>
import jax
import jax.numpy as jnp
from jax import lax
from jax.experimental import pallas as pl
from jax.experimental.pallas import tpu as pltpu
from jax.experimental.pallas import tpu_sc as plsc

N = 10000
D = 128
E = 320000
G = 128
NP = 10240
NT = 16
CHUNK = 128
SLAB = 40
ROWS_PER_TILE = NP // NT
DEG_ROWS = NP // 128
NCHW = 80

_f32 = jnp.float32
_i32 = jnp.int32


def _mesh():
    return plsc.VectorSubcoreMesh(core_axis_name="c", subcore_axis_name="s")


def _zero_rows(ref, nrows):
    zero16 = jnp.zeros((16,), _f32)

    def body(i, carry):
        for k in range(8):
            ref[i, pl.ds(k * 16, 16)] = zero16
        return carry

    lax.fori_loop(0, nrows, body, 0)


def _tile_range(s):
    start = (s * 156 + jnp.minimum(s, 4)) * 128
    nch = 156 + jnp.where(s < 4, 1, 0)
    return start, nch


def _deg_body(e_hbm, rowid_hbm, deg_out, dstw_v, deg1_v, deg2_v,
              rowid_v, deg_sh):
    c = lax.axis_index("c")
    s = lax.axis_index("s")
    zero16 = jnp.zeros((16,), _f32)

    def zbody(i, carry):
        deg1_v[pl.ds(i * 16, 16)] = zero16
        return carry

    lax.fori_loop(0, NP // 16, zbody, 0)
    _zero_rows(deg2_v, DEG_ROWS)

    @pl.when(s < 10)
    def _():
        pltpu.sync_copy(deg2_v.at[pl.ds(s * 8, 8)], deg_sh.at[pl.ds(s * 8, 8)])

    plsc.subcore_barrier()

    start, nch = _tile_range(s)
    winb = start + (nch - NCHW) * CHUNK
    w = NCHW * CHUNK

    pltpu.sync_copy(e_hbm.at[c, 1, pl.ds(start, w)], dstw_v.at[pl.ds(0, w)])
    pltpu.sync_copy(e_hbm.at[c, 1, pl.ds(winb, w)], dstw_v.at[pl.ds(w, w)])

    pltpu.sync_copy(rowid_hbm, rowid_v)
    ones16 = jnp.ones((16,), _f32)

    def body(j, carry):
        for k in range(8):
            idx = dstw_v[pl.ds(j * CHUNK + k * 16, 16)]
            plsc.addupdate_scatter(deg1_v, [idx], ones16)
        return carry

    lax.fori_loop(0, NCHW, body, 0)

    def bodyb(m, carry):
        for k in range(8):
            idx = dstw_v[pl.ds(w + m * CHUNK + k * 16, 16)]
            plsc.addupdate_scatter(deg1_v, [idx], ones16)
        return carry

    lax.fori_loop(160 - nch, NCHW, bodyb, 0)

    def rbody(r, carry):
        for k in range(8):
            deg2_v[r, pl.ds(k * 16, 16)] = deg1_v[pl.ds(r * 128 + k * 16, 16)]
        return carry

    lax.fori_loop(0, DEG_ROWS, rbody, 0)
    pltpu.sync_copy(deg2_v, deg_sh.at[rowid_v], add=True)
    plsc.subcore_barrier()

    @pl.when(s < 10)
    def _():
        pltpu.sync_copy(deg_sh.at[pl.ds(s * 8, 8)],
                        deg_out.at[c, pl.ds(s * 8, 8)])


def _deg_call(e_all, rowid):
    return pl.kernel(
        _deg_body,
        out_type=jax.ShapeDtypeStruct((2, DEG_ROWS, 128), _f32),
        mesh=_mesh(),
        scratch_types=[
            pltpu.VMEM((2 * NCHW * CHUNK,), _i32),
            pltpu.VMEM((NP,), _f32),
            pltpu.VMEM((DEG_ROWS, 128), _f32),
            pltpu.VMEM((DEG_ROWS,), _i32),
            pltpu.VMEM_SHARED((DEG_ROWS, 128), _f32),
        ],
        compiler_params=pltpu.CompilerParams(needs_layout_passes=False),
    )(e_all, rowid)


def _scatter_body(g_hbm, e_hbm, acc_out, src_v, dst_v, row_a,
                  row_b, acc_sh, sem_a, sem_b):
    c = lax.axis_index("c")
    s = lax.axis_index("s")
    pltpu.sync_copy(g_hbm.at[pl.ds(c * NP + s * ROWS_PER_TILE,
                                   ROWS_PER_TILE)],
                    acc_sh.at[pl.ds(s * ROWS_PER_TILE, ROWS_PER_TILE)])
    plsc.subcore_barrier()

    start, nch = _tile_range(s)
    sw = SLAB * CHUNK

    def load_slab(off):
        pltpu.sync_copy(e_hbm.at[c, 0, pl.ds(off, sw)], src_v)
        pltpu.sync_copy(e_hbm.at[c, 1, pl.ds(off, sw)], dst_v)
        npv = jnp.zeros((16,), _i32) + c * NP

        def addnp(i, carry):
            src_v[pl.ds(i * 16, 16)] = src_v[pl.ds(i * 16, 16)] + npv
            return carry

        lax.fori_loop(0, sw // 16, addnp, 0)

    def sv(j):
        return src_v.at[pl.ds(j * CHUNK, CHUNK)]

    def dv(j):
        return dst_v.at[pl.ds(j * CHUNK, CHUNK)]

    def run_pairs(first, npairs):
        pltpu.async_copy(g_hbm.at[sv(first)], row_a, sem_a)

        def pair(i, carry):
            j = first + 2 * i
            pltpu.async_copy(g_hbm.at[sv(j + 1)], row_b, sem_b)
            pltpu.make_async_copy(g_hbm.at[sv(j)], row_a, sem_a).wait()
            pltpu.sync_copy(row_a, acc_sh.at[dv(j)], add=True)

            @pl.when(i < npairs - 1)
            def _():
                pltpu.async_copy(g_hbm.at[sv(j + 2)], row_a, sem_a)

            pltpu.make_async_copy(g_hbm.at[sv(j + 1)], row_b, sem_b).wait()
            pltpu.sync_copy(row_b, acc_sh.at[dv(j + 1)], add=True)
            return carry

        lax.fori_loop(0, npairs, pair, 0)

    for q in range(3):
        load_slab(start + q * sw)
        run_pairs(0, SLAB // 2)

    load_slab(start + (nch - SLAB) * CHUNK)

    @pl.when(s < 4)
    def _():
        pltpu.sync_copy(g_hbm.at[sv(3)], row_a)
        pltpu.sync_copy(row_a, acc_sh.at[dv(3)], add=True)

    run_pairs(4, (SLAB - 4) // 2)

    plsc.subcore_barrier()
    pltpu.sync_copy(acc_sh.at[pl.ds(s * ROWS_PER_TILE, ROWS_PER_TILE)],
                    acc_out.at[c, pl.ds(s * ROWS_PER_TILE, ROWS_PER_TILE)])


def _scatter_call(g_all, e_all):
    return pl.kernel(
        _scatter_body,
        out_type=jax.ShapeDtypeStruct((2, NP, D), _f32),
        mesh=_mesh(),
        scratch_types=[
            pltpu.VMEM((SLAB * CHUNK,), _i32),
            pltpu.VMEM((SLAB * CHUNK,), _i32),
            pltpu.VMEM((CHUNK, D), _f32),
            pltpu.VMEM((CHUNK, D), _f32),
            pltpu.VMEM_SHARED((NP, D), _f32),
            pltpu.SemaphoreType.DMA,
            pltpu.SemaphoreType.DMA,
        ],
        compiler_params=pltpu.CompilerParams(needs_layout_passes=False),
    )(g_all, e_all)


_BLK = 1024
_DROWS = _BLK // 128


def _to_col(img):
    eye = jnp.eye(128, dtype=_f32)
    parts = [lax.dot_general(eye, img[r:r + 1, :], (((1,), (1,)), ((), ())),
                             preferred_element_type=_f32)
             for r in range(img.shape[0])]
    return jnp.concatenate(parts, axis=0)


def _g_body(x_ref, deg_ref, w_ref, g_ref, dis_ref):
    j = pl.program_id(1)
    node = (lax.broadcasted_iota(_i32, (_DROWS, 128), 0) * 128
            + lax.broadcasted_iota(_i32, (_DROWS, 128), 1)) + j * _BLK
    dis_img = jnp.where(node < N, lax.rsqrt(deg_ref[0] + 1.0), 0.0)
    dis_ref[0] = dis_img
    dis_col = _to_col(dis_img)
    g_ref[0] = dis_col * jnp.dot(x_ref[0], w_ref[0],
                                 preferred_element_type=_f32)


def _g_call(x_all, deg2d, w_all):
    return pl.pallas_call(
        _g_body,
        grid=(2, NP // _BLK),
        in_specs=[
            pl.BlockSpec((1, _BLK, D), lambda c, j: (c, j, 0)),
            pl.BlockSpec((1, _DROWS, 128), lambda c, j: (c, j, 0)),
            pl.BlockSpec((1, D, D), lambda c, j: (c, 0, 0)),
        ],
        out_specs=[
            pl.BlockSpec((1, _BLK, D), lambda c, j: (c, j, 0)),
            pl.BlockSpec((1, _DROWS, 128), lambda c, j: (c, j, 0)),
        ],
        out_shape=[
            jax.ShapeDtypeStruct((2, NP, D), _f32),
            jax.ShapeDtypeStruct((2, DEG_ROWS, 128), _f32),
        ],
    )(x_all, deg2d, w_all)


def _pool_body(acc_ref, dis_ref, b_ref, batch_ref, fcw_ref, fcb_ref,
               fw_ref, fb_ref, out_ref, ss_ref, cnt_ref):
    c = pl.program_id(0)
    j = pl.program_id(1)
    dis_col = _to_col(dis_ref[0])
    batch_col = _to_col(batch_ref[0].astype(_f32))
    y = dis_col * acc_ref[0] + b_ref[0]
    y = jnp.where(y >= 0, y, 0.01 * y)
    gid = lax.broadcasted_iota(_i32, (1, G), 1).astype(_f32)
    oh = (batch_col == gid).astype(_f32)
    ss = lax.dot_general(oh, y, (((0,), (0,)), ((), ())),
                         preferred_element_type=_f32)
    cn = lax.dot_general(oh, jnp.ones((_BLK, 1), _f32),
                         (((0,), (0,)), ((), ())),
                         preferred_element_type=_f32)

    @pl.when(jnp.logical_and(c == 0, j == 0))
    def _():
        ss_ref[...] = jnp.zeros((2, G, D), _f32)
        cnt_ref[...] = jnp.zeros((2, G, 1), _f32)

    @pl.when(c == 0)
    def _():
        ss_ref[0] += ss
        cnt_ref[0] += cn

    @pl.when(c == 1)
    def _():
        ss_ref[1] += ss
        cnt_ref[1] += cn

    @pl.when(jnp.logical_and(c == 1, j == NP // _BLK - 1))
    def _():
        o = None
        for cidx in range(2):
            m = ss_ref[cidx] / jnp.maximum(cnt_ref[cidx], 1.0)
            z = jnp.dot(m, fcw_ref[cidx], preferred_element_type=_f32) \
                + fcb_ref[cidx]
            z = jnp.where(z >= 0, z, 0.01 * z)
            fw = fw_ref[pl.ds(cidx * D, D), :]
            contrib = jnp.dot(z, fw, preferred_element_type=_f32)
            o = contrib if o is None else o + contrib
        out_ref[...] = o + fb_ref[...]


def _pool_call(acc, dis_col, b_all, batch_all, fcw_all, fcb_all,
               final_w, final_b):
    full = lambda c, j: (0, 0)
    return pl.pallas_call(
        _pool_body,
        grid=(2, NP // _BLK),
        in_specs=[
            pl.BlockSpec((1, _BLK, D), lambda c, j: (c, j, 0)),
            pl.BlockSpec((1, _DROWS, 128), lambda c, j: (c, j, 0)),
            pl.BlockSpec((1, 1, D), lambda c, j: (c, 0, 0)),
            pl.BlockSpec((1, _DROWS, 128), lambda c, j: (c, j, 0)),
            pl.BlockSpec((2, D, D), lambda c, j: (0, 0, 0)),
            pl.BlockSpec((2, 1, D), lambda c, j: (0, 0, 0)),
            pl.BlockSpec((2 * D, 1), full),
            pl.BlockSpec((1, 1), full),
        ],
        out_specs=pl.BlockSpec((G, 1), full),
        out_shape=jax.ShapeDtypeStruct((G, 1), _f32),
        scratch_shapes=[
            pltpu.VMEM((2, G, D), _f32),
            pltpu.VMEM((2, G, 1), _f32),
        ],
    )(acc, dis_col, b_all, batch_all, fcw_all, fcb_all, final_w, final_b)


def kernel(pro1_x, pro1_edge_index, pro1_batch, pro2_x, pro2_edge_index,
           pro2_batch, W1, b1, fc1_w, fc1_b, W2, b2, fc2_w, fc2_b,
           final_w, final_b):
    e_all = jnp.stack([pro1_edge_index, pro2_edge_index])
    rowid = jnp.arange(DEG_ROWS, dtype=_i32)

    x_all = jnp.pad(jnp.stack([pro1_x, pro2_x]), ((0, 0), (0, NP - N), (0, 0)))
    w_all = jnp.stack([W1, W2])
    b_all = jnp.stack([b1, b2]).reshape(2, 1, D)
    batch_all = jnp.pad(jnp.stack([pro1_batch, pro2_batch]),
                        ((0, 0), (0, NP - N)),
                        constant_values=G).reshape(2, DEG_ROWS, 128)
    fcw_all = jnp.stack([fc1_w, fc2_w])
    fcb_all = jnp.stack([fc1_b, fc2_b]).reshape(2, 1, D)
    fb = final_b.reshape(1, 1)

    deg2d = _deg_call(e_all, rowid)
    g, dis_img = _g_call(x_all, deg2d, w_all)
    g_all = g.reshape(2 * NP, D)
    acc = _scatter_call(g_all, e_all)
    return _pool_call(acc, dis_img, b_all, batch_all, fcw_all, fcb_all,
                      final_w, fb)

# --- scband reference (transcript-rebuilt; emitter-appended) ---
"""Pipeline reference for scband-gcnn-25872882991625 (READ-ONLY COPY).

The authoritative reference and input builder live on the scoring server;
editing this copy changes nothing except your own understanding.
"""

import jax, jax.numpy as jnp
import numpy as np

NUM_GRAPHS = 128

def leaky_relu(x):
    return jnp.where(x >= 0, x, 0.01 * x)

def gcn_conv(x, edge_index, W, b):
    n = x.shape[0]
    loop = jnp.arange(n, dtype=edge_index.dtype)
    src = jnp.concatenate([edge_index[0], loop])
    dst = jnp.concatenate([edge_index[1], loop])
    deg = jnp.zeros((n,), x.dtype).at[dst].add(1.0)
    dis = jnp.where(deg > 0, jax.lax.rsqrt(deg), 0.0)
    norm = dis[src] * dis[dst]
    h = x @ W
    out = jnp.zeros((n, W.shape[1]), x.dtype).at[dst].add(h[src] * norm[:, None])
    return out + b

def gep(x, batch, num_graphs):
    s = jax.ops.segment_sum(x, batch, num_segments=num_graphs)
    c = jax.ops.segment_sum(jnp.ones((x.shape[0],), x.dtype), batch, num_segments=num_graphs)
    return s / jnp.maximum(c, 1.0)[:, None]

def setup_inputs(seed: int = 0):
    key = jax.random.key(seed)
    ks = jax.random.split(key, 16)
    N, E, D, OUT, B = 10000, 320000, 128, 128, NUM_GRAPHS
    return {
        "pro1_x": jax.random.normal(ks[0], (N, D), jnp.float32),
        "pro1_edge_index": jax.random.randint(ks[1], (2, E), 0, N, dtype=jnp.int32),
        "pro1_batch": jnp.sort(jax.random.randint(ks[2], (N,), 0, B, dtype=jnp.int32)),
        "pro2_x": jax.random.normal(ks[3], (N, D), jnp.float32),
        "pro2_edge_index": jax.random.randint(ks[4], (2, E), 0, N, dtype=jnp.int32),
        "pro2_batch": jnp.sort(jax.random.randint(ks[5], (N,), 0, B, dtype=jnp.int32)),
        "W1": jax.random.normal(ks[6], (D, D), jnp.float32) / np.sqrt(D),
        "b1": jnp.zeros((D,), jnp.float32),
        "fc1_w": jax.random.normal(ks[7], (D, OUT), jnp.float32) / np.sqrt(D),
        "fc1_b": jnp.zeros((OUT,), jnp.float32),
        "W2": jax.random.normal(ks[8], (D, D), jnp.float32) / np.sqrt(D),
        "b2": jnp.zeros((D,), jnp.float32),
        "fc2_w": jax.random.normal(ks[9], (D, OUT), jnp.float32) / np.sqrt(D),
        "fc2_b": jnp.zeros((OUT,), jnp.float32),
        "final_w": jax.random.normal(ks[10], (2 * OUT, 1), jnp.float32) / np.sqrt(2 * OUT),
        "final_b": jnp.zeros((1,), jnp.float32),
    }

def reference(pro1_x, pro1_edge_index, pro1_batch, pro2_x, pro2_edge_index, pro2_batch, W1, b1, fc1_w, fc1_b, W2, b2, fc2_w, fc2_b, final_w, final_b):
    # branch 1 (dropout is identity in eval mode)
    x = gcn_conv(pro1_x, pro1_edge_index, W1, b1)
    x = leaky_relu(x)
    x = gep(x, pro1_batch, NUM_GRAPHS)
    x = leaky_relu(x @ fc1_w + fc1_b)
    # branch 2
    xt = gcn_conv(pro2_x, pro2_edge_index, W2, b2)
    xt = leaky_relu(xt)
    xt = gep(xt, pro2_batch, NUM_GRAPHS)
    xt = leaky_relu(xt @ fc2_w + fc2_b)
    combined = jnp.concatenate([x, xt], axis=1)
    return combined @ final_w + final_b

if __name__ == "__main__":
    import jax
    _d = setup_inputs()
    print(jax.jit(kernel)(*tuple(_d.values())))

</pallas_src>

<mosaic_0001>
#map = affine_map<(d0, d1) -> (0, 0, 0)>
#map1 = affine_map<(d0, d1) -> (0)>
module attributes {stable_mosaic.version = 14 : i64} {
  func.func @_deg_body(%arg0: i32, %arg1: i32, %arg2: memref<2x2x320000xi32, #tpu.memory_space<hbm>>, %arg3: memref<80xi32, #tpu.memory_space<hbm>>, %arg4: memref<2x80x128xf32, #tpu.memory_space<hbm>>, %arg5: memref<20480xi32, #tpu.memory_space<vmem>>, %arg6: memref<10240xf32, #tpu.memory_space<vmem>>, %arg7: memref<80x128xf32, #tpu.memory_space<vmem>>, %arg8: memref<80xi32, #tpu.memory_space<vmem>>, %arg9: memref<80x128xf32, #tpu.memory_space<vmem_shared>>) attributes {dimension_semantics = [#tpu.dimension_semantics<core_parallel>, #tpu.dimension_semantics<subcore_parallel>], iteration_bounds = array<i64: 2, 16>, scalar_prefetch = 0 : i64, scratch_operands = 5 : i64, tpu.core_type = #tpu.core_type<sc_vector_subcore>, window_params = [{transform_indices = #map}, {transform_indices = #map1}, {transform_indices = #map}]} {
    %broadcast_in_dim3A = arith.constant 0.000000e+00 : f32
    %broadcast_in_dim3A_0 = vector.broadcast %broadcast_in_dim3A : f32 to vector<16xf32>
    %scan3A = arith.constant 0 : i32
    %scan3A_1 = arith.constant 0 : i32
    %scan3A_2 = arith.constant 640 : i32
    %scan3A_3 = arith.addi %scan3A_1, %scan3A_2 : i32
    %scan3A_4 = arith.constant 1 : i32
    scf.for %scan3A_61 = %scan3A_1 to %scan3A_3 step %scan3A_4  : i32 {
      %mul3A_62 = arith.constant 16 : i32
      %mul3A_63 = arith.muli %scan3A_61, %mul3A_62 : i32
      %swap3A = arith.index_cast %mul3A_63 : i32 to index
      %swap3A_64 = tpu.vector_load %arg6[%swap3A] {strides = array<i32>} : memref<10240xf32, #tpu.memory_space<vmem>>, vector<16xf32>,
      tpu.vector_store %arg6[%swap3A], %broadcast_in_dim3A_0 {strides = array<i32>} : memref<10240xf32, #tpu.memory_space<vmem>>, vector<16xf32>,
    }
    %scan3A_5 = arith.constant 640 : i32
    %broadcast_in_dim3A_6 = arith.constant 0.000000e+00 : f32
    %broadcast_in_dim3A_7 = vector.broadcast %broadcast_in_dim3A_6 : f32 to vector<16xf32>
    %scan3A_8 = arith.constant 0 : i32
    %scan3A_9 = arith.constant 0 : i32
    %scan3A_10 = arith.constant 80 : i32
    %scan3A_11 = arith.addi %scan3A_9, %scan3A_10 : i32
    %scan3A_12 = arith.constant 1 : i32
    scf.for %scan3A_61 = %scan3A_9 to %scan3A_11 step %scan3A_12  : i32 {
      %swap3A = arith.index_cast %scan3A_61 : i32 to index
      %swap3A_62 = arith.constant 0 : index
      %swap3A_63 = tpu.vector_load %arg7[%swap3A, %swap3A_62] {strides = array<i32>} : memref<80x128xf32, #tpu.memory_space<vmem>>, vector<16xf32>,
      tpu.vector_store %arg7[%swap3A, %swap3A_62], %broadcast_in_dim3A_7 {strides = array<i32>} : memref<80x128xf32, #tpu.memory_space<vmem>>, vector<16xf32>,
      %swap3A_64 = arith.index_cast %scan3A_61 : i32 to index
      %swap3A_65 = arith.constant 16 : index
      %swap3A_66 = tpu.vector_load %arg7[%swap3A_64, %swap3A_65] {strides = array<i32>} : memref<80x128xf32, #tpu.memory_space<vmem>>, vector<16xf32>,
      tpu.vector_store %arg7[%swap3A_64, %swap3A_65], %broadcast_in_dim3A_7 {strides = array<i32>} : memref<80x128xf32, #tpu.memory_space<vmem>>, vector<16xf32>,
      %swap3A_67 = arith.index_cast %scan3A_61 : i32 to index
      %swap3A_68 = arith.constant 32 : index
      %swap3A_69 = tpu.vector_load %arg7[%swap3A_67, %swap3A_68] {strides = array<i32>} : memref<80x128xf32, #tpu.memory_space<vmem>>, vector<16xf32>,
      tpu.vector_store %arg7[%swap3A_67, %swap3A_68], %broadcast_in_dim3A_7 {strides = array<i32>} : memref<80x128xf32, #tpu.memory_space<vmem>>, vector<16xf32>,
      %swap3A_70 = arith.index_cast %scan3A_61 : i32 to index
      %swap3A_71 = arith.constant 48 : index
      %swap3A_72 = tpu.vector_load %arg7[%swap3A_70, %swap3A_71] {strides = array<i32>} : memref<80x128xf32, #tpu.memory_space<vmem>>, vector<16xf32>,
      tpu.vector_store %arg7[%swap3A_70, %swap3A_71], %broadcast_in_dim3A_7 {strides = array<i32>} : memref<80x128xf32, #tpu.memory_space<vmem>>, vector<16xf32>,
      %swap3A_73 = arith.index_cast %scan3A_61 : i32 to index
      %swap3A_74 = arith.constant 64 : index
      %swap3A_75 = tpu.vector_load %arg7[%swap3A_73, %swap3A_74] {strides = array<i32>} : memref<80x128xf32, #tpu.memory_space<vmem>>, vector<16xf32>,
      tpu.vector_store %arg7[%swap3A_73, %swap3A_74], %broadcast_in_dim3A_7 {strides = array<i32>} : memref<80x128xf32, #tpu.memory_space<vmem>>, vector<16xf32>,
      %swap3A_76 = arith.index_cast %scan3A_61 : i32 to index
      %swap3A_77 = arith.constant 80 : index
      %swap3A_78 = tpu.vector_load %arg7[%swap3A_76, %swap3A_77] {strides = array<i32>} : memref<80x128xf32, #tpu.memory_space<vmem>>, vector<16xf32>,
      tpu.vector_store %arg7[%swap3A_76, %swap3A_77], %broadcast_in_dim3A_7 {strides = array<i32>} : memref<80x128xf32, #tpu.memory_space<vmem>>, vector<16xf32>,
      %swap3A_79 = arith.index_cast %scan3A_61 : i32 to index
      %swap3A_80 = arith.constant 96 : index
      %swap3A_81 = tpu.vector_load %arg7[%swap3A_79, %swap3A_80] {strides = array<i32>} : memref<80x128xf32, #tpu.memory_space<vmem>>, vector<16xf32>,
      tpu.vector_store %arg7[%swap3A_79, %swap3A_80], %broadcast_in_dim3A_7 {strides = array<i32>} : memref<80x128xf32, #tpu.memory_space<vmem>>, vector<16xf32>,
      %swap3A_82 = arith.index_cast %scan3A_61 : i32 to index
      %swap3A_83 = arith.constant 112 : index
      %swap3A_84 = tpu.vector_load %arg7[%swap3A_82, %swap3A_83] {strides = array<i32>} : memref<80x128xf32, #tpu.memory_space<vmem>>, vector<16xf32>,
      tpu.vector_store %arg7[%swap3A_82, %swap3A_83], %broadcast_in_dim3A_7 {strides = array<i32>} : memref<80x128xf32, #tpu.memory_space<vmem>>, vector<16xf32>,
    }
    %scan3A_13 = arith.constant 80 : i32
    %lt3A = arith.constant 10 : i32
    %lt3A_14 = arith.cmpi slt, %arg1, %lt3A : i32
    %convert_element_type3A = arith.extui %lt3A_14 : i1 to i32
    %cond3A = arith.constant 0 : i32
    %cond3A_15 = arith.cmpi ne, %convert_element_type3A, %cond3A : i32
    scf.if %cond3A_15 {
      %mul3A_61 = arith.constant 8 : i32
      %mul3A_62 = arith.muli %arg1, %mul3A_61 : i32
      %mul3A_63 = arith.constant 8 : i32
      %mul3A_64 = arith.muli %arg1, %mul3A_63 : i32
      "tpu.region"() ({
        %run_scoped3A_65 = tpu.sem_alloc : memref<!tpu.dma_semaphore, #tpu.memory_space<semaphore_mem>>
        %dma_start3A = arith.constant 0 : i32
        %dma_start3A_66 = tpu.memref_slice %arg7[%mul3A_62, %dma_start3A] : memref<80x128xf32, #tpu.memory_space<vmem>> -> memref<8x128xf32, #tpu.memory_space<vmem>>
        %dma_start3A_67 = arith.constant 0 : i32
        %dma_start3A_68 = tpu.memref_slice %arg9[%mul3A_64, %dma_start3A_67] : memref<80x128xf32, #tpu.memory_space<vmem_shared>> -> memref<8x128xf32, #tpu.memory_space<vmem_shared>>
        %dma_start3A_69 = arith.constant 0 : i32
        %dma_start3A_70 = tpu.memref_slice %arg9[%mul3A_64, %dma_start3A_69] : memref<80x128xf32, #tpu.memory_space<vmem_shared>> -> memref<8x128xf32, #tpu.memory_space<vmem_shared>>
        %dma_start3A_71 = arith.constant 0 : i32
        %dma_start3A_72 = tpu.memref_slice %arg7[%mul3A_62, %dma_start3A_71] : memref<80x128xf32, #tpu.memory_space<vmem>> -> memref<8x128xf32, #tpu.memory_space<vmem>>
        tpu.enqueue_dma source(%dma_start3A_72 : memref<8x128xf32, #tpu.memory_space<vmem>>) target(%dma_start3A_70 : memref<8x128xf32, #tpu.memory_space<vmem_shared>>) target_semaphore(%run_scoped3A_65 : memref<!tpu.dma_semaphore, #tpu.memory_space<semaphore_mem>>)
        %dma_wait3A = arith.constant 0 : i32
        %dma_wait3A_73 = tpu.memref_slice %arg7[%mul3A_62, %dma_wait3A] : memref<80x128xf32, #tpu.memory_space<vmem>> -> memref<8x128xf32, #tpu.memory_space<vmem>>
        %dma_wait3A_74 = arith.constant 0 : i32
        %dma_wait3A_75 = tpu.memref_slice %arg9[%mul3A_64, %dma_wait3A_74] : memref<80x128xf32, #tpu.memory_space<vmem_shared>> -> memref<8x128xf32, #tpu.memory_space<vmem_shared>>
        %dma_wait3A_76 = arith.constant 0 : i32
        %dma_wait3A_77 = tpu.memref_slice %arg9[%mul3A_64, %dma_wait3A_76] : memref<80x128xf32, #tpu.memory_space<vmem_shared>> -> memref<8x128xf32, #tpu.memory_space<vmem_shared>>
        %dma_wait3A_78 = arith.constant 0 : i32
        %dma_wait3A_79 = tpu.memref_slice %arg7[%mul3A_62, %dma_wait3A_78] : memref<80x128xf32, #tpu.memory_space<vmem>> -> memref<8x128xf32, #tpu.memory_space<vmem>>
        tpu.wait_dma2 semaphore(%run_scoped3A_65 : memref<!tpu.dma_semaphore, #tpu.memory_space<semaphore_mem>>) src(%dma_wait3A_79 : memref<8x128xf32, #tpu.memory_space<vmem>>) dst(%dma_wait3A_77 : memref<8x128xf32, #tpu.memory_space<vmem_shared>>)
        tpu.yield
      }) : () -> ()
    } else {
    }
    %barrier3A = arith.constant 0 : index
    tpu.barrier barrier_id(%barrier3A)
    %mul3A = arith.constant 156 : i32
    %mul3A_16 = arith.muli %arg1, %mul3A : i32
    %min3A = arith.constant 4 : i32
    %min3A_17 = arith.minsi %arg1, %min3A : i32
    %add3A = arith.addi %mul3A_16, %min3A_17 : i32
    %mul3A_18 = arith.constant 128 : i32
    %mul3A_19 = arith.muli %add3A, %mul3A_18 : i32
    %lt3A_20 = arith.constant 4 : i32
    %lt3A_21 = arith.cmpi slt, %arg1, %lt3A_20 : i32
    %jit3A = arith.constant 1 : i32
    %jit3A_22 = arith.constant 0 : i32
    %select_n3A = arith.select %lt3A_21, %jit3A, %jit3A_22 : i32
    %add3A_23 = arith.constant 156 : i32
    %add3A_24 = arith.addi %add3A_23, %select_n3A : i32
    %sub3A = arith.constant 80 : i32
    %sub3A_25 = arith.subi %add3A_24, %sub3A : i32
    %mul3A_26 = arith.constant 128 : i32
    %mul3A_27 = arith.muli %sub3A_25, %mul3A_26 : i32
    %add3A_28 = arith.addi %mul3A_19, %mul3A_27 : i32
    %run_scoped3A = arith.constant 1 : i32
    "tpu.region"() ({
      %run_scoped3A_61 = tpu.sem_alloc : memref<!tpu.dma_semaphore, #tpu.memory_space<semaphore_mem>>
      %dma_start3A = arith.constant 0 : i32
      %dma_start3A_62 = tpu.memref_slice %arg5[%dma_start3A] : memref<20480xi32, #tpu.memory_space<vmem>> -> memref<10240xi32, #tpu.memory_space<vmem>>
      %dma_start3A_63 = tpu.memref_slice %arg2[%arg0, %run_scoped3A, %mul3A_19] : memref<2x2x320000xi32, #tpu.memory_space<hbm>> -> memref<1x1x10240xi32, #tpu.memory_space<hbm>>
      %dma_start3A_64 = tpu.memref_squeeze %dma_start3A_63 : memref<1x1x10240xi32, #tpu.memory_space<hbm>> -> memref<10240xi32, #tpu.memory_space<hbm>>
      %dma_start3A_65 = arith.constant 0 : i32
      %dma_start3A_66 = tpu.memref_slice %arg5[%dma_start3A_65] : memref<20480xi32, #tpu.memory_space<vmem>> -> memref<10240xi32, #tpu.memory_space<vmem>>
      %dma_start3A_67 = tpu.memref_slice %arg2[%arg0, %run_scoped3A, %mul3A_19] : memref<2x2x320000xi32, #tpu.memory_space<hbm>> -> memref<1x1x10240xi32, #tpu.memory_space<hbm>>
      %dma_start3A_68 = tpu.memref_squeeze %dma_start3A_67 : memref<1x1x10240xi32, #tpu.memory_space<hbm>> -> memref<10240xi32, #tpu.memory_space<hbm>>
      tpu.enqueue_dma source(%dma_start3A_68 : memref<10240xi32, #tpu.memory_space<hbm>>) target(%dma_start3A_66 : memref<10240xi32, #tpu.memory_space<vmem>>) target_semaphore(%run_scoped3A_61 : memref<!tpu.dma_semaphore, #tpu.memory_space<semaphore_mem>>)
      %dma_wait3A = arith.constant 0 : i32
      %dma_wait3A_69 = tpu.memref_slice %arg5[%dma_wait3A] : memref<20480xi32, #tpu.memory_space<vmem>> -> memref<10240xi32, #tpu.memory_space<vmem>>
      %dma_wait3A_70 = tpu.memref_slice %arg2[%arg0, %run_scoped3A, %mul3A_19] : memref<2x2x320000xi32, #tpu.memory_space<hbm>> -> memref<1x1x10240xi32, #tpu.memory_space<hbm>>
      %dma_wait3A_71 = tpu.memref_squeeze %dma_wait3A_70 : memref<1x1x10240xi32, #tpu.memory_space<hbm>> -> memref<10240xi32, #tpu.memory_space<hbm>>
      %dma_wait3A_72 = arith.constant 0 : i32
      %dma_wait3A_73 = tpu.memref_slice %arg5[%dma_wait3A_72] : memref<20480xi32, #tpu.memory_space<vmem>> -> memref<10240xi32, #tpu.memory_space<vmem>>
      %dma_wait3A_74 = tpu.memref_slice %arg2[%arg0, %run_scoped3A, %mul3A_19] : memref<2x2x320000xi32, #tpu.memory_space<hbm>> -> memref<1x1x10240xi32, #tpu.memory_space<hbm>>
      %dma_wait3A_75 = tpu.memref_squeeze %dma_wait3A_74 : memref<1x1x10240xi32, #tpu.memory_space<hbm>> -> memref<10240xi32, #tpu.memory_space<hbm>>
      tpu.wait_dma2 semaphore(%run_scoped3A_61 : memref<!tpu.dma_semaphore, #tpu.memory_space<semaphore_mem>>) src(%dma_wait3A_75 : memref<10240xi32, #tpu.memory_space<hbm>>) dst(%dma_wait3A_73 : memref<10240xi32, #tpu.memory_space<vmem>>)
      tpu.yield
    }) : () -> ()
    %run_scoped3A_29 = arith.constant 1 : i32
    "tpu.region"() ({
      %run_scoped3A_61 = tpu.sem_alloc : memref<!tpu.dma_semaphore, #tpu.memory_space<semaphore_mem>>
      %dma_start3A = arith.constant 10240 : i32
      %dma_start3A_62 = tpu.memref_slice %arg5[%dma_start3A] : memref<20480xi32, #tpu.memory_space<vmem>> -> memref<10240xi32, #tpu.memory_space<vmem>>
      %dma_start3A_63 = tpu.memref_slice %arg2[%arg0, %run_scoped3A_29, %add3A_28] : memref<2x2x320000xi32, #tpu.memory_space<hbm>> -> memref<1x1x10240xi32, #tpu.memory_space<hbm>>
      %dma_start3A_64 = tpu.memref_squeeze %dma_start3A_63 : memref<1x1x10240xi32, #tpu.memory_space<hbm>> -> memref<10240xi32, #tpu.memory_space<hbm>>
      %dma_start3A_65 = arith.constant 10240 : i32
      %dma_start3A_66 = tpu.memref_slice %arg5[%dma_start3A_65] : memref<20480xi32, #tpu.memory_space<vmem>> -> memref<10240xi32, #tpu.memory_space<vmem>>
      %dma_start3A_67 = tpu.memref_slice %arg2[%arg0, %run_scoped3A_29, %add3A_28] : memref<2x2x320000xi32, #tpu.memory_space<hbm>> -> memref<1x1x10240xi32, #tpu.memory_space<hbm>>
      %dma_start3A_68 = tpu.memref_squeeze %dma_start3A_67 : memref<1x1x10240xi32, #tpu.memory_space<hbm>> -> memref<10240xi32, #tpu.memory_space<hbm>>
      tpu.enqueue_dma source(%dma_start3A_68 : memref<10240xi32, #tpu.memory_space<hbm>>) target(%dma_start3A_66 : memref<10240xi32, #tpu.memory_space<vmem>>) target_semaphore(%run_scoped3A_61 : memref<!tpu.dma_semaphore, #tpu.memory_space<semaphore_mem>>)
      %dma_wait3A = arith.constant 10240 : i32
      %dma_wait3A_69 = tpu.memref_slice %arg5[%dma_wait3A] : memref<20480xi32, #tpu.memory_space<vmem>> -> memref<10240xi32, #tpu.memory_space<vmem>>
      %dma_wait3A_70 = tpu.memref_slice %arg2[%arg0, %run_scoped3A_29, %add3A_28] : memref<2x2x320000xi32, #tpu.memory_space<hbm>> -> memref<1x1x10240xi32, #tpu.memory_space<hbm>>
      %dma_wait3A_71 = tpu.memref_squeeze %dma_wait3A_70 : memref<1x1x10240xi32, #tpu.memory_space<hbm>> -> memref<10240xi32, #tpu.memory_space<hbm>>
      %dma_wait3A_72 = arith.constant 10240 : i32
      %dma_wait3A_73 = tpu.memref_slice %arg5[%dma_wait3A_72] : memref<20480xi32, #tpu.memory_space<vmem>> -> memref<10240xi32, #tpu.memory_space<vmem>>
      %dma_wait3A_74 = tpu.memref_slice %arg2[%arg0, %run_scoped3A_29, %add3A_28] : memref<2x2x320000xi32, #tpu.memory_space<hbm>> -> memref<1x1x10240xi32, #tpu.memory_space<hbm>>
      %dma_wait3A_75 = tpu.memref_squeeze %dma_wait3A_74 : memref<1x1x10240xi32, #tpu.memory_space<hbm>> -> memref<10240xi32, #tpu.memory_space<hbm>>
      tpu.wait_dma2 semaphore(%run_scoped3A_61 : memref<!tpu.dma_semaphore, #tpu.memory_space<semaphore_mem>>) src(%dma_wait3A_75 : memref<10240xi32, #tpu.memory_space<hbm>>) dst(%dma_wait3A_73 : memref<10240xi32, #tpu.memory_space<vmem>>)
      tpu.yield
    }) : () -> ()
    "tpu.region"() ({
      %run_scoped3A_61 = tpu.sem_alloc : memref<!tpu.dma_semaphore, #tpu.memory_space<semaphore_mem>>
      tpu.enqueue_dma source(%arg3 : memref<80xi32, #tpu.memory_space<hbm>>) target(%arg8 : memref<80xi32, #tpu.memory_space<vmem>>) target_semaphore(%run_scoped3A_61 : memref<!tpu.dma_semaphore, #tpu.memory_space<semaphore_mem>>)
      tpu.wait_dma2 semaphore(%run_scoped3A_61 : memref<!tpu.dma_semaphore, #tpu.memory_space<semaphore_mem>>) src(%arg3 : memref<80xi32, #tpu.memory_space<hbm>>) dst(%arg8 : memref<80xi32, #tpu.memory_space<vmem>>)
      tpu.yield
    }) : () -> ()
    %broadcast_in_dim3A_30 = arith.constant 1.000000e+00 : f32
    %broadcast_in_dim3A_31 = vector.broadcast %broadcast_in_dim3A_30 : f32 to vector<16xf32>
    %scan3A_32 = arith.constant 0 : i32
    %scan3A_33 = arith.constant 0 : i32
    %scan3A_34 = arith.constant 80 : i32
    %scan3A_35 = arith.addi %scan3A_33, %scan3A_34 : i32
    %scan3A_36 = arith.constant 1 : i32
    scf.for %scan3A_61 = %scan3A_33 to %scan3A_35 step %scan3A_36  : i32 {
      %mul3A_62 = arith.constant 128 : i32
      %mul3A_63 = arith.muli %scan3A_61, %mul3A_62 : i32
      %add3A_64 = arith.constant 0 : i32
      %add3A_65 = arith.addi %mul3A_63, %add3A_64 : i32
      %get3A = arith.index_cast %add3A_65 : i32 to index
      %get3A_66 = tpu.vector_load %arg5[%get3A] {strides = array<i32>} : memref<20480xi32, #tpu.memory_space<vmem>>, vector<16xi32>,
      tpu.vector_store_idx %arg6[%get3A_66], %broadcast_in_dim3A_31 {add = true} : memref<10240xf32, #tpu.memory_space<vmem>>[vector<16xi32>], vector<16xf32>,
      %mul3A_67 = arith.constant 128 : i32
      %mul3A_68 = arith.muli %scan3A_61, %mul3A_67 : i32
      %add3A_69 = arith.constant 16 : i32
      %add3A_70 = arith.addi %mul3A_68, %add3A_69 : i32
      %get3A_71 = arith.index_cast %add3A_70 : i32 to index
      %get3A_72 = tpu.vector_load %arg5[%get3A_71] {strides = array<i32>} : memref<20480xi32, #tpu.memory_space<vmem>>, vector<16xi32>,
      tpu.vector_store_idx %arg6[%get3A_72], %broadcast_in_dim3A_31 {add = true} : memref<10240xf32, #tpu.memory_space<vmem>>[vector<16xi32>], vector<16xf32>,
      %mul3A_73 = arith.constant 128 : i32
      %mul3A_74 = arith.muli %scan3A_61, %mul3A_73 : i32
      %add3A_75 = arith.constant 32 : i32
      %add3A_76 = arith.addi %mul3A_74, %add3A_75 : i32
      %get3A_77 = arith.index_cast %add3A_76 : i32 to index
      %get3A_78 = tpu.vector_load %arg5[%get3A_77] {strides = array<i32>} : memref<20480xi32, #tpu.memory_space<vmem>>, vector<16xi32>,
      tpu.vector_store_idx %arg6[%get3A_78], %broadcast_in_dim3A_31 {add = true} : memref<10240xf32, #tpu.memory_space<vmem>>[vector<16xi32>], vector<16xf32>,
      %mul3A_79 = arith.constant 128 : i32
      %mul3A_80 = arith.muli %scan3A_61, %mul3A_79 : i32
      %add3A_81 = arith.constant 48 : i32
      %add3A_82 = arith.addi %mul3A_80, %add3A_81 : i32
      %get3A_83 = arith.index_cast %add3A_82 : i32 to index
      %get3A_84 = tpu.vector_load %arg5[%get3A_83] {strides = array<i32>} : memref<20480xi32, #tpu.memory_space<vmem>>, vector<16xi32>,
      tpu.vector_store_idx %arg6[%get3A_84], %broadcast_in_dim3A_31 {add = true} : memref<10240xf32, #tpu.memory_space<vmem>>[vector<16xi32>], vector<16xf32>,
      %mul3A_85 = arith.constant 128 : i32
      %mul3A_86 = arith.muli %scan3A_61, %mul3A_85 : i32
      %add3A_87 = arith.constant 64 : i32
      %add3A_88 = arith.addi %mul3A_86, %add3A_87 : i32
      %get3A_89 = arith.index_cast %add3A_88 : i32 to index
      %get3A_90 = tpu.vector_load %arg5[%get3A_89] {strides = array<i32>} : memref<20480xi32, #tpu.memory_space<vmem>>, vector<16xi32>,
      tpu.vector_store_idx %arg6[%get3A_90], %broadcast_in_dim3A_31 {add = true} : memref<10240xf32, #tpu.memory_space<vmem>>[vector<16xi32>], vector<16xf32>,
      %mul3A_91 = arith.constant 128 : i32
      %mul3A_92 = arith.muli %scan3A_61, %mul3A_91 : i32
      %add3A_93 = arith.constant 80 : i32
      %add3A_94 = arith.addi %mul3A_92, %add3A_93 : i32
      %get3A_95 = arith.index_cast %add3A_94 : i32 to index
      %get3A_96 = tpu.vector_load %arg5[%get3A_95] {strides = array<i32>} : memref<20480xi32, #tpu.memory_space<vmem>>, vector<16xi32>,
      tpu.vector_store_idx %arg6[%get3A_96], %broadcast_in_dim3A_31 {add = true} : memref<10240xf32, #tpu.memory_space<vmem>>[vector<16xi32>], vector<16xf32>,
      %mul3A_97 = arith.constant 128 : i32
      %mul3A_98 = arith.muli %scan3A_61, %mul3A_97 : i32
      %add3A_99 = arith.constant 96 : i32
      %add3A_100 = arith.addi %mul3A_98, %add3A_99 : i32
      %get3A_101 = arith.index_cast %add3A_100 : i32 to index
      %get3A_102 = tpu.vector_load %arg5[%get3A_101] {strides = array<i32>} : memref<20480xi32, #tpu.memory_space<vmem>>, vector<16xi32>,
      tpu.vector_store_idx %arg6[%get3A_102], %broadcast_in_dim3A_31 {add = true} : memref<10240xf32, #tpu.memory_space<vmem>>[vector<16xi32>], vector<16xf32>,
      %mul3A_103 = arith.constant 128 : i32
      %mul3A_104 = arith.muli %scan3A_61, %mul3A_103 : i32
      %add3A_105 = arith.constant 112 : i32
      %add3A_106 = arith.addi %mul3A_104, %add3A_105 : i32
      %get3A_107 = arith.index_cast %add3A_106 : i32 to index
      %get3A_108 = tpu.vector_load %arg5[%get3A_107] {strides = array<i32>} : memref<20480xi32, #tpu.memory_space<vmem>>, vector<16xi32>,
      tpu.vector_store_idx %arg6[%get3A_108], %broadcast_in_dim3A_31 {add = true} : memref<10240xf32, #tpu.memory_space<vmem>>[vector<16xi32>], vector<16xf32>,
    }
    %scan3A_37 = arith.constant 80 : i32
    %sub3A_38 = arith.constant 160 : i32
    %sub3A_39 = arith.subi %sub3A_38, %add3A_24 : i32
    %while3A = arith.constant 0 : i32
    %while3A_40 = arith.constant 80 : i32
    %while3A_41 = arith.subi %while3A_40, %sub3A_39 : i32
    %while3A_42 = arith.addi %sub3A_39, %while3A_41 : i32
    %while3A_43 = arith.constant 1 : i32
    %while3A_44 = arith.divsi %while3A_41, %while3A_43 : i32
    %while3A_45 = arith.muli %while3A_44, %while3A_43 : i32
    %while3A_46 = arith.addi %sub3A_39, %while3A_45 : i32
    %while3A_47 = arith.constant 1 : i32
    scf.for %while3A_61 = %sub3A_39 to %while3A_46 step %while3A_47  : i32 {
      %mul3A_62 = arith.constant 128 : i32
      %mul3A_63 = arith.muli %while3A_61, %mul3A_62 : i32
      %add3A_64 = arith.constant 10240 : i32
      %add3A_65 = arith.addi %add3A_64, %mul3A_63 : i32
      %add3A_66 = arith.constant 0 : i32
      %add3A_67 = arith.addi %add3A_65, %add3A_66 : i32
      %get3A = arith.index_cast %add3A_67 : i32 to index
      %get3A_68 = tpu.vector_load %arg5[%get3A] {strides = array<i32>} : memref<20480xi32, #tpu.memory_space<vmem>>, vector<16xi32>,
      tpu.vector_store_idx %arg6[%get3A_68], %broadcast_in_dim3A_31 {add = true} : memref<10240xf32, #tpu.memory_space<vmem>>[vector<16xi32>], vector<16xf32>,
      %mul3A_69 = arith.constant 128 : i32
      %mul3A_70 = arith.muli %while3A_61, %mul3A_69 : i32
      %add3A_71 = arith.constant 10240 : i32
      %add3A_72 = arith.addi %add3A_71, %mul3A_70 : i32
      %add3A_73 = arith.constant 16 : i32
      %add3A_74 = arith.addi %add3A_72, %add3A_73 : i32
      %get3A_75 = arith.index_cast %add3A_74 : i32 to index
      %get3A_76 = tpu.vector_load %arg5[%get3A_75] {strides = array<i32>} : memref<20480xi32, #tpu.memory_space<vmem>>, vector<16xi32>,
      tpu.vector_store_idx %arg6[%get3A_76], %broadcast_in_dim3A_31 {add = true} : memref<10240xf32, #tpu.memory_space<vmem>>[vector<16xi32>], vector<16xf32>,
      %mul3A_77 = arith.constant 128 : i32
      %mul3A_78 = arith.muli %while3A_61, %mul3A_77 : i32
      %add3A_79 = arith.constant 10240 : i32
      %add3A_80 = arith.addi %add3A_79, %mul3A_78 : i32
      %add3A_81 = arith.constant 32 : i32
      %add3A_82 = arith.addi %add3A_80, %add3A_81 : i32
      %get3A_83 = arith.index_cast %add3A_82 : i32 to index
      %get3A_84 = tpu.vector_load %arg5[%get3A_83] {strides = array<i32>} : memref<20480xi32, #tpu.memory_space<vmem>>, vector<16xi32>,
      tpu.vector_store_idx %arg6[%get3A_84], %broadcast_in_dim3A_31 {add = true} : memref<10240xf32, #tpu.memory_space<vmem>>[vector<16xi32>], vector<16xf32>,
      %mul3A_85 = arith.constant 128 : i32
      %mul3A_86 = arith.muli %while3A_61, %mul3A_85 : i32
      %add3A_87 = arith.constant 10240 : i32
      %add3A_88 = arith.addi %add3A_87, %mul3A_86 : i32
      %add3A_89 = arith.constant 48 : i32
      %add3A_90 = arith.addi %add3A_88, %add3A_89 : i32
      %get3A_91 = arith.index_cast %add3A_90 : i32 to index
      %get3A_92 = tpu.vector_load %arg5[%get3A_91] {strides = array<i32>} : memref<20480xi32, #tpu.memory_space<vmem>>, vector<16xi32>,
      tpu.vector_store_idx %arg6[%get3A_92], %broadcast_in_dim3A_31 {add = true} : memref<10240xf32, #tpu.memory_space<vmem>>[vector<16xi32>], vector<16xf32>,
      %mul3A_93 = arith.constant 128 : i32
      %mul3A_94 = arith.muli %while3A_61, %mul3A_93 : i32
      %add3A_95 = arith.constant 10240 : i32
      %add3A_96 = arith.addi %add3A_95, %mul3A_94 : i32
      %add3A_97 = arith.constant 64 : i32
      %add3A_98 = arith.addi %add3A_96, %add3A_97 : i32
      %get3A_99 = arith.index_cast %add3A_98 : i32 to index
      %get3A_100 = tpu.vector_load %arg5[%get3A_99] {strides = array<i32>} : memref<20480xi32, #tpu.memory_space<vmem>>, vector<16xi32>,
      tpu.vector_store_idx %arg6[%get3A_100], %broadcast_in_dim3A_31 {add = true} : memref<10240xf32, #tpu.memory_space<vmem>>[vector<16xi32>], vector<16xf32>,
      %mul3A_101 = arith.constant 128 : i32
      %mul3A_102 = arith.muli %while3A_61, %mul3A_101 : i32
      %add3A_103 = arith.constant 10240 : i32
      %add3A_104 = arith.addi %add3A_103, %mul3A_102 : i32
      %add3A_105 = arith.constant 80 : i32
      %add3A_106 = arith.addi %add3A_104, %add3A_105 : i32
      %get3A_107 = arith.index_cast %add3A_106 : i32 to index
      %get3A_108 = tpu.vector_load %arg5[%get3A_107] {strides = array<i32>} : memref<20480xi32, #tpu.memory_space<vmem>>, vector<16xi32>,
      tpu.vector_store_idx %arg6[%get3A_108], %broadcast_in_dim3A_31 {add = true} : memref<10240xf32, #tpu.memory_space<vmem>>[vector<16xi32>], vector<16xf32>,
      %mul3A_109 = arith.constant 128 : i32
      %mul3A_110 = arith.muli %while3A_61, %mul3A_109 : i32
      %add3A_111 = arith.constant 10240 : i32
      %add3A_112 = arith.addi %add3A_111, %mul3A_110 : i32
      %add3A_113 = arith.constant 96 : i32
      %add3A_114 = arith.addi %add3A_112, %add3A_113 : i32
      %get3A_115 = arith.index_cast %add3A_114 : i32 to index
      %get3A_116 = tpu.vector_load %arg5[%get3A_115] {strides = array<i32>} : memref<20480xi32, #tpu.memory_space<vmem>>, vector<16xi32>,
      tpu.vector_store_idx %arg6[%get3A_116], %broadcast_in_dim3A_31 {add = true} : memref<10240xf32, #tpu.memory_space<vmem>>[vector<16xi32>], vector<16xf32>,
      %mul3A_117 = arith.constant 128 : i32
      %mul3A_118 = arith.muli %while3A_61, %mul3A_117 : i32
      %add3A_119 = arith.constant 10240 : i32
      %add3A_120 = arith.addi %add3A_119, %mul3A_118 : i32
      %add3A_121 = arith.constant 112 : i32
      %add3A_122 = arith.addi %add3A_120, %add3A_121 : i32
      %get3A_123 = arith.index_cast %add3A_122 : i32 to index
      %get3A_124 = tpu.vector_load %arg5[%get3A_123] {strides = array<i32>} : memref<20480xi32, #tpu.memory_space<vmem>>, vector<16xi32>,
      tpu.vector_store_idx %arg6[%get3A_124], %broadcast_in_dim3A_31 {add = true} : memref<10240xf32, #tpu.memory_space<vmem>>[vector<16xi32>], vector<16xf32>,
    }
    %while3A_48 = arith.constant 1 : i32
    scf.for %while3A_61 = %while3A_46 to %while3A_42 step %while3A_48  : i32 {
      %mul3A_62 = arith.constant 128 : i32
      %mul3A_63 = arith.muli %while3A_61, %mul3A_62 : i32
      %add3A_64 = arith.constant 10240 : i32
      %add3A_65 = arith.addi %add3A_64, %mul3A_63 : i32
      %add3A_66 = arith.constant 0 : i32
      %add3A_67 = arith.addi %add3A_65, %add3A_66 : i32
      %get3A = arith.index_cast %add3A_67 : i32 to index
      %get3A_68 = tpu.vector_load %arg5[%get3A] {strides = array<i32>} : memref<20480xi32, #tpu.memory_space<vmem>>, vector<16xi32>,
      tpu.vector_store_idx %arg6[%get3A_68], %broadcast_in_dim3A_31 {add = true} : memref<10240xf32, #tpu.memory_space<vmem>>[vector<16xi32>], vector<16xf32>,
      %mul3A_69 = arith.constant 128 : i32
      %mul3A_70 = arith.muli %while3A_61, %mul3A_69 : i32
      %add3A_71 = arith.constant 10240 : i32
      %add3A_72 = arith.addi %add3A_71, %mul3A_70 : i32
      %add3A_73 = arith.constant 16 : i32
      %add3A_74 = arith.addi %add3A_72, %add3A_73 : i32
      %get3A_75 = arith.index_cast %add3A_74 : i32 to index
      %get3A_76 = tpu.vector_load %arg5[%get3A_75] {strides = array<i32>} : memref<20480xi32, #tpu.memory_space<vmem>>, vector<16xi32>,
      tpu.vector_store_idx %arg6[%get3A_76], %broadcast_in_dim3A_31 {add = true} : memref<10240xf32, #tpu.memory_space<vmem>>[vector<16xi32>], vector<16xf32>,
      %mul3A_77 = arith.constant 128 : i32
      %mul3A_78 = arith.muli %while3A_61, %mul3A_77 : i32
      %add3A_79 = arith.constant 10240 : i32
      %add3A_80 = arith.addi %add3A_79, %mul3A_78 : i32
      %add3A_81 = arith.constant 32 : i32
      %add3A_82 = arith.addi %add3A_80, %add3A_81 : i32
      %get3A_83 = arith.index_cast %add3A_82 : i32 to index
      %get3A_84 = tpu.vector_load %arg5[%get3A_83] {strides = array<i32>} : memref<20480xi32, #tpu.memory_space<vmem>>, vector<16xi32>,
      tpu.vector_store_idx %arg6[%get3A_84], %broadcast_in_dim3A_31 {add = true} : memref<10240xf32, #tpu.memory_space<vmem>>[vector<16xi32>], vector<16xf32>,
      %mul3A_85 = arith.constant 128 : i32
      %mul3A_86 = arith.muli %while3A_61, %mul3A_85 : i32
      %add3A_87 = arith.constant 10240 : i32
      %add3A_88 = arith.addi %add3A_87, %mul3A_86 : i32
      %add3A_89 = arith.constant 48 : i32
      %add3A_90 = arith.addi %add3A_88, %add3A_89 : i32
      %get3A_91 = arith.index_cast %add3A_90 : i32 to index
      %get3A_92 = tpu.vector_load %arg5[%get3A_91] {strides = array<i32>} : memref<20480xi32, #tpu.memory_space<vmem>>, vector<16xi32>,
      tpu.vector_store_idx %arg6[%get3A_92], %broadcast_in_dim3A_31 {add = true} : memref<10240xf32, #tpu.memory_space<vmem>>[vector<16xi32>], vector<16xf32>,
      %mul3A_93 = arith.constant 128 : i32
      %mul3A_94 = arith.muli %while3A_61, %mul3A_93 : i32
      %add3A_95 = arith.constant 10240 : i32
      %add3A_96 = arith.addi %add3A_95, %mul3A_94 : i32
      %add3A_97 = arith.constant 64 : i32
      %add3A_98 = arith.addi %add3A_96, %add3A_97 : i32
      %get3A_99 = arith.index_cast %add3A_98 : i32 to index
      %get3A_100 = tpu.vector_load %arg5[%get3A_99] {strides = array<i32>} : memref<20480xi32, #tpu.memory_space<vmem>>, vector<16xi32>,
      tpu.vector_store_idx %arg6[%get3A_100], %broadcast_in_dim3A_31 {add = true} : memref<10240xf32, #tpu.memory_space<vmem>>[vector<16xi32>], vector<16xf32>,
      %mul3A_101 = arith.constant 128 : i32
      %mul3A_102 = arith.muli %while3A_61, %mul3A_101 : i32
      %add3A_103 = arith.constant 10240 : i32
      %add3A_104 = arith.addi %add3A_103, %mul3A_102 : i32
      %add3A_105 = arith.constant 80 : i32
      %add3A_106 = arith.addi %add3A_104, %add3A_105 : i32
      %get3A_107 = arith.index_cast %add3A_106 : i32 to index
      %get3A_108 = tpu.vector_load %arg5[%get3A_107] {strides = array<i32>} : memref<20480xi32, #tpu.memory_space<vmem>>, vector<16xi32>,
      tpu.vector_store_idx %arg6[%get3A_108], %broadcast_in_dim3A_31 {add = true} : memref<10240xf32, #tpu.memory_space<vmem>>[vector<16xi32>], vector<16xf32>,
      %mul3A_109 = arith.constant 128 : i32
      %mul3A_110 = arith.muli %while3A_61, %mul3A_109 : i32
      %add3A_111 = arith.constant 10240 : i32
      %add3A_112 = arith.addi %add3A_111, %mul3A_110 : i32
      %add3A_113 = arith.constant 96 : i32
      %add3A_114 = arith.addi %add3A_112, %add3A_113 : i32
      %get3A_115 = arith.index_cast %add3A_114 : i32 to index
      %get3A_116 = tpu.vector_load %arg5[%get3A_115] {strides = array<i32>} : memref<20480xi32, #tpu.memory_space<vmem>>, vector<16xi32>,
      tpu.vector_store_idx %arg6[%get3A_116], %broadcast_in_dim3A_31 {add = true} : memref<10240xf32, #tpu.memory_space<vmem>>[vector<16xi32>], vector<16xf32>,
      %mul3A_117 = arith.constant 128 : i32
      %mul3A_118 = arith.muli %while3A_61, %mul3A_117 : i32
      %add3A_119 = arith.constant 10240 : i32
      %add3A_120 = arith.addi %add3A_119, %mul3A_118 : i32
      %add3A_121 = arith.constant 112 : i32
      %add3A_122 = arith.addi %add3A_120, %add3A_121 : i32
      %get3A_123 = arith.index_cast %add3A_122 : i32 to index
      %get3A_124 = tpu.vector_load %arg5[%get3A_123] {strides = array<i32>} : memref<20480xi32, #tpu.memory_space<vmem>>, vector<16xi32>,
      tpu.vector_store_idx %arg6[%get3A_124], %broadcast_in_dim3A_31 {add = true} : memref<10240xf32, #tpu.memory_space<vmem>>[vector<16xi32>], vector<16xf32>,
    }
    %scan3A_49 = arith.constant 0 : i32
    %scan3A_50 = arith.constant 0 : i32
    %scan3A_51 = arith.constant 80 : i32
    %scan3A_52 = arith.addi %scan3A_50, %scan3A_51 : i32
    %scan3A_53 = arith.constant 1 : i32
    scf.for %scan3A_61 = %scan3A_50 to %scan3A_52 step %scan3A_53  : i32 {
      %mul3A_62 = arith.constant 128 : i32
      %mul3A_63 = arith.muli %scan3A_61, %mul3A_62 : i32
      %add3A_64 = arith.constant 0 : i32
      %add3A_65 = arith.addi %mul3A_63, %add3A_64 : i32
      %get3A = arith.index_cast %add3A_65 : i32 to index
      %get3A_66 = tpu.vector_load %arg6[%get3A] {strides = array<i32>} : memref<10240xf32, #tpu.memory_space<vmem>>, vector<16xf32>,
      %swap3A = arith.index_cast %scan3A_61 : i32 to index
      %swap3A_67 = arith.constant 0 : index
      %swap3A_68 = tpu.vector_load %arg7[%swap3A, %swap3A_67] {strides = array<i32>} : memref<80x128xf32, #tpu.memory_space<vmem>>, vector<16xf32>,
      tpu.vector_store %arg7[%swap3A, %swap3A_67], %get3A_66 {strides = array<i32>} : memref<80x128xf32, #tpu.memory_space<vmem>>, vector<16xf32>,
      %mul3A_69 = arith.constant 128 : i32
      %mul3A_70 = arith.muli %scan3A_61, %mul3A_69 : i32
      %add3A_71 = arith.constant 16 : i32
      %add3A_72 = arith.addi %mul3A_70, %add3A_71 : i32
      %get3A_73 = arith.index_cast %add3A_72 : i32 to index
      %get3A_74 = tpu.vector_load %arg6[%get3A_73] {strides = array<i32>} : memref<10240xf32, #tpu.memory_space<vmem>>, vector<16xf32>,
      %swap3A_75 = arith.index_cast %scan3A_61 : i32 to index
      %swap3A_76 = arith.constant 16 : index
      %swap3A_77 = tpu.vector_load %arg7[%swap3A_75, %swap3A_76] {strides = array<i32>} : memref<80x128xf32, #tpu.memory_space<vmem>>, vector<16xf32>,
      tpu.vector_store %arg7[%swap3A_75, %swap3A_76], %get3A_74 {strides = array<i32>} : memref<80x128xf32, #tpu.memory_space<vmem>>, vector<16xf32>,
      %mul3A_78 = arith.constant 128 : i32
      %mul3A_79 = arith.muli %scan3A_61, %mul3A_78 : i32
      %add3A_80 = arith.constant 32 : i32
      %add3A_81 = arith.addi %mul3A_79, %add3A_80 : i32
      %get3A_82 = arith.index_cast %add3A_81 : i32 to index
      %get3A_83 = tpu.vector_load %arg6[%get3A_82] {strides = array<i32>} : memref<10240xf32, #tpu.memory_space<vmem>>, vector<16xf32>,
      %swap3A_84 = arith.index_cast %scan3A_61 : i32 to index
      %swap3A_85 = arith.constant 32 : index
      %swap3A_86 = tpu.vector_load %arg7[%swap3A_84, %swap3A_85] {strides = array<i32>} : memref<80x128xf32, #tpu.memory_space<vmem>>, vector<16xf32>,
      tpu.vector_store %arg7[%swap3A_84, %swap3A_85], %get3A_83 {strides = array<i32>} : memref<80x128xf32, #tpu.memory_space<vmem>>, vector<16xf32>,
      %mul3A_87 = arith.constant 128 : i32
      %mul3A_88 = arith.muli %scan3A_61, %mul3A_87 : i32
      %add3A_89 = arith.constant 48 : i32
      %add3A_90 = arith.addi %mul3A_88, %add3A_89 : i32
      %get3A_91 = arith.index_cast %add3A_90 : i32 to index
      %get3A_92 = tpu.vector_load %arg6[%get3A_91] {strides = array<i32>} : memref<10240xf32, #tpu.memory_space<vmem>>, vector<16xf32>,
      %swap3A_93 = arith.index_cast %scan3A_61 : i32 to index
      %swap3A_94 = arith.constant 48 : index
      %swap3A_95 = tpu.vector_load %arg7[%swap3A_93, %swap3A_94] {strides = array<i32>} : memref<80x128xf32, #tpu.memory_space<vmem>>, vector<16xf32>,
      tpu.vector_store %arg7[%swap3A_93, %swap3A_94], %get3A_92 {strides = array<i32>} : memref<80x128xf32, #tpu.memory_space<vmem>>, vector<16xf32>,
      %mul3A_96 = arith.constant 128 : i32
      %mul3A_97 = arith.muli %scan3A_61, %mul3A_96 : i32
      %add3A_98 = arith.constant 64 : i32
      %add3A_99 = arith.addi %mul3A_97, %add3A_98 : i32
      %get3A_100 = arith.index_cast %add3A_99 : i32 to index
      %get3A_101 = tpu.vector_load %arg6[%get3A_100] {strides = array<i32>} : memref<10240xf32, #tpu.memory_space<vmem>>, vector<16xf32>,
      %swap3A_102 = arith.index_cast %scan3A_61 : i32 to index
      %swap3A_103 = arith.constant 64 : index
      %swap3A_104 = tpu.vector_load %arg7[%swap3A_102, %swap3A_103] {strides = array<i32>} : memref<80x128xf32, #tpu.memory_space<vmem>>, vector<16xf32>,
      tpu.vector_store %arg7[%swap3A_102, %swap3A_103], %get3A_101 {strides = array<i32>} : memref<80x128xf32, #tpu.memory_space<vmem>>, vector<16xf32>,
      %mul3A_105 = arith.constant 128 : i32
      %mul3A_106 = arith.muli %scan3A_61, %mul3A_105 : i32
      %add3A_107 = arith.constant 80 : i32
      %add3A_108 = arith.addi %mul3A_106, %add3A_107 : i32
      %get3A_109 = arith.index_cast %add3A_108 : i32 to index
      %get3A_110 = tpu.vector_load %arg6[%get3A_109] {strides = array<i32>} : memref<10240xf32, #tpu.memory_space<vmem>>, vector<16xf32>,
      %swap3A_111 = arith.index_cast %scan3A_61 : i32 to index
      %swap3A_112 = arith.constant 80 : index
      %swap3A_113 = tpu.vector_load %arg7[%swap3A_111, %swap3A_112] {strides = array<i32>} : memref<80x128xf32, #tpu.memory_space<vmem>>, vector<16xf32>,
      tpu.vector_store %arg7[%swap3A_111, %swap3A_112], %get3A_110 {strides = array<i32>} : memref<80x128xf32, #tpu.memory_space<vmem>>, vector<16xf32>,
      %mul3A_114 = arith.constant 128 : i32
      %mul3A_115 = arith.muli %scan3A_61, %mul3A_114 : i32
      %add3A_116 = arith.constant 96 : i32
      %add3A_117 = arith.addi %mul3A_115, %add3A_116 : i32
      %get3A_118 = arith.index_cast %add3A_117 : i32 to index
      %get3A_119 = tpu.vector_load %arg6[%get3A_118] {strides = array<i32>} : memref<10240xf32, #tpu.memory_space<vmem>>, vector<16xf32>,
      %swap3A_120 = arith.index_cast %scan3A_61 : i32 to index
      %swap3A_121 = arith.constant 96 : index
      %swap3A_122 = tpu.vector_load %arg7[%swap3A_120, %swap3A_121] {strides = array<i32>} : memref<80x128xf32, #tpu.memory_space<vmem>>, vector<16xf32>,
      tpu.vector_store %arg7[%swap3A_120, %swap3A_121], %get3A_119 {strides = array<i32>} : memref<80x128xf32, #tpu.memory_space<vmem>>, vector<16xf32>,
      %mul3A_123 = arith.constant 128 : i32
      %mul3A_124 = arith.muli %scan3A_61, %mul3A_123 : i32
      %add3A_125 = arith.constant 112 : i32
      %add3A_126 = arith.addi %mul3A_124, %add3A_125 : i32
      %get3A_127 = arith.index_cast %add3A_126 : i32 to index
      %get3A_128 = tpu.vector_load %arg6[%get3A_127] {strides = array<i32>} : memref<10240xf32, #tpu.memory_space<vmem>>, vector<16xf32>,
      %swap3A_129 = arith.index_cast %scan3A_61 : i32 to index
      %swap3A_130 = arith.constant 112 : index
      %swap3A_131 = tpu.vector_load %arg7[%swap3A_129, %swap3A_130] {strides = array<i32>} : memref<80x128xf32, #tpu.memory_space<vmem>>, vector<16xf32>,
      tpu.vector_store %arg7[%swap3A_129, %swap3A_130], %get3A_128 {strides = array<i32>} : memref<80x128xf32, #tpu.memory_space<vmem>>, vector<16xf32>,
    }
    %scan3A_54 = arith.constant 80 : i32
    "tpu.region"() ({
      %run_scoped3A_61 = tpu.sem_alloc : memref<!tpu.dma_semaphore, #tpu.memory_space<semaphore_mem>>
      %dma_start3A = arith.constant 0 : i32
      %dma_start3A_62 = arith.constant 0 : i32
      %dma_start3A_63 = tpu.memref_slice %arg9[%dma_start3A, %dma_start3A_62] : memref<80x128xf32, #tpu.memory_space<vmem_shared>> -> memref<80x128xf32, #tpu.memory_space<vmem_shared>>
      tpu.enqueue_indirect_dma source(%arg7 : memref<80x128xf32, #tpu.memory_space<vmem>>) target(%dma_start3A_63 : memref<80x128xf32, #tpu.memory_space<vmem_shared>>) offsets(%arg8 : memref<80xi32, #tpu.memory_space<vmem>>) semaphore(%run_scoped3A_61 : memref<!tpu.dma_semaphore, #tpu.memory_space<semaphore_mem>>) {add = true}
      %dma_wait3A = arith.constant 0 : i32
      %dma_wait3A_64 = arith.constant 0 : i32
      %dma_wait3A_65 = tpu.memref_slice %arg9[%dma_wait3A, %dma_wait3A_64] : memref<80x128xf32, #tpu.memory_space<vmem_shared>> -> memref<80x128xf32, #tpu.memory_space<vmem_shared>>
      tpu.wait_indirect_dma semaphore(%run_scoped3A_61 : memref<!tpu.dma_semaphore, #tpu.memory_space<semaphore_mem>>) src(%arg7 : memref<80x128xf32, #tpu.memory_space<vmem>>) dst(%dma_wait3A_65 : memref<80x128xf32, #tpu.memory_space<vmem_shared>>)
      tpu.yield
    }) : () -> ()
    %barrier3A_55 = arith.constant 0 : index
    tpu.barrier barrier_id(%barrier3A_55)
    %lt3A_56 = arith.constant 10 : i32
    %lt3A_57 = arith.cmpi slt, %arg1, %lt3A_56 : i32
    %convert_element_type3A_58 = arith.extui %lt3A_57 : i1 to i32
    %cond3A_59 = arith.constant 0 : i32
    %cond3A_60 = arith.cmpi ne, %convert_element_type3A_58, %cond3A_59 : i32
    scf.if %cond3A_60 {
      %mul3A_61 = arith.constant 8 : i32
      %mul3A_62 = arith.muli %arg1, %mul3A_61 : i32
      %mul3A_63 = arith.constant 8 : i32
      %mul3A_64 = arith.muli %arg1, %mul3A_63 : i32
      "tpu.region"() ({
        %run_scoped3A_65 = tpu.sem_alloc : memref<!tpu.dma_semaphore, #tpu.memory_space<semaphore_mem>>
        %dma_start3A = arith.constant 0 : i32
        %dma_start3A_66 = tpu.memref_slice %arg4[%arg0, %mul3A_64, %dma_start3A] : memref<2x80x128xf32, #tpu.memory_space<hbm>> -> memref<1x8x128xf32, #tpu.memory_space<hbm>>
        %dma_start3A_67 = tpu.memref_squeeze %dma_start3A_66 : memref<1x8x128xf32, #tpu.memory_space<hbm>> -> memref<8x128xf32, #tpu.memory_space<hbm>>
        %dma_start3A_68 = arith.constant 0 : i32
        %dma_start3A_69 = tpu.memref_slice %arg9[%mul3A_62, %dma_start3A_68] : memref<80x128xf32, #tpu.memory_space<vmem_shared>> -> memref<8x128xf32, #tpu.memory_space<vmem_shared>>
        tpu.enqueue_dma source(%dma_start3A_69 : memref<8x128xf32, #tpu.memory_space<vmem_shared>>) target(%dma_start3A_67 : memref<8x128xf32, #tpu.memory_space<hbm>>) target_semaphore(%run_scoped3A_65 : memref<!tpu.dma_semaphore, #tpu.memory_space<semaphore_mem>>)
        %dma_wait3A = arith.constant 0 : i32
        %dma_wait3A_70 = tpu.memref_slice %arg4[%arg0, %mul3A_64, %dma_wait3A] : memref<2x80x128xf32, #tpu.memory_space<hbm>> -> memref<1x8x128xf32, #tpu.memory_space<hbm>>
        %dma_wait3A_71 = tpu.memref_squeeze %dma_wait3A_70 : memref<1x8x128xf32, #tpu.memory_space<hbm>> -> memref<8x128xf32, #tpu.memory_space<hbm>>
        %dma_wait3A_72 = arith.constant 0 : i32
        %dma_wait3A_73 = tpu.memref_slice %arg9[%mul3A_62, %dma_wait3A_72] : memref<80x128xf32, #tpu.memory_space<vmem_shared>> -> memref<8x128xf32, #tpu.memory_space<vmem_shared>>
        tpu.wait_dma2 semaphore(%run_scoped3A_65 : memref<!tpu.dma_semaphore, #tpu.memory_space<semaphore_mem>>) src(%dma_wait3A_73 : memref<8x128xf32, #tpu.memory_space<vmem_shared>>) dst(%dma_wait3A_71 : memref<8x128xf32, #tpu.memory_space<hbm>>)
        tpu.yield
      }) : () -> ()
    } else {
    }
    return
  }
}

#map = affine_map<(d0, d1) -> (0, 0)>
#map1 = affine_map<(d0, d1) -> (0, 0, 0)>
module attributes {stable_mosaic.version = 14 : i64} {
  func.func @_scatter_body(%arg0: i32, %arg1: i32, %arg2: memref<20480x128xf32, #tpu.memory_space<hbm>>, %arg3: memref<2x2x320000xi32, #tpu.memory_space<hbm>>, %arg4: memref<2x10240x128xf32, #tpu.memory_space<hbm>>, %arg5: memref<5120xi32, #tpu.memory_space<vmem>>, %arg6: memref<5120xi32, #tpu.memory_space<vmem>>, %arg7: memref<128x128xf32, #tpu.memory_space<vmem>>, %arg8: memref<128x128xf32, #tpu.memory_space<vmem>>, %arg9: memref<10240x128xf32, #tpu.memory_space<vmem_shared>>, %arg10: memref<!tpu.dma_semaphore, #tpu.memory_space<semaphore_mem>>, %arg11: memref<!tpu.dma_semaphore, #tpu.memory_space<semaphore_mem>>) attributes {dimension_semantics = [#tpu.dimension_semantics<core_parallel>, #tpu.dimension_semantics<subcore_parallel>], iteration_bounds = array<i64: 2, 16>, scalar_prefetch = 0 : i64, scratch_operands = 7 : i64, tpu.core_type = #tpu.core_type<sc_vector_subcore>, window_params = [{transform_indices = #map}, {transform_indices = #map1}, {transform_indices = #map1}]} {
    %mul3A = arith.constant 10240 : i32
    %mul3A_0 = arith.muli %arg0, %mul3A : i32
    %mul3A_1 = arith.constant 640 : i32
    %mul3A_2 = arith.muli %arg1, %mul3A_1 : i32
    %add3A = arith.addi %mul3A_0, %mul3A_2 : i32
    %mul3A_3 = arith.constant 640 : i32
    %mul3A_4 = arith.muli %arg1, %mul3A_3 : i32
    "tpu.region"() ({
      %run_scoped3A_129 = tpu.sem_alloc : memref<!tpu.dma_semaphore, #tpu.memory_space<semaphore_mem>>
      %dma_start3A_130 = arith.constant 0 : i32
      %dma_start3A_131 = tpu.memref_slice %arg9[%mul3A_4, %dma_start3A_130] : memref<10240x128xf32, #tpu.memory_space<vmem_shared>> -> memref<640x128xf32, #tpu.memory_space<vmem_shared>>
      %dma_start3A_132 = arith.constant 0 : i32
      %dma_start3A_133 = tpu.memref_slice %arg2[%add3A, %dma_start3A_132] : memref<20480x128xf32, #tpu.memory_space<hbm>> -> memref<640x128xf32, #tpu.memory_space<hbm>>
      tpu.enqueue_dma source(%dma_start3A_133 : memref<640x128xf32, #tpu.memory_space<hbm>>) target(%dma_start3A_131 : memref<640x128xf32, #tpu.memory_space<vmem_shared>>) target_semaphore(%run_scoped3A_129 : memref<!tpu.dma_semaphore, #tpu.memory_space<semaphore_mem>>)
      %dma_wait3A = arith.constant 0 : i32
      %dma_wait3A_134 = tpu.memref_slice %arg9[%mul3A_4, %dma_wait3A] : memref<10240x128xf32, #tpu.memory_space<vmem_shared>> -> memref<640x128xf32, #tpu.memory_space<vmem_shared>>
      %dma_wait3A_135 = arith.constant 0 : i32
      %dma_wait3A_136 = tpu.memref_slice %arg2[%add3A, %dma_wait3A_135] : memref<20480x128xf32, #tpu.memory_space<hbm>> -> memref<640x128xf32, #tpu.memory_space<hbm>>
      tpu.wait_dma2 semaphore(%run_scoped3A_129 : memref<!tpu.dma_semaphore, #tpu.memory_space<semaphore_mem>>) src(%dma_wait3A_136 : memref<640x128xf32, #tpu.memory_space<hbm>>) dst(%dma_wait3A_134 : memref<640x128xf32, #tpu.memory_space<vmem_shared>>)
      tpu.yield
    }) : () -> ()
    %barrier3A = arith.constant 0 : index
    tpu.barrier barrier_id(%barrier3A)
    %mul3A_5 = arith.constant 156 : i32
    %mul3A_6 = arith.muli %arg1, %mul3A_5 : i32
    %min3A = arith.constant 4 : i32
    %min3A_7 = arith.minsi %arg1, %min3A : i32
    %add3A_8 = arith.addi %mul3A_6, %min3A_7 : i32
    %mul3A_9 = arith.constant 128 : i32
    %mul3A_10 = arith.muli %add3A_8, %mul3A_9 : i32
    %lt3A = arith.constant 4 : i32
    %lt3A_11 = arith.cmpi slt, %arg1, %lt3A : i32
    %jit3A = arith.constant 1 : i32
    %jit3A_12 = arith.constant 0 : i32
    %select_n3A = arith.select %lt3A_11, %jit3A, %jit3A_12 : i32
    %add3A_13 = arith.constant 156 : i32
    %add3A_14 = arith.addi %add3A_13, %select_n3A : i32
    %add3A_15 = arith.constant 0 : i32
    %add3A_16 = arith.addi %mul3A_10, %add3A_15 : i32
    %run_scoped3A = arith.constant 0 : i32
    "tpu.region"() ({
      %run_scoped3A_129 = tpu.sem_alloc : memref<!tpu.dma_semaphore, #tpu.memory_space<semaphore_mem>>
      %dma_start3A_130 = tpu.memref_slice %arg3[%arg0, %run_scoped3A, %add3A_16] : memref<2x2x320000xi32, #tpu.memory_space<hbm>> -> memref<1x1x5120xi32, #tpu.memory_space<hbm>>
      %dma_start3A_131 = tpu.memref_squeeze %dma_start3A_130 : memref<1x1x5120xi32, #tpu.memory_space<hbm>> -> memref<5120xi32, #tpu.memory_space<hbm>>
      %dma_start3A_132 = tpu.memref_slice %arg3[%arg0, %run_scoped3A, %add3A_16] : memref<2x2x320000xi32, #tpu.memory_space<hbm>> -> memref<1x1x5120xi32, #tpu.memory_space<hbm>>
      %dma_start3A_133 = tpu.memref_squeeze %dma_start3A_132 : memref<1x1x5120xi32, #tpu.memory_space<hbm>> -> memref<5120xi32, #tpu.memory_space<hbm>>
      tpu.enqueue_dma source(%dma_start3A_133 : memref<5120xi32, #tpu.memory_space<hbm>>) target(%arg5 : memref<5120xi32, #tpu.memory_space<vmem>>) target_semaphore(%run_scoped3A_129 : memref<!tpu.dma_semaphore, #tpu.memory_space<semaphore_mem>>)
      %dma_wait3A = tpu.memref_slice %arg3[%arg0, %run_scoped3A, %add3A_16] : memref<2x2x320000xi32, #tpu.memory_space<hbm>> -> memref<1x1x5120xi32, #tpu.memory_space<hbm>>
      %dma_wait3A_134 = tpu.memref_squeeze %dma_wait3A : memref<1x1x5120xi32, #tpu.memory_space<hbm>> -> memref<5120xi32, #tpu.memory_space<hbm>>
      %dma_wait3A_135 = tpu.memref_slice %arg3[%arg0, %run_scoped3A, %add3A_16] : memref<2x2x320000xi32, #tpu.memory_space<hbm>> -> memref<1x1x5120xi32, #tpu.memory_space<hbm>>
      %dma_wait3A_136 = tpu.memref_squeeze %dma_wait3A_135 : memref<1x1x5120xi32, #tpu.memory_space<hbm>> -> memref<5120xi32, #tpu.memory_space<hbm>>
      tpu.wait_dma2 semaphore(%run_scoped3A_129 : memref<!tpu.dma_semaphore, #tpu.memory_space<semaphore_mem>>) src(%dma_wait3A_136 : memref<5120xi32, #tpu.memory_space<hbm>>) dst(%arg5 : memref<5120xi32, #tpu.memory_space<vmem>>)
      tpu.yield
    }) : () -> ()
    %run_scoped3A_17 = arith.constant 1 : i32
    "tpu.region"() ({
      %run_scoped3A_129 = tpu.sem_alloc : memref<!tpu.dma_semaphore, #tpu.memory_space<semaphore_mem>>
      %dma_start3A_130 = tpu.memref_slice %arg3[%arg0, %run_scoped3A_17, %add3A_16] : memref<2x2x320000xi32, #tpu.memory_space<hbm>> -> memref<1x1x5120xi32, #tpu.memory_space<hbm>>
      %dma_start3A_131 = tpu.memref_squeeze %dma_start3A_130 : memref<1x1x5120xi32, #tpu.memory_space<hbm>> -> memref<5120xi32, #tpu.memory_space<hbm>>
      %dma_start3A_132 = tpu.memref_slice %arg3[%arg0, %run_scoped3A_17, %add3A_16] : memref<2x2x320000xi32, #tpu.memory_space<hbm>> -> memref<1x1x5120xi32, #tpu.memory_space<hbm>>
      %dma_start3A_133 = tpu.memref_squeeze %dma_start3A_132 : memref<1x1x5120xi32, #tpu.memory_space<hbm>> -> memref<5120xi32, #tpu.memory_space<hbm>>
      tpu.enqueue_dma source(%dma_start3A_133 : memref<5120xi32, #tpu.memory_space<hbm>>) target(%arg6 : memref<5120xi32, #tpu.memory_space<vmem>>) target_semaphore(%run_scoped3A_129 : memref<!tpu.dma_semaphore, #tpu.memory_space<semaphore_mem>>)
      %dma_wait3A = tpu.memref_slice %arg3[%arg0, %run_scoped3A_17, %add3A_16] : memref<2x2x320000xi32, #tpu.memory_space<hbm>> -> memref<1x1x5120xi32, #tpu.memory_space<hbm>>
      %dma_wait3A_134 = tpu.memref_squeeze %dma_wait3A : memref<1x1x5120xi32, #tpu.memory_space<hbm>> -> memref<5120xi32, #tpu.memory_space<hbm>>
      %dma_wait3A_135 = tpu.memref_slice %arg3[%arg0, %run_scoped3A_17, %add3A_16] : memref<2x2x320000xi32, #tpu.memory_space<hbm>> -> memref<1x1x5120xi32, #tpu.memory_space<hbm>>
      %dma_wait3A_136 = tpu.memref_squeeze %dma_wait3A_135 : memref<1x1x5120xi32, #tpu.memory_space<hbm>> -> memref<5120xi32, #tpu.memory_space<hbm>>
      tpu.wait_dma2 semaphore(%run_scoped3A_129 : memref<!tpu.dma_semaphore, #tpu.memory_space<semaphore_mem>>) src(%dma_wait3A_136 : memref<5120xi32, #tpu.memory_space<hbm>>) dst(%arg6 : memref<5120xi32, #tpu.memory_space<vmem>>)
      tpu.yield
    }) : () -> ()
    %broadcast_in_dim3A = arith.constant 0 : i32
    %broadcast_in_dim3A_18 = vector.broadcast %broadcast_in_dim3A : i32 to vector<16xi32>
    %mul3A_19 = arith.constant 10240 : i32
    %mul3A_20 = arith.muli %arg0, %mul3A_19 : i32
    %add3A_21 = vector.broadcast %mul3A_20 : i32 to vector<16xi32>
    %add3A_22 = arith.addi %broadcast_in_dim3A_18, %add3A_21 : vector<16xi32>
    %scan3A = arith.constant 0 : i32
    %scan3A_23 = arith.constant 0 : i32
    %scan3A_24 = arith.constant 320 : i32
    %scan3A_25 = arith.addi %scan3A_23, %scan3A_24 : i32
    %scan3A_26 = arith.constant 1 : i32
    scf.for %scan3A_129 = %scan3A_23 to %scan3A_25 step %scan3A_26  : i32 {
      %mul3A_130 = arith.constant 16 : i32
      %mul3A_131 = arith.muli %scan3A_129, %mul3A_130 : i32
      %get3A = arith.index_cast %mul3A_131 : i32 to index
      %get3A_132 = tpu.vector_load %arg5[%get3A] {strides = array<i32>} : memref<5120xi32, #tpu.memory_space<vmem>>, vector<16xi32>,
      %add3A_133 = arith.addi %get3A_132, %add3A_22 : vector<16xi32>
      %mul3A_134 = arith.constant 16 : i32
      %mul3A_135 = arith.muli %scan3A_129, %mul3A_134 : i32
      %swap3A = arith.index_cast %mul3A_135 : i32 to index
      %swap3A_136 = tpu.vector_load %arg5[%swap3A] {strides = array<i32>} : memref<5120xi32, #tpu.memory_space<vmem>>, vector<16xi32>,
      tpu.vector_store %arg5[%swap3A], %add3A_133 {strides = array<i32>} : memref<5120xi32, #tpu.memory_space<vmem>>, vector<16xi32>,
    }
    %scan3A_27 = arith.constant 320 : i32
    %dma_start3A = arith.constant 0 : i32
    %dma_start3A_28 = tpu.memref_slice %arg5[%dma_start3A] : memref<5120xi32, #tpu.memory_space<vmem>> -> memref<128xi32, #tpu.memory_space<vmem>>
    %dma_start3A_29 = arith.constant 0 : i32
    %dma_start3A_30 = arith.constant 0 : i32
    %dma_start3A_31 = tpu.memref_slice %arg2[%dma_start3A_29, %dma_start3A_30] : memref<20480x128xf32, #tpu.memory_space<hbm>> -> memref<20480x128xf32, #tpu.memory_space<hbm>>
    tpu.enqueue_indirect_dma source(%dma_start3A_31 : memref<20480x128xf32, #tpu.memory_space<hbm>>) target(%arg7 : memref<128x128xf32, #tpu.memory_space<vmem>>) offsets(%dma_start3A_28 : memref<128xi32, #tpu.memory_space<vmem>>) semaphore(%arg10 : memref<!tpu.dma_semaphore, #tpu.memory_space<semaphore_mem>>)
    %scan3A_32 = arith.constant 0 : i32
    %scan3A_33 = arith.constant 0 : i32
    %scan3A_34 = arith.constant 20 : i32
    %scan3A_35 = arith.addi %scan3A_33, %scan3A_34 : i32
    %scan3A_36 = arith.constant 1 : i32
    scf.for %scan3A_129 = %scan3A_33 to %scan3A_35 step %scan3A_36  : i32 {
      %mul3A_130 = arith.constant 2 : i32
      %mul3A_131 = arith.muli %mul3A_130, %scan3A_129 : i32
      %add3A_132 = arith.constant 0 : i32
      %add3A_133 = arith.addi %add3A_132, %mul3A_131 : i32
      %add3A_134 = arith.constant 1 : i32
      %add3A_135 = arith.addi %add3A_133, %add3A_134 : i32
      %mul3A_136 = arith.constant 128 : i32
      %mul3A_137 = arith.muli %add3A_135, %mul3A_136 : i32
      %dma_start3A_138 = tpu.memref_slice %arg5[%mul3A_137] : memref<5120xi32, #tpu.memory_space<vmem>> -> memref<128xi32, #tpu.memory_space<vmem>>
      %dma_start3A_139 = arith.constant 0 : i32
      %dma_start3A_140 = arith.constant 0 : i32
      %dma_start3A_141 = tpu.memref_slice %arg2[%dma_start3A_139, %dma_start3A_140] : memref<20480x128xf32, #tpu.memory_space<hbm>> -> memref<20480x128xf32, #tpu.memory_space<hbm>>
      tpu.enqueue_indirect_dma source(%dma_start3A_141 : memref<20480x128xf32, #tpu.memory_space<hbm>>) target(%arg8 : memref<128x128xf32, #tpu.memory_space<vmem>>) offsets(%dma_start3A_138 : memref<128xi32, #tpu.memory_space<vmem>>) semaphore(%arg11 : memref<!tpu.dma_semaphore, #tpu.memory_space<semaphore_mem>>)
      %mul3A_142 = arith.constant 128 : i32
      %mul3A_143 = arith.muli %add3A_133, %mul3A_142 : i32
      %dma_wait3A = tpu.memref_slice %arg5[%mul3A_143] : memref<5120xi32, #tpu.memory_space<vmem>> -> memref<128xi32, #tpu.memory_space<vmem>>
      %dma_wait3A_144 = arith.constant 0 : i32
      %dma_wait3A_145 = arith.constant 0 : i32
      %dma_wait3A_146 = tpu.memref_slice %arg2[%dma_wait3A_144, %dma_wait3A_145] : memref<20480x128xf32, #tpu.memory_space<hbm>> -> memref<20480x128xf32, #tpu.memory_space<hbm>>
      tpu.wait_indirect_dma semaphore(%arg10 : memref<!tpu.dma_semaphore, #tpu.memory_space<semaphore_mem>>) src(%dma_wait3A_146 : memref<20480x128xf32, #tpu.memory_space<hbm>>) dst(%arg7 : memref<128x128xf32, #tpu.memory_space<vmem>>)
      %mul3A_147 = arith.constant 128 : i32
      %mul3A_148 = arith.muli %add3A_133, %mul3A_147 : i32
      "tpu.region"() ({
        %run_scoped3A_166 = tpu.sem_alloc : memref<!tpu.dma_semaphore, #tpu.memory_space<semaphore_mem>>
        %dma_start3A_167 = tpu.memref_slice %arg6[%mul3A_148] : memref<5120xi32, #tpu.memory_space<vmem>> -> memref<128xi32, #tpu.memory_space<vmem>>
        %dma_start3A_168 = arith.constant 0 : i32
        %dma_start3A_169 = arith.constant 0 : i32
        %dma_start3A_170 = tpu.memref_slice %arg9[%dma_start3A_168, %dma_start3A_169] : memref<10240x128xf32, #tpu.memory_space<vmem_shared>> -> memref<10240x128xf32, #tpu.memory_space<vmem_shared>>
        tpu.enqueue_indirect_dma source(%arg7 : memref<128x128xf32, #tpu.memory_space<vmem>>) target(%dma_start3A_170 : memref<10240x128xf32, #tpu.memory_space<vmem_shared>>) offsets(%dma_start3A_167 : memref<128xi32, #tpu.memory_space<vmem>>) semaphore(%run_scoped3A_166 : memref<!tpu.dma_semaphore, #tpu.memory_space<semaphore_mem>>) {add = true}
        %dma_wait3A_171 = tpu.memref_slice %arg6[%mul3A_148] : memref<5120xi32, #tpu.memory_space<vmem>> -> memref<128xi32, #tpu.memory_space<vmem>>
        %dma_wait3A_172 = arith.constant 0 : i32
        %dma_wait3A_173 = arith.constant 0 : i32
        %dma_wait3A_174 = tpu.memref_slice %arg9[%dma_wait3A_172, %dma_wait3A_173] : memref<10240x128xf32, #tpu.memory_space<vmem_shared>> -> memref<10240x128xf32, #tpu.memory_space<vmem_shared>>
        tpu.wait_indirect_dma semaphore(%run_scoped3A_166 : memref<!tpu.dma_semaphore, #tpu.memory_space<semaphore_mem>>) src(%arg7 : memref<128x128xf32, #tpu.memory_space<vmem>>) dst(%dma_wait3A_174 : memref<10240x128xf32, #tpu.memory_space<vmem_shared>>)
        tpu.yield
      }) : () -> ()
      %lt3A_149 = arith.constant 19 : i32
      %lt3A_150 = arith.cmpi slt, %scan3A_129, %lt3A_149 : i32
      %convert_element_type3A_151 = arith.extui %lt3A_150 : i1 to i32
      %cond3A_152 = arith.constant 0 : i32
      %cond3A_153 = arith.cmpi ne, %convert_element_type3A_151, %cond3A_152 : i32
      scf.if %cond3A_153 {
        %add3A_166 = arith.constant 2 : i32
        %add3A_167 = arith.addi %add3A_133, %add3A_166 : i32
        %mul3A_168 = arith.constant 128 : i32
        %mul3A_169 = arith.muli %add3A_167, %mul3A_168 : i32
        %dma_start3A_170 = tpu.memref_slice %arg5[%mul3A_169] : memref<5120xi32, #tpu.memory_space<vmem>> -> memref<128xi32, #tpu.memory_space<vmem>>
        %dma_start3A_171 = arith.constant 0 : i32
        %dma_start3A_172 = arith.constant 0 : i32
        %dma_start3A_173 = tpu.memref_slice %arg2[%dma_start3A_171, %dma_start3A_172] : memref<20480x128xf32, #tpu.memory_space<hbm>> -> memref<20480x128xf32, #tpu.memory_space<hbm>>
        tpu.enqueue_indirect_dma source(%dma_start3A_173 : memref<20480x128xf32, #tpu.memory_space<hbm>>) target(%arg7 : memref<128x128xf32, #tpu.memory_space<vmem>>) offsets(%dma_start3A_170 : memref<128xi32, #tpu.memory_space<vmem>>) semaphore(%arg10 : memref<!tpu.dma_semaphore, #tpu.memory_space<semaphore_mem>>)
      } else {
      }
      %add3A_154 = arith.constant 1 : i32
      %add3A_155 = arith.addi %add3A_133, %add3A_154 : i32
      %mul3A_156 = arith.constant 128 : i32
      %mul3A_157 = arith.muli %add3A_155, %mul3A_156 : i32
      %dma_wait3A_158 = tpu.memref_slice %arg5[%mul3A_157] : memref<5120xi32, #tpu.memory_space<vmem>> -> memref<128xi32, #tpu.memory_space<vmem>>
      %dma_wait3A_159 = arith.constant 0 : i32
      %dma_wait3A_160 = arith.constant 0 : i32
      %dma_wait3A_161 = tpu.memref_slice %arg2[%dma_wait3A_159, %dma_wait3A_160] : memref<20480x128xf32, #tpu.memory_space<hbm>> -> memref<20480x128xf32, #tpu.memory_space<hbm>>
      tpu.wait_indirect_dma semaphore(%arg11 : memref<!tpu.dma_semaphore, #tpu.memory_space<semaphore_mem>>) src(%dma_wait3A_161 : memref<20480x128xf32, #tpu.memory_space<hbm>>) dst(%arg8 : memref<128x128xf32, #tpu.memory_space<vmem>>)
      %add3A_162 = arith.constant 1 : i32
      %add3A_163 = arith.addi %add3A_133, %add3A_162 : i32
      %mul3A_164 = arith.constant 128 : i32
      %mul3A_165 = arith.muli %add3A_163, %mul3A_164 : i32
      "tpu.region"() ({
        %run_scoped3A_166 = tpu.sem_alloc : memref<!tpu.dma_semaphore, #tpu.memory_space<semaphore_mem>>
        %dma_start3A_167 = tpu.memref_slice %arg6[%mul3A_165] : memref<5120xi32, #tpu.memory_space<vmem>> -> memref<128xi32, #tpu.memory_space<vmem>>
        %dma_start3A_168 = arith.constant 0 : i32
        %dma_start3A_169 = arith.constant 0 : i32
        %dma_start3A_170 = tpu.memref_slice %arg9[%dma_start3A_168, %dma_start3A_169] : memref<10240x128xf32, #tpu.memory_space<vmem_shared>> -> memref<10240x128xf32, #tpu.memory_space<vmem_shared>>
        tpu.enqueue_indirect_dma source(%arg8 : memref<128x128xf32, #tpu.memory_space<vmem>>) target(%dma_start3A_170 : memref<10240x128xf32, #tpu.memory_space<vmem_shared>>) offsets(%dma_start3A_167 : memref<128xi32, #tpu.memory_space<vmem>>) semaphore(%run_scoped3A_166 : memref<!tpu.dma_semaphore, #tpu.memory_space<semaphore_mem>>) {add = true}
        %dma_wait3A_171 = tpu.memref_slice %arg6[%mul3A_165] : memref<5120xi32, #tpu.memory_space<vmem>> -> memref<128xi32, #tpu.memory_space<vmem>>
        %dma_wait3A_172 = arith.constant 0 : i32
        %dma_wait3A_173 = arith.constant 0 : i32
        %dma_wait3A_174 = tpu.memref_slice %arg9[%dma_wait3A_172, %dma_wait3A_173] : memref<10240x128xf32, #tpu.memory_space<vmem_shared>> -> memref<10240x128xf32, #tpu.memory_space<vmem_shared>>
        tpu.wait_indirect_dma semaphore(%run_scoped3A_166 : memref<!tpu.dma_semaphore, #tpu.memory_space<semaphore_mem>>) src(%arg8 : memref<128x128xf32, #tpu.memory_space<vmem>>) dst(%dma_wait3A_174 : memref<10240x128xf32, #tpu.memory_space<vmem_shared>>)
        tpu.yield
      }) : () -> ()
    }
    %scan3A_37 = arith.constant 20 : i32
    %add3A_38 = arith.constant 5120 : i32
    %add3A_39 = arith.addi %mul3A_10, %add3A_38 : i32
    %run_scoped3A_40 = arith.constant 0 : i32
    "tpu.region"() ({
      %run_scoped3A_129 = tpu.sem_alloc : memref<!tpu.dma_semaphore, #tpu.memory_space<semaphore_mem>>
      %dma_start3A_130 = tpu.memref_slice %arg3[%arg0, %run_scoped3A_40, %add3A_39] : memref<2x2x320000xi32, #tpu.memory_space<hbm>> -> memref<1x1x5120xi32, #tpu.memory_space<hbm>>
      %dma_start3A_131 = tpu.memref_squeeze %dma_start3A_130 : memref<1x1x5120xi32, #tpu.memory_space<hbm>> -> memref<5120xi32, #tpu.memory_space<hbm>>
      %dma_start3A_132 = tpu.memref_slice %arg3[%arg0, %run_scoped3A_40, %add3A_39] : memref<2x2x320000xi32, #tpu.memory_space<hbm>> -> memref<1x1x5120xi32, #tpu.memory_space<hbm>>
      %dma_start3A_133 = tpu.memref_squeeze %dma_start3A_132 : memref<1x1x5120xi32, #tpu.memory_space<hbm>> -> memref<5120xi32, #tpu.memory_space<hbm>>
      tpu.enqueue_dma source(%dma_start3A_133 : memref<5120xi32, #tpu.memory_space<hbm>>) target(%arg5 : memref<5120xi32, #tpu.memory_space<vmem>>) target_semaphore(%run_scoped3A_129 : memref<!tpu.dma_semaphore, #tpu.memory_space<semaphore_mem>>)
      %dma_wait3A = tpu.memref_slice %arg3[%arg0, %run_scoped3A_40, %add3A_39] : memref<2x2x320000xi32, #tpu.memory_space<hbm>> -> memref<1x1x5120xi32, #tpu.memory_space<hbm>>
      %dma_wait3A_134 = tpu.memref_squeeze %dma_wait3A : memref<1x1x5120xi32, #tpu.memory_space<hbm>> -> memref<5120xi32, #tpu.memory_space<hbm>>
      %dma_wait3A_135 = tpu.memref_slice %arg3[%arg0, %run_scoped3A_40, %add3A_39] : memref<2x2x320000xi32, #tpu.memory_space<hbm>> -> memref<1x1x5120xi32, #tpu.memory_space<hbm>>
      %dma_wait3A_136 = tpu.memref_squeeze %dma_wait3A_135 : memref<1x1x5120xi32, #tpu.memory_space<hbm>> -> memref<5120xi32, #tpu.memory_space<hbm>>
      tpu.wait_dma2 semaphore(%run_scoped3A_129 : memref<!tpu.dma_semaphore, #tpu.memory_space<semaphore_mem>>) src(%dma_wait3A_136 : memref<5120xi32, #tpu.memory_space<hbm>>) dst(%arg5 : memref<5120xi32, #tpu.memory_space<vmem>>)
      tpu.yield
    }) : () -> ()
    %run_scoped3A_41 = arith.constant 1 : i32
    "tpu.region"() ({
      %run_scoped3A_129 = tpu.sem_alloc : memref<!tpu.dma_semaphore, #tpu.memory_space<semaphore_mem>>
      %dma_start3A_130 = tpu.memref_slice %arg3[%arg0, %run_scoped3A_41, %add3A_39] : memref<2x2x320000xi32, #tpu.memory_space<hbm>> -> memref<1x1x5120xi32, #tpu.memory_space<hbm>>
      %dma_start3A_131 = tpu.memref_squeeze %dma_start3A_130 : memref<1x1x5120xi32, #tpu.memory_space<hbm>> -> memref<5120xi32, #tpu.memory_space<hbm>>
      %dma_start3A_132 = tpu.memref_slice %arg3[%arg0, %run_scoped3A_41, %add3A_39] : memref<2x2x320000xi32, #tpu.memory_space<hbm>> -> memref<1x1x5120xi32, #tpu.memory_space<hbm>>
      %dma_start3A_133 = tpu.memref_squeeze %dma_start3A_132 : memref<1x1x5120xi32, #tpu.memory_space<hbm>> -> memref<5120xi32, #tpu.memory_space<hbm>>
      tpu.enqueue_dma source(%dma_start3A_133 : memref<5120xi32, #tpu.memory_space<hbm>>) target(%arg6 : memref<5120xi32, #tpu.memory_space<vmem>>) target_semaphore(%run_scoped3A_129 : memref<!tpu.dma_semaphore, #tpu.memory_space<semaphore_mem>>)
      %dma_wait3A = tpu.memref_slice %arg3[%arg0, %run_scoped3A_41, %add3A_39] : memref<2x2x320000xi32, #tpu.memory_space<hbm>> -> memref<1x1x5120xi32, #tpu.memory_space<hbm>>
      %dma_wait3A_134 = tpu.memref_squeeze %dma_wait3A : memref<1x1x5120xi32, #tpu.memory_space<hbm>> -> memref<5120xi32, #tpu.memory_space<hbm>>
      %dma_wait3A_135 = tpu.memref_slice %arg3[%arg0, %run_scoped3A_41, %add3A_39] : memref<2x2x320000xi32, #tpu.memory_space<hbm>> -> memref<1x1x5120xi32, #tpu.memory_space<hbm>>
      %dma_wait3A_136 = tpu.memref_squeeze %dma_wait3A_135 : memref<1x1x5120xi32, #tpu.memory_space<hbm>> -> memref<5120xi32, #tpu.memory_space<hbm>>
      tpu.wait_dma2 semaphore(%run_scoped3A_129 : memref<!tpu.dma_semaphore, #tpu.memory_space<semaphore_mem>>) src(%dma_wait3A_136 : memref<5120xi32, #tpu.memory_space<hbm>>) dst(%arg6 : memref<5120xi32, #tpu.memory_space<vmem>>)
      tpu.yield
    }) : () -> ()
    %broadcast_in_dim3A_42 = arith.constant 0 : i32
    %broadcast_in_dim3A_43 = vector.broadcast %broadcast_in_dim3A_42 : i32 to vector<16xi32>
    %mul3A_44 = arith.constant 10240 : i32
    %mul3A_45 = arith.muli %arg0, %mul3A_44 : i32
    %add3A_46 = vector.broadcast %mul3A_45 : i32 to vector<16xi32>
    %add3A_47 = arith.addi %broadcast_in_dim3A_43, %add3A_46 : vector<16xi32>
    %scan3A_48 = arith.constant 0 : i32
    %scan3A_49 = arith.constant 0 : i32
    %scan3A_50 = arith.constant 320 : i32
    %scan3A_51 = arith.addi %scan3A_49, %scan3A_50 : i32
    %scan3A_52 = arith.constant 1 : i32
    scf.for %scan3A_129 = %scan3A_49 to %scan3A_51 step %scan3A_52  : i32 {
      %mul3A_130 = arith.constant 16 : i32
      %mul3A_131 = arith.muli %scan3A_129, %mul3A_130 : i32
      %get3A = arith.index_cast %mul3A_131 : i32 to index
      %get3A_132 = tpu.vector_load %arg5[%get3A] {strides = array<i32>} : memref<5120xi32, #tpu.memory_space<vmem>>, vector<16xi32>,
      %add3A_133 = arith.addi %get3A_132, %add3A_47 : vector<16xi32>
      %mul3A_134 = arith.constant 16 : i32
      %mul3A_135 = arith.muli %scan3A_129, %mul3A_134 : i32
      %swap3A = arith.index_cast %mul3A_135 : i32 to index
      %swap3A_136 = tpu.vector_load %arg5[%swap3A] {strides = array<i32>} : memref<5120xi32, #tpu.memory_space<vmem>>, vector<16xi32>,
      tpu.vector_store %arg5[%swap3A], %add3A_133 {strides = array<i32>} : memref<5120xi32, #tpu.memory_space<vmem>>, vector<16xi32>,
    }
    %scan3A_53 = arith.constant 320 : i32
    %dma_start3A_54 = arith.constant 0 : i32
    %dma_start3A_55 = tpu.memref_slice %arg5[%dma_start3A_54] : memref<5120xi32, #tpu.memory_space<vmem>> -> memref<128xi32, #tpu.memory_space<vmem>>
    %dma_start3A_56 = arith.constant 0 : i32
    %dma_start3A_57 = arith.constant 0 : i32
    %dma_start3A_58 = tpu.memref_slice %arg2[%dma_start3A_56, %dma_start3A_57] : memref<20480x128xf32, #tpu.memory_space<hbm>> -> memref<20480x128xf32, #tpu.memory_space<hbm>>
    tpu.enqueue_indirect_dma source(%dma_start3A_58 : memref<20480x128xf32, #tpu.memory_space<hbm>>) target(%arg7 : memref<128x128xf32, #tpu.memory_space<vmem>>) offsets(%dma_start3A_55 : memref<128xi32, #tpu.memory_space<vmem>>) semaphore(%arg10 : memref<!tpu.dma_semaphore, #tpu.memory_space<semaphore_mem>>)
    %scan3A_59 = arith.constant 0 : i32
    %scan3A_60 = arith.constant 0 : i32
    %scan3A_61 = arith.constant 20 : i32
    %scan3A_62 = arith.addi %scan3A_60, %scan3A_61 : i32
    %scan3A_63 = arith.constant 1 : i32
    scf.for %scan3A_129 = %scan3A_60 to %scan3A_62 step %scan3A_63  : i32 {
      %mul3A_130 = arith.constant 2 : i32
      %mul3A_131 = arith.muli %mul3A_130, %scan3A_129 : i32
      %add3A_132 = arith.constant 0 : i32
      %add3A_133 = arith.addi %add3A_132, %mul3A_131 : i32
      %add3A_134 = arith.constant 1 : i32
      %add3A_135 = arith.addi %add3A_133, %add3A_134 : i32
      %mul3A_136 = arith.constant 128 : i32
      %mul3A_137 = arith.muli %add3A_135, %mul3A_136 : i32
      %dma_start3A_138 = tpu.memref_slice %arg5[%mul3A_137] : memref<5120xi32, #tpu.memory_space<vmem>> -> memref<128xi32, #tpu.memory_space<vmem>>
      %dma_start3A_139 = arith.constant 0 : i32
      %dma_start3A_140 = arith.constant 0 : i32
      %dma_start3A_141 = tpu.memref_slice %arg2[%dma_start3A_139, %dma_start3A_140] : memref<20480x128xf32, #tpu.memory_space<hbm>> -> memref<20480x128xf32, #tpu.memory_space<hbm>>
      tpu.enqueue_indirect_dma source(%dma_start3A_141 : memref<20480x128xf32, #tpu.memory_space<hbm>>) target(%arg8 : memref<128x128xf32, #tpu.memory_space<vmem>>) offsets(%dma_start3A_138 : memref<128xi32, #tpu.memory_space<vmem>>) semaphore(%arg11 : memref<!tpu.dma_semaphore, #tpu.memory_space<semaphore_mem>>)
      %mul3A_142 = arith.constant 128 : i32
      %mul3A_143 = arith.muli %add3A_133, %mul3A_142 : i32
      %dma_wait3A = tpu.memref_slice %arg5[%mul3A_143] : memref<5120xi32, #tpu.memory_space<vmem>> -> memref<128xi32, #tpu.memory_space<vmem>>
      %dma_wait3A_144 = arith.constant 0 : i32
      %dma_wait3A_145 = arith.constant 0 : i32
      %dma_wait3A_146 = tpu.memref_slice %arg2[%dma_wait3A_144, %dma_wait3A_145] : memref<20480x128xf32, #tpu.memory_space<hbm>> -> memref<20480x128xf32, #tpu.memory_space<hbm>>
      tpu.wait_indirect_dma semaphore(%arg10 : memref<!tpu.dma_semaphore, #tpu.memory_space<semaphore_mem>>) src(%dma_wait3A_146 : memref<20480x128xf32, #tpu.memory_space<hbm>>) dst(%arg7 : memref<128x128xf32, #tpu.memory_space<vmem>>)
      %mul3A_147 = arith.constant 128 : i32
      %mul3A_148 = arith.muli %add3A_133, %mul3A_147 : i32
      "tpu.region"() ({
        %run_scoped3A_166 = tpu.sem_alloc : memref<!tpu.dma_semaphore, #tpu.memory_space<semaphore_mem>>
        %dma_start3A_167 = tpu.memref_slice %arg6[%mul3A_148] : memref<5120xi32, #tpu.memory_space<vmem>> -> memref<128xi32, #tpu.memory_space<vmem>>
        %dma_start3A_168 = arith.constant 0 : i32
        %dma_start3A_169 = arith.constant 0 : i32
        %dma_start3A_170 = tpu.memref_slice %arg9[%dma_start3A_168, %dma_start3A_169] : memref<10240x128xf32, #tpu.memory_space<vmem_shared>> -> memref<10240x128xf32, #tpu.memory_space<vmem_shared>>
        tpu.enqueue_indirect_dma source(%arg7 : memref<128x128xf32, #tpu.memory_space<vmem>>) target(%dma_start3A_170 : memref<10240x128xf32, #tpu.memory_space<vmem_shared>>) offsets(%dma_start3A_167 : memref<128xi32, #tpu.memory_space<vmem>>) semaphore(%run_scoped3A_166 : memref<!tpu.dma_semaphore, #tpu.memory_space<semaphore_mem>>) {add = true}
        %dma_wait3A_171 = tpu.memref_slice %arg6[%mul3A_148] : memref<5120xi32, #tpu.memory_space<vmem>> -> memref<128xi32, #tpu.memory_space<vmem>>
        %dma_wait3A_172 = arith.constant 0 : i32
        %dma_wait3A_173 = arith.constant 0 : i32
        %dma_wait3A_174 = tpu.memref_slice %arg9[%dma_wait3A_172, %dma_wait3A_173] : memref<10240x128xf32, #tpu.memory_space<vmem_shared>> -> memref<10240x128xf32, #tpu.memory_space<vmem_shared>>
        tpu.wait_indirect_dma semaphore(%run_scoped3A_166 : memref<!tpu.dma_semaphore, #tpu.memory_space<semaphore_mem>>) src(%arg7 : memref<128x128xf32, #tpu.memory_space<vmem>>) dst(%dma_wait3A_174 : memref<10240x128xf32, #tpu.memory_space<vmem_shared>>)
        tpu.yield
      }) : () -> ()
      %lt3A_149 = arith.constant 19 : i32
      %lt3A_150 = arith.cmpi slt, %scan3A_129, %lt3A_149 : i32
      %convert_element_type3A_151 = arith.extui %lt3A_150 : i1 to i32
      %cond3A_152 = arith.constant 0 : i32
      %cond3A_153 = arith.cmpi ne, %convert_element_type3A_151, %cond3A_152 : i32
      scf.if %cond3A_153 {
        %add3A_166 = arith.constant 2 : i32
        %add3A_167 = arith.addi %add3A_133, %add3A_166 : i32
        %mul3A_168 = arith.constant 128 : i32
        %mul3A_169 = arith.muli %add3A_167, %mul3A_168 : i32
        %dma_start3A_170 = tpu.memref_slice %arg5[%mul3A_169] : memref<5120xi32, #tpu.memory_space<vmem>> -> memref<128xi32, #tpu.memory_space<vmem>>
        %dma_start3A_171 = arith.constant 0 : i32
        %dma_start3A_172 = arith.constant 0 : i32
        %dma_start3A_173 = tpu.memref_slice %arg2[%dma_start3A_171, %dma_start3A_172] : memref<20480x128xf32, #tpu.memory_space<hbm>> -> memref<20480x128xf32, #tpu.memory_space<hbm>>
        tpu.enqueue_indirect_dma source(%dma_start3A_173 : memref<20480x128xf32, #tpu.memory_space<hbm>>) target(%arg7 : memref<128x128xf32, #tpu.memory_space<vmem>>) offsets(%dma_start3A_170 : memref<128xi32, #tpu.memory_space<vmem>>) semaphore(%arg10 : memref<!tpu.dma_semaphore, #tpu.memory_space<semaphore_mem>>)
      } else {
      }
      %add3A_154 = arith.constant 1 : i32
      %add3A_155 = arith.addi %add3A_133, %add3A_154 : i32
      %mul3A_156 = arith.constant 128 : i32
      %mul3A_157 = arith.muli %add3A_155, %mul3A_156 : i32
      %dma_wait3A_158 = tpu.memref_slice %arg5[%mul3A_157] : memref<5120xi32, #tpu.memory_space<vmem>> -> memref<128xi32, #tpu.memory_space<vmem>>
      %dma_wait3A_159 = arith.constant 0 : i32
      %dma_wait3A_160 = arith.constant 0 : i32
      %dma_wait3A_161 = tpu.memref_slice %arg2[%dma_wait3A_159, %dma_wait3A_160] : memref<20480x128xf32, #tpu.memory_space<hbm>> -> memref<20480x128xf32, #tpu.memory_space<hbm>>
      tpu.wait_indirect_dma semaphore(%arg11 : memref<!tpu.dma_semaphore, #tpu.memory_space<semaphore_mem>>) src(%dma_wait3A_161 : memref<20480x128xf32, #tpu.memory_space<hbm>>) dst(%arg8 : memref<128x128xf32, #tpu.memory_space<vmem>>)
      %add3A_162 = arith.constant 1 : i32
      %add3A_163 = arith.addi %add3A_133, %add3A_162 : i32
      %mul3A_164 = arith.constant 128 : i32
      %mul3A_165 = arith.muli %add3A_163, %mul3A_164 : i32
      "tpu.region"() ({
        %run_scoped3A_166 = tpu.sem_alloc : memref<!tpu.dma_semaphore, #tpu.memory_space<semaphore_mem>>
        %dma_start3A_167 = tpu.memref_slice %arg6[%mul3A_165] : memref<5120xi32, #tpu.memory_space<vmem>> -> memref<128xi32, #tpu.memory_space<vmem>>
        %dma_start3A_168 = arith.constant 0 : i32
        %dma_start3A_169 = arith.constant 0 : i32
        %dma_start3A_170 = tpu.memref_slice %arg9[%dma_start3A_168, %dma_start3A_169] : memref<10240x128xf32, #tpu.memory_space<vmem_shared>> -> memref<10240x128xf32, #tpu.memory_space<vmem_shared>>
        tpu.enqueue_indirect_dma source(%arg8 : memref<128x128xf32, #tpu.memory_space<vmem>>) target(%dma_start3A_170 : memref<10240x128xf32, #tpu.memory_space<vmem_shared>>) offsets(%dma_start3A_167 : memref<128xi32, #tpu.memory_space<vmem>>) semaphore(%run_scoped3A_166 : memref<!tpu.dma_semaphore, #tpu.memory_space<semaphore_mem>>) {add = true}
        %dma_wait3A_171 = tpu.memref_slice %arg6[%mul3A_165] : memref<5120xi32, #tpu.memory_space<vmem>> -> memref<128xi32, #tpu.memory_space<vmem>>
        %dma_wait3A_172 = arith.constant 0 : i32
        %dma_wait3A_173 = arith.constant 0 : i32
        %dma_wait3A_174 = tpu.memref_slice %arg9[%dma_wait3A_172, %dma_wait3A_173] : memref<10240x128xf32, #tpu.memory_space<vmem_shared>> -> memref<10240x128xf32, #tpu.memory_space<vmem_shared>>
        tpu.wait_indirect_dma semaphore(%run_scoped3A_166 : memref<!tpu.dma_semaphore, #tpu.memory_space<semaphore_mem>>) src(%arg8 : memref<128x128xf32, #tpu.memory_space<vmem>>) dst(%dma_wait3A_174 : memref<10240x128xf32, #tpu.memory_space<vmem_shared>>)
        tpu.yield
      }) : () -> ()
    }
    %scan3A_64 = arith.constant 20 : i32
    %add3A_65 = arith.constant 10240 : i32
    %add3A_66 = arith.addi %mul3A_10, %add3A_65 : i32
    %run_scoped3A_67 = arith.constant 0 : i32
    "tpu.region"() ({
      %run_scoped3A_129 = tpu.sem_alloc : memref<!tpu.dma_semaphore, #tpu.memory_space<semaphore_mem>>
      %dma_start3A_130 = tpu.memref_slice %arg3[%arg0, %run_scoped3A_67, %add3A_66] : memref<2x2x320000xi32, #tpu.memory_space<hbm>> -> memref<1x1x5120xi32, #tpu.memory_space<hbm>>
      %dma_start3A_131 = tpu.memref_squeeze %dma_start3A_130 : memref<1x1x5120xi32, #tpu.memory_space<hbm>> -> memref<5120xi32, #tpu.memory_space<hbm>>
      %dma_start3A_132 = tpu.memref_slice %arg3[%arg0, %run_scoped3A_67, %add3A_66] : memref<2x2x320000xi32, #tpu.memory_space<hbm>> -> memref<1x1x5120xi32, #tpu.memory_space<hbm>>
      %dma_start3A_133 = tpu.memref_squeeze %dma_start3A_132 : memref<1x1x5120xi32, #tpu.memory_space<hbm>> -> memref<5120xi32, #tpu.memory_space<hbm>>
      tpu.enqueue_dma source(%dma_start3A_133 : memref<5120xi32, #tpu.memory_space<hbm>>) target(%arg5 : memref<5120xi32, #tpu.memory_space<vmem>>) target_semaphore(%run_scoped3A_129 : memref<!tpu.dma_semaphore, #tpu.memory_space<semaphore_mem>>)
      %dma_wait3A = tpu.memref_slice %arg3[%arg0, %run_scoped3A_67, %add3A_66] : memref<2x2x320000xi32, #tpu.memory_space<hbm>> -> memref<1x1x5120xi32, #tpu.memory_space<hbm>>
      %dma_wait3A_134 = tpu.memref_squeeze %dma_wait3A : memref<1x1x5120xi32, #tpu.memory_space<hbm>> -> memref<5120xi32, #tpu.memory_space<hbm>>
      %dma_wait3A_135 = tpu.memref_slice %arg3[%arg0, %run_scoped3A_67, %add3A_66] : memref<2x2x320000xi32, #tpu.memory_space<hbm>> -> memref<1x1x5120xi32, #tpu.memory_space<hbm>>
      %dma_wait3A_136 = tpu.memref_squeeze %dma_wait3A_135 : memref<1x1x5120xi32, #tpu.memory_space<hbm>> -> memref<5120xi32, #tpu.memory_space<hbm>>
      tpu.wait_dma2 semaphore(%run_scoped3A_129 : memref<!tpu.dma_semaphore, #tpu.memory_space<semaphore_mem>>) src(%dma_wait3A_136 : memref<5120xi32, #tpu.memory_space<hbm>>) dst(%arg5 : memref<5120xi32, #tpu.memory_space<vmem>>)
      tpu.yield
    }) : () -> ()
    %run_scoped3A_68 = arith.constant 1 : i32
    "tpu.region"() ({
      %run_scoped3A_129 = tpu.sem_alloc : memref<!tpu.dma_semaphore, #tpu.memory_space<semaphore_mem>>
      %dma_start3A_130 = tpu.memref_slice %arg3[%arg0, %run_scoped3A_68, %add3A_66] : memref<2x2x320000xi32, #tpu.memory_space<hbm>> -> memref<1x1x5120xi32, #tpu.memory_space<hbm>>
      %dma_start3A_131 = tpu.memref_squeeze %dma_start3A_130 : memref<1x1x5120xi32, #tpu.memory_space<hbm>> -> memref<5120xi32, #tpu.memory_space<hbm>>
      %dma_start3A_132 = tpu.memref_slice %arg3[%arg0, %run_scoped3A_68, %add3A_66] : memref<2x2x320000xi32, #tpu.memory_space<hbm>> -> memref<1x1x5120xi32, #tpu.memory_space<hbm>>
      %dma_start3A_133 = tpu.memref_squeeze %dma_start3A_132 : memref<1x1x5120xi32, #tpu.memory_space<hbm>> -> memref<5120xi32, #tpu.memory_space<hbm>>
      tpu.enqueue_dma source(%dma_start3A_133 : memref<5120xi32, #tpu.memory_space<hbm>>) target(%arg6 : memref<5120xi32, #tpu.memory_space<vmem>>) target_semaphore(%run_scoped3A_129 : memref<!tpu.dma_semaphore, #tpu.memory_space<semaphore_mem>>)
      %dma_wait3A = tpu.memref_slice %arg3[%arg0, %run_scoped3A_68, %add3A_66] : memref<2x2x320000xi32, #tpu.memory_space<hbm>> -> memref<1x1x5120xi32, #tpu.memory_space<hbm>>
      %dma_wait3A_134 = tpu.memref_squeeze %dma_wait3A : memref<1x1x5120xi32, #tpu.memory_space<hbm>> -> memref<5120xi32, #tpu.memory_space<hbm>>
      %dma_wait3A_135 = tpu.memref_slice %arg3[%arg0, %run_scoped3A_68, %add3A_66] : memref<2x2x320000xi32, #tpu.memory_space<hbm>> -> memref<1x1x5120xi32, #tpu.memory_space<hbm>>
      %dma_wait3A_136 = tpu.memref_squeeze %dma_wait3A_135 : memref<1x1x5120xi32, #tpu.memory_space<hbm>> -> memref<5120xi32, #tpu.memory_space<hbm>>
      tpu.wait_dma2 semaphore(%run_scoped3A_129 : memref<!tpu.dma_semaphore, #tpu.memory_space<semaphore_mem>>) src(%dma_wait3A_136 : memref<5120xi32, #tpu.memory_space<hbm>>) dst(%arg6 : memref<5120xi32, #tpu.memory_space<vmem>>)
      tpu.yield
    }) : () -> ()
    %broadcast_in_dim3A_69 = arith.constant 0 : i32
    %broadcast_in_dim3A_70 = vector.broadcast %broadcast_in_dim3A_69 : i32 to vector<16xi32>
    %mul3A_71 = arith.constant 10240 : i32
    %mul3A_72 = arith.muli %arg0, %mul3A_71 : i32
    %add3A_73 = vector.broadcast %mul3A_72 : i32 to vector<16xi32>
    %add3A_74 = arith.addi %broadcast_in_dim3A_70, %add3A_73 : vector<16xi32>
    %scan3A_75 = arith.constant 0 : i32
    %scan3A_76 = arith.constant 0 : i32
    %scan3A_77 = arith.constant 320 : i32
    %scan3A_78 = arith.addi %scan3A_76, %scan3A_77 : i32
    %scan3A_79 = arith.constant 1 : i32
    scf.for %scan3A_129 = %scan3A_76 to %scan3A_78 step %scan3A_79  : i32 {
      %mul3A_130 = arith.constant 16 : i32
      %mul3A_131 = arith.muli %scan3A_129, %mul3A_130 : i32
      %get3A = arith.index_cast %mul3A_131 : i32 to index
      %get3A_132 = tpu.vector_load %arg5[%get3A] {strides = array<i32>} : memref<5120xi32, #tpu.memory_space<vmem>>, vector<16xi32>,
      %add3A_133 = arith.addi %get3A_132, %add3A_74 : vector<16xi32>
      %mul3A_134 = arith.constant 16 : i32
      %mul3A_135 = arith.muli %scan3A_129, %mul3A_134 : i32
      %swap3A = arith.index_cast %mul3A_135 : i32 to index
      %swap3A_136 = tpu.vector_load %arg5[%swap3A] {strides = array<i32>} : memref<5120xi32, #tpu.memory_space<vmem>>, vector<16xi32>,
      tpu.vector_store %arg5[%swap3A], %add3A_133 {strides = array<i32>} : memref<5120xi32, #tpu.memory_space<vmem>>, vector<16xi32>,
    }
    %scan3A_80 = arith.constant 320 : i32
    %dma_start3A_81 = arith.constant 0 : i32
    %dma_start3A_82 = tpu.memref_slice %arg5[%dma_start3A_81] : memref<5120xi32, #tpu.memory_space<vmem>> -> memref<128xi32, #tpu.memory_space<vmem>>
    %dma_start3A_83 = arith.constant 0 : i32
    %dma_start3A_84 = arith.constant 0 : i32
    %dma_start3A_85 = tpu.memref_slice %arg2[%dma_start3A_83, %dma_start3A_84] : memref<20480x128xf32, #tpu.memory_space<hbm>> -> memref<20480x128xf32, #tpu.memory_space<hbm>>
    tpu.enqueue_indirect_dma source(%dma_start3A_85 : memref<20480x128xf32, #tpu.memory_space<hbm>>) target(%arg7 : memref<128x128xf32, #tpu.memory_space<vmem>>) offsets(%dma_start3A_82 : memref<128xi32, #tpu.memory_space<vmem>>) semaphore(%arg10 : memref<!tpu.dma_semaphore, #tpu.memory_space<semaphore_mem>>)
    %scan3A_86 = arith.constant 0 : i32
    %scan3A_87 = arith.constant 0 : i32
    %scan3A_88 = arith.constant 20 : i32
    %scan3A_89 = arith.addi %scan3A_87, %scan3A_88 : i32
    %scan3A_90 = arith.constant 1 : i32
    scf.for %scan3A_129 = %scan3A_87 to %scan3A_89 step %scan3A_90  : i32 {
      %mul3A_130 = arith.constant 2 : i32
      %mul3A_131 = arith.muli %mul3A_130, %scan3A_129 : i32
      %add3A_132 = arith.constant 0 : i32
      %add3A_133 = arith.addi %add3A_132, %mul3A_131 : i32
      %add3A_134 = arith.constant 1 : i32
      %add3A_135 = arith.addi %add3A_133, %add3A_134 : i32
      %mul3A_136 = arith.constant 128 : i32
      %mul3A_137 = arith.muli %add3A_135, %mul3A_136 : i32
      %dma_start3A_138 = tpu.memref_slice %arg5[%mul3A_137] : memref<5120xi32, #tpu.memory_space<vmem>> -> memref<128xi32, #tpu.memory_space<vmem>>
      %dma_start3A_139 = arith.constant 0 : i32
      %dma_start3A_140 = arith.constant 0 : i32
      %dma_start3A_141 = tpu.memref_slice %arg2[%dma_start3A_139, %dma_start3A_140] : memref<20480x128xf32, #tpu.memory_space<hbm>> -> memref<20480x128xf32, #tpu.memory_space<hbm>>
      tpu.enqueue_indirect_dma source(%dma_start3A_141 : memref<20480x128xf32, #tpu.memory_space<hbm>>) target(%arg8 : memref<128x128xf32, #tpu.memory_space<vmem>>) offsets(%dma_start3A_138 : memref<128xi32, #tpu.memory_space<vmem>>) semaphore(%arg11 : memref<!tpu.dma_semaphore, #tpu.memory_space<semaphore_mem>>)
      %mul3A_142 = arith.constant 128 : i32
      %mul3A_143 = arith.muli %add3A_133, %mul3A_142 : i32
      %dma_wait3A = tpu.memref_slice %arg5[%mul3A_143] : memref<5120xi32, #tpu.memory_space<vmem>> -> memref<128xi32, #tpu.memory_space<vmem>>
      %dma_wait3A_144 = arith.constant 0 : i32
      %dma_wait3A_145 = arith.constant 0 : i32
      %dma_wait3A_146 = tpu.memref_slice %arg2[%dma_wait3A_144, %dma_wait3A_145] : memref<20480x128xf32, #tpu.memory_space<hbm>> -> memref<20480x128xf32, #tpu.memory_space<hbm>>
      tpu.wait_indirect_dma semaphore(%arg10 : memref<!tpu.dma_semaphore, #tpu.memory_space<semaphore_mem>>) src(%dma_wait3A_146 : memref<20480x128xf32, #tpu.memory_space<hbm>>) dst(%arg7 : memref<128x128xf32, #tpu.memory_space<vmem>>)
      %mul3A_147 = arith.constant 128 : i32
      %mul3A_148 = arith.muli %add3A_133, %mul3A_147 : i32
      "tpu.region"() ({
        %run_scoped3A_166 = tpu.sem_alloc : memref<!tpu.dma_semaphore, #tpu.memory_space<semaphore_mem>>
        %dma_start3A_167 = tpu.memref_slice %arg6[%mul3A_148] : memref<5120xi32, #tpu.memory_space<vmem>> -> memref<128xi32, #tpu.memory_space<vmem>>
        %dma_start3A_168 = arith.constant 0 : i32
        %dma_start3A_169 = arith.constant 0 : i32
        %dma_start3A_170 = tpu.memref_slice %arg9[%dma_start3A_168, %dma_start3A_169] : memref<10240x128xf32, #tpu.memory_space<vmem_shared>> -> memref<10240x128xf32, #tpu.memory_space<vmem_shared>>
        tpu.enqueue_indirect_dma source(%arg7 : memref<128x128xf32, #tpu.memory_space<vmem>>) target(%dma_start3A_170 : memref<10240x128xf32, #tpu.memory_space<vmem_shared>>) offsets(%dma_start3A_167 : memref<128xi32, #tpu.memory_space<vmem>>) semaphore(%run_scoped3A_166 : memref<!tpu.dma_semaphore, #tpu.memory_space<semaphore_mem>>) {add = true}
        %dma_wait3A_171 = tpu.memref_slice %arg6[%mul3A_148] : memref<5120xi32, #tpu.memory_space<vmem>> -> memref<128xi32, #tpu.memory_space<vmem>>
        %dma_wait3A_172 = arith.constant 0 : i32
        %dma_wait3A_173 = arith.constant 0 : i32
        %dma_wait3A_174 = tpu.memref_slice %arg9[%dma_wait3A_172, %dma_wait3A_173] : memref<10240x128xf32, #tpu.memory_space<vmem_shared>> -> memref<10240x128xf32, #tpu.memory_space<vmem_shared>>
        tpu.wait_indirect_dma semaphore(%run_scoped3A_166 : memref<!tpu.dma_semaphore, #tpu.memory_space<semaphore_mem>>) src(%arg7 : memref<128x128xf32, #tpu.memory_space<vmem>>) dst(%dma_wait3A_174 : memref<10240x128xf32, #tpu.memory_space<vmem_shared>>)
        tpu.yield
      }) : () -> ()
      %lt3A_149 = arith.constant 19 : i32
      %lt3A_150 = arith.cmpi slt, %scan3A_129, %lt3A_149 : i32
      %convert_element_type3A_151 = arith.extui %lt3A_150 : i1 to i32
      %cond3A_152 = arith.constant 0 : i32
      %cond3A_153 = arith.cmpi ne, %convert_element_type3A_151, %cond3A_152 : i32
      scf.if %cond3A_153 {
        %add3A_166 = arith.constant 2 : i32
        %add3A_167 = arith.addi %add3A_133, %add3A_166 : i32
        %mul3A_168 = arith.constant 128 : i32
        %mul3A_169 = arith.muli %add3A_167, %mul3A_168 : i32
        %dma_start3A_170 = tpu.memref_slice %arg5[%mul3A_169] : memref<5120xi32, #tpu.memory_space<vmem>> -> memref<128xi32, #tpu.memory_space<vmem>>
        %dma_start3A_171 = arith.constant 0 : i32
        %dma_start3A_172 = arith.constant 0 : i32
        %dma_start3A_173 = tpu.memref_slice %arg2[%dma_start3A_171, %dma_start3A_172] : memref<20480x128xf32, #tpu.memory_space<hbm>> -> memref<20480x128xf32, #tpu.memory_space<hbm>>
        tpu.enqueue_indirect_dma source(%dma_start3A_173 : memref<20480x128xf32, #tpu.memory_space<hbm>>) target(%arg7 : memref<128x128xf32, #tpu.memory_space<vmem>>) offsets(%dma_start3A_170 : memref<128xi32, #tpu.memory_space<vmem>>) semaphore(%arg10 : memref<!tpu.dma_semaphore, #tpu.memory_space<semaphore_mem>>)
      } else {
      }
      %add3A_154 = arith.constant 1 : i32
      %add3A_155 = arith.addi %add3A_133, %add3A_154 : i32
      %mul3A_156 = arith.constant 128 : i32
      %mul3A_157 = arith.muli %add3A_155, %mul3A_156 : i32
      %dma_wait3A_158 = tpu.memref_slice %arg5[%mul3A_157] : memref<5120xi32, #tpu.memory_space<vmem>> -> memref<128xi32, #tpu.memory_space<vmem>>
      %dma_wait3A_159 = arith.constant 0 : i32
      %dma_wait3A_160 = arith.constant 0 : i32
      %dma_wait3A_161 = tpu.memref_slice %arg2[%dma_wait3A_159, %dma_wait3A_160] : memref<20480x128xf32, #tpu.memory_space<hbm>> -> memref<20480x128xf32, #tpu.memory_space<hbm>>
      tpu.wait_indirect_dma semaphore(%arg11 : memref<!tpu.dma_semaphore, #tpu.memory_space<semaphore_mem>>) src(%dma_wait3A_161 : memref<20480x128xf32, #tpu.memory_space<hbm>>) dst(%arg8 : memref<128x128xf32, #tpu.memory_space<vmem>>)
      %add3A_162 = arith.constant 1 : i32
      %add3A_163 = arith.addi %add3A_133, %add3A_162 : i32
      %mul3A_164 = arith.constant 128 : i32
      %mul3A_165 = arith.muli %add3A_163, %mul3A_164 : i32
      "tpu.region"() ({
        %run_scoped3A_166 = tpu.sem_alloc : memref<!tpu.dma_semaphore, #tpu.memory_space<semaphore_mem>>
        %dma_start3A_167 = tpu.memref_slice %arg6[%mul3A_165] : memref<5120xi32, #tpu.memory_space<vmem>> -> memref<128xi32, #tpu.memory_space<vmem>>
        %dma_start3A_168 = arith.constant 0 : i32
        %dma_start3A_169 = arith.constant 0 : i32
        %dma_start3A_170 = tpu.memref_slice %arg9[%dma_start3A_168, %dma_start3A_169] : memref<10240x128xf32, #tpu.memory_space<vmem_shared>> -> memref<10240x128xf32, #tpu.memory_space<vmem_shared>>
        tpu.enqueue_indirect_dma source(%arg8 : memref<128x128xf32, #tpu.memory_space<vmem>>) target(%dma_start3A_170 : memref<10240x128xf32, #tpu.memory_space<vmem_shared>>) offsets(%dma_start3A_167 : memref<128xi32, #tpu.memory_space<vmem>>) semaphore(%run_scoped3A_166 : memref<!tpu.dma_semaphore, #tpu.memory_space<semaphore_mem>>) {add = true}
        %dma_wait3A_171 = tpu.memref_slice %arg6[%mul3A_165] : memref<5120xi32, #tpu.memory_space<vmem>> -> memref<128xi32, #tpu.memory_space<vmem>>
        %dma_wait3A_172 = arith.constant 0 : i32
        %dma_wait3A_173 = arith.constant 0 : i32
        %dma_wait3A_174 = tpu.memref_slice %arg9[%dma_wait3A_172, %dma_wait3A_173] : memref<10240x128xf32, #tpu.memory_space<vmem_shared>> -> memref<10240x128xf32, #tpu.memory_space<vmem_shared>>
        tpu.wait_indirect_dma semaphore(%run_scoped3A_166 : memref<!tpu.dma_semaphore, #tpu.memory_space<semaphore_mem>>) src(%arg8 : memref<128x128xf32, #tpu.memory_space<vmem>>) dst(%dma_wait3A_174 : memref<10240x128xf32, #tpu.memory_space<vmem_shared>>)
        tpu.yield
      }) : () -> ()
    }
    %scan3A_91 = arith.constant 20 : i32
    %sub3A = arith.constant 40 : i32
    %sub3A_92 = arith.subi %add3A_14, %sub3A : i32
    %mul3A_93 = arith.constant 128 : i32
    %mul3A_94 = arith.muli %sub3A_92, %mul3A_93 : i32
    %add3A_95 = arith.addi %mul3A_10, %mul3A_94 : i32
    %run_scoped3A_96 = arith.constant 0 : i32
    "tpu.region"() ({
      %run_scoped3A_129 = tpu.sem_alloc : memref<!tpu.dma_semaphore, #tpu.memory_space<semaphore_mem>>
      %dma_start3A_130 = tpu.memref_slice %arg3[%arg0, %run_scoped3A_96, %add3A_95] : memref<2x2x320000xi32, #tpu.memory_space<hbm>> -> memref<1x1x5120xi32, #tpu.memory_space<hbm>>
      %dma_start3A_131 = tpu.memref_squeeze %dma_start3A_130 : memref<1x1x5120xi32, #tpu.memory_space<hbm>> -> memref<5120xi32, #tpu.memory_space<hbm>>
      %dma_start3A_132 = tpu.memref_slice %arg3[%arg0, %run_scoped3A_96, %add3A_95] : memref<2x2x320000xi32, #tpu.memory_space<hbm>> -> memref<1x1x5120xi32, #tpu.memory_space<hbm>>
      %dma_start3A_133 = tpu.memref_squeeze %dma_start3A_132 : memref<1x1x5120xi32, #tpu.memory_space<hbm>> -> memref<5120xi32, #tpu.memory_space<hbm>>
      tpu.enqueue_dma source(%dma_start3A_133 : memref<5120xi32, #tpu.memory_space<hbm>>) target(%arg5 : memref<5120xi32, #tpu.memory_space<vmem>>) target_semaphore(%run_scoped3A_129 : memref<!tpu.dma_semaphore, #tpu.memory_space<semaphore_mem>>)
      %dma_wait3A = tpu.memref_slice %arg3[%arg0, %run_scoped3A_96, %add3A_95] : memref<2x2x320000xi32, #tpu.memory_space<hbm>> -> memref<1x1x5120xi32, #tpu.memory_space<hbm>>
      %dma_wait3A_134 = tpu.memref_squeeze %dma_wait3A : memref<1x1x5120xi32, #tpu.memory_space<hbm>> -> memref<5120xi32, #tpu.memory_space<hbm>>
      %dma_wait3A_135 = tpu.memref_slice %arg3[%arg0, %run_scoped3A_96, %add3A_95] : memref<2x2x320000xi32, #tpu.memory_space<hbm>> -> memref<1x1x5120xi32, #tpu.memory_space<hbm>>
      %dma_wait3A_136 = tpu.memref_squeeze %dma_wait3A_135 : memref<1x1x5120xi32, #tpu.memory_space<hbm>> -> memref<5120xi32, #tpu.memory_space<hbm>>
      tpu.wait_dma2 semaphore(%run_scoped3A_129 : memref<!tpu.dma_semaphore, #tpu.memory_space<semaphore_mem>>) src(%dma_wait3A_136 : memref<5120xi32, #tpu.memory_space<hbm>>) dst(%arg5 : memref<5120xi32, #tpu.memory_space<vmem>>)
      tpu.yield
    }) : () -> ()
    %run_scoped3A_97 = arith.constant 1 : i32
    "tpu.region"() ({
      %run_scoped3A_129 = tpu.sem_alloc : memref<!tpu.dma_semaphore, #tpu.memory_space<semaphore_mem>>
      %dma_start3A_130 = tpu.memref_slice %arg3[%arg0, %run_scoped3A_97, %add3A_95] : memref<2x2x320000xi32, #tpu.memory_space<hbm>> -> memref<1x1x5120xi32, #tpu.memory_space<hbm>>
      %dma_start3A_131 = tpu.memref_squeeze %dma_start3A_130 : memref<1x1x5120xi32, #tpu.memory_space<hbm>> -> memref<5120xi32, #tpu.memory_space<hbm>>
      %dma_start3A_132 = tpu.memref_slice %arg3[%arg0, %run_scoped3A_97, %add3A_95] : memref<2x2x320000xi32, #tpu.memory_space<hbm>> -> memref<1x1x5120xi32, #tpu.memory_space<hbm>>
      %dma_start3A_133 = tpu.memref_squeeze %dma_start3A_132 : memref<1x1x5120xi32, #tpu.memory_space<hbm>> -> memref<5120xi32, #tpu.memory_space<hbm>>
      tpu.enqueue_dma source(%dma_start3A_133 : memref<5120xi32, #tpu.memory_space<hbm>>) target(%arg6 : memref<5120xi32, #tpu.memory_space<vmem>>) target_semaphore(%run_scoped3A_129 : memref<!tpu.dma_semaphore, #tpu.memory_space<semaphore_mem>>)
      %dma_wait3A = tpu.memref_slice %arg3[%arg0, %run_scoped3A_97, %add3A_95] : memref<2x2x320000xi32, #tpu.memory_space<hbm>> -> memref<1x1x5120xi32, #tpu.memory_space<hbm>>
      %dma_wait3A_134 = tpu.memref_squeeze %dma_wait3A : memref<1x1x5120xi32, #tpu.memory_space<hbm>> -> memref<5120xi32, #tpu.memory_space<hbm>>
      %dma_wait3A_135 = tpu.memref_slice %arg3[%arg0, %run_scoped3A_97, %add3A_95] : memref<2x2x320000xi32, #tpu.memory_space<hbm>> -> memref<1x1x5120xi32, #tpu.memory_space<hbm>>
      %dma_wait3A_136 = tpu.memref_squeeze %dma_wait3A_135 : memref<1x1x5120xi32, #tpu.memory_space<hbm>> -> memref<5120xi32, #tpu.memory_space<hbm>>
      tpu.wait_dma2 semaphore(%run_scoped3A_129 : memref<!tpu.dma_semaphore, #tpu.memory_space<semaphore_mem>>) src(%dma_wait3A_136 : memref<5120xi32, #tpu.memory_space<hbm>>) dst(%arg6 : memref<5120xi32, #tpu.memory_space<vmem>>)
      tpu.yield
    }) : () -> ()
    %broadcast_in_dim3A_98 = arith.constant 0 : i32
    %broadcast_in_dim3A_99 = vector.broadcast %broadcast_in_dim3A_98 : i32 to vector<16xi32>
    %mul3A_100 = arith.constant 10240 : i32
    %mul3A_101 = arith.muli %arg0, %mul3A_100 : i32
    %add3A_102 = vector.broadcast %mul3A_101 : i32 to vector<16xi32>
    %add3A_103 = arith.addi %broadcast_in_dim3A_99, %add3A_102 : vector<16xi32>
    %scan3A_104 = arith.constant 0 : i32
    %scan3A_105 = arith.constant 0 : i32
    %scan3A_106 = arith.constant 320 : i32
    %scan3A_107 = arith.addi %scan3A_105, %scan3A_106 : i32
    %scan3A_108 = arith.constant 1 : i32
    scf.for %scan3A_129 = %scan3A_105 to %scan3A_107 step %scan3A_108  : i32 {
      %mul3A_130 = arith.constant 16 : i32
      %mul3A_131 = arith.muli %scan3A_129, %mul3A_130 : i32
      %get3A = arith.index_cast %mul3A_131 : i32 to index
      %get3A_132 = tpu.vector_load %arg5[%get3A] {strides = array<i32>} : memref<5120xi32, #tpu.memory_space<vmem>>, vector<16xi32>,
      %add3A_133 = arith.addi %get3A_132, %add3A_103 : vector<16xi32>
      %mul3A_134 = arith.constant 16 : i32
      %mul3A_135 = arith.muli %scan3A_129, %mul3A_134 : i32
      %swap3A = arith.index_cast %mul3A_135 : i32 to index
      %swap3A_136 = tpu.vector_load %arg5[%swap3A] {strides = array<i32>} : memref<5120xi32, #tpu.memory_space<vmem>>, vector<16xi32>,
      tpu.vector_store %arg5[%swap3A], %add3A_133 {strides = array<i32>} : memref<5120xi32, #tpu.memory_space<vmem>>, vector<16xi32>,
    }
    %scan3A_109 = arith.constant 320 : i32
    %lt3A_110 = arith.constant 4 : i32
    %lt3A_111 = arith.cmpi slt, %arg1, %lt3A_110 : i32
    %convert_element_type3A = arith.extui %lt3A_111 : i1 to i32
    %cond3A = arith.constant 0 : i32
    %cond3A_112 = arith.cmpi ne, %convert_element_type3A, %cond3A : i32
    scf.if %cond3A_112 {
      "tpu.region"() ({
        %run_scoped3A_129 = tpu.sem_alloc : memref<!tpu.dma_semaphore, #tpu.memory_space<semaphore_mem>>
        %dma_start3A_130 = arith.constant 384 : i32
        %dma_start3A_131 = tpu.memref_slice %arg5[%dma_start3A_130] : memref<5120xi32, #tpu.memory_space<vmem>> -> memref<128xi32, #tpu.memory_space<vmem>>
        %dma_start3A_132 = arith.constant 0 : i32
        %dma_start3A_133 = arith.constant 0 : i32
        %dma_start3A_134 = tpu.memref_slice %arg2[%dma_start3A_132, %dma_start3A_133] : memref<20480x128xf32, #tpu.memory_space<hbm>> -> memref<20480x128xf32, #tpu.memory_space<hbm>>
        tpu.enqueue_indirect_dma source(%dma_start3A_134 : memref<20480x128xf32, #tpu.memory_space<hbm>>) target(%arg7 : memref<128x128xf32, #tpu.memory_space<vmem>>) offsets(%dma_start3A_131 : memref<128xi32, #tpu.memory_space<vmem>>) semaphore(%run_scoped3A_129 : memref<!tpu.dma_semaphore, #tpu.memory_space<semaphore_mem>>)
        %dma_wait3A = arith.constant 384 : i32
        %dma_wait3A_135 = tpu.memref_slice %arg5[%dma_wait3A] : memref<5120xi32, #tpu.memory_space<vmem>> -> memref<128xi32, #tpu.memory_space<vmem>>
        %dma_wait3A_136 = arith.constant 0 : i32
        %dma_wait3A_137 = arith.constant 0 : i32
        %dma_wait3A_138 = tpu.memref_slice %arg2[%dma_wait3A_136, %dma_wait3A_137] : memref<20480x128xf32, #tpu.memory_space<hbm>> -> memref<20480x128xf32, #tpu.memory_space<hbm>>
        tpu.wait_indirect_dma semaphore(%run_scoped3A_129 : memref<!tpu.dma_semaphore, #tpu.memory_space<semaphore_mem>>) src(%dma_wait3A_138 : memref<20480x128xf32, #tpu.memory_space<hbm>>) dst(%arg7 : memref<128x128xf32, #tpu.memory_space<vmem>>)
        tpu.yield
      }) : () -> ()
      "tpu.region"() ({
        %run_scoped3A_129 = tpu.sem_alloc : memref<!tpu.dma_semaphore, #tpu.memory_space<semaphore_mem>>
        %dma_start3A_130 = arith.constant 384 : i32
        %dma_start3A_131 = tpu.memref_slice %arg6[%dma_start3A_130] : memref<5120xi32, #tpu.memory_space<vmem>> -> memref<128xi32, #tpu.memory_space<vmem>>
        %dma_start3A_132 = arith.constant 0 : i32
        %dma_start3A_133 = arith.constant 0 : i32
        %dma_start3A_134 = tpu.memref_slice %arg9[%dma_start3A_132, %dma_start3A_133] : memref<10240x128xf32, #tpu.memory_space<vmem_shared>> -> memref<10240x128xf32, #tpu.memory_space<vmem_shared>>
        tpu.enqueue_indirect_dma source(%arg7 : memref<128x128xf32, #tpu.memory_space<vmem>>) target(%dma_start3A_134 : memref<10240x128xf32, #tpu.memory_space<vmem_shared>>) offsets(%dma_start3A_131 : memref<128xi32, #tpu.memory_space<vmem>>) semaphore(%run_scoped3A_129 : memref<!tpu.dma_semaphore, #tpu.memory_space<semaphore_mem>>) {add = true}
        %dma_wait3A = arith.constant 384 : i32
        %dma_wait3A_135 = tpu.memref_slice %arg6[%dma_wait3A] : memref<5120xi32, #tpu.memory_space<vmem>> -> memref<128xi32, #tpu.memory_space<vmem>>
        %dma_wait3A_136 = arith.constant 0 : i32
        %dma_wait3A_137 = arith.constant 0 : i32
        %dma_wait3A_138 = tpu.memref_slice %arg9[%dma_wait3A_136, %dma_wait3A_137] : memref<10240x128xf32, #tpu.memory_space<vmem_shared>> -> memref<10240x128xf32, #tpu.memory_space<vmem_shared>>
        tpu.wait_indirect_dma semaphore(%run_scoped3A_129 : memref<!tpu.dma_semaphore, #tpu.memory_space<semaphore_mem>>) src(%arg7 : memref<128x128xf32, #tpu.memory_space<vmem>>) dst(%dma_wait3A_138 : memref<10240x128xf32, #tpu.memory_space<vmem_shared>>)
        tpu.yield
      }) : () -> ()
    } else {
    }
    %dma_start3A_113 = arith.constant 512 : i32
    %dma_start3A_114 = tpu.memref_slice %arg5[%dma_start3A_113] : memref<5120xi32, #tpu.memory_space<vmem>> -> memref<128xi32, #tpu.memory_space<vmem>>
    %dma_start3A_115 = arith.constant 0 : i32
    %dma_start3A_116 = arith.constant 0 : i32
    %dma_start3A_117 = tpu.memref_slice %arg2[%dma_start3A_115, %dma_start3A_116] : memref<20480x128xf32, #tpu.memory_space<hbm>> -> memref<20480x128xf32, #tpu.memory_space<hbm>>
    tpu.enqueue_indirect_dma source(%dma_start3A_117 : memref<20480x128xf32, #tpu.memory_space<hbm>>) target(%arg7 : memref<128x128xf32, #tpu.memory_space<vmem>>) offsets(%dma_start3A_114 : memref<128xi32, #tpu.memory_space<vmem>>) semaphore(%arg10 : memref<!tpu.dma_semaphore, #tpu.memory_space<semaphore_mem>>)
    %scan3A_118 = arith.constant 0 : i32
    %scan3A_119 = arith.constant 0 : i32
    %scan3A_120 = arith.constant 18 : i32
    %scan3A_121 = arith.addi %scan3A_119, %scan3A_120 : i32
    %scan3A_122 = arith.constant 1 : i32
    scf.for %scan3A_129 = %scan3A_119 to %scan3A_121 step %scan3A_122  : i32 {
      %mul3A_130 = arith.constant 2 : i32
      %mul3A_131 = arith.muli %mul3A_130, %scan3A_129 : i32
      %add3A_132 = arith.constant 4 : i32
      %add3A_133 = arith.addi %add3A_132, %mul3A_131 : i32
      %add3A_134 = arith.constant 1 : i32
      %add3A_135 = arith.addi %add3A_133, %add3A_134 : i32
      %mul3A_136 = arith.constant 128 : i32
      %mul3A_137 = arith.muli %add3A_135, %mul3A_136 : i32
      %dma_start3A_138 = tpu.memref_slice %arg5[%mul3A_137] : memref<5120xi32, #tpu.memory_space<vmem>> -> memref<128xi32, #tpu.memory_space<vmem>>
      %dma_start3A_139 = arith.constant 0 : i32
      %dma_start3A_140 = arith.constant 0 : i32
      %dma_start3A_141 = tpu.memref_slice %arg2[%dma_start3A_139, %dma_start3A_140] : memref<20480x128xf32, #tpu.memory_space<hbm>> -> memref<20480x128xf32, #tpu.memory_space<hbm>>
      tpu.enqueue_indirect_dma source(%dma_start3A_141 : memref<20480x128xf32, #tpu.memory_space<hbm>>) target(%arg8 : memref<128x128xf32, #tpu.memory_space<vmem>>) offsets(%dma_start3A_138 : memref<128xi32, #tpu.memory_space<vmem>>) semaphore(%arg11 : memref<!tpu.dma_semaphore, #tpu.memory_space<semaphore_mem>>)
      %mul3A_142 = arith.constant 128 : i32
      %mul3A_143 = arith.muli %add3A_133, %mul3A_142 : i32
      %dma_wait3A = tpu.memref_slice %arg5[%mul3A_143] : memref<5120xi32, #tpu.memory_space<vmem>> -> memref<128xi32, #tpu.memory_space<vmem>>
      %dma_wait3A_144 = arith.constant 0 : i32
      %dma_wait3A_145 = arith.constant 0 : i32
      %dma_wait3A_146 = tpu.memref_slice %arg2[%dma_wait3A_144, %dma_wait3A_145] : memref<20480x128xf32, #tpu.memory_space<hbm>> -> memref<20480x128xf32, #tpu.memory_space<hbm>>
      tpu.wait_indirect_dma semaphore(%arg10 : memref<!tpu.dma_semaphore, #tpu.memory_space<semaphore_mem>>) src(%dma_wait3A_146 : memref<20480x128xf32, #tpu.memory_space<hbm>>) dst(%arg7 : memref<128x128xf32, #tpu.memory_space<vmem>>)
      %mul3A_147 = arith.constant 128 : i32
      %mul3A_148 = arith.muli %add3A_133, %mul3A_147 : i32
      "tpu.region"() ({
        %run_scoped3A_166 = tpu.sem_alloc : memref<!tpu.dma_semaphore, #tpu.memory_space<semaphore_mem>>
        %dma_start3A_167 = tpu.memref_slice %arg6[%mul3A_148] : memref<5120xi32, #tpu.memory_space<vmem>> -> memref<128xi32, #tpu.memory_space<vmem>>
        %dma_start3A_168 = arith.constant 0 : i32
        %dma_start3A_169 = arith.constant 0 : i32
        %dma_start3A_170 = tpu.memref_slice %arg9[%dma_start3A_168, %dma_start3A_169] : memref<10240x128xf32, #tpu.memory_space<vmem_shared>> -> memref<10240x128xf32, #tpu.memory_space<vmem_shared>>
        tpu.enqueue_indirect_dma source(%arg7 : memref<128x128xf32, #tpu.memory_space<vmem>>) target(%dma_start3A_170 : memref<10240x128xf32, #tpu.memory_space<vmem_shared>>) offsets(%dma_start3A_167 : memref<128xi32, #tpu.memory_space<vmem>>) semaphore(%run_scoped3A_166 : memref<!tpu.dma_semaphore, #tpu.memory_space<semaphore_mem>>) {add = true}
        %dma_wait3A_171 = tpu.memref_slice %arg6[%mul3A_148] : memref<5120xi32, #tpu.memory_space<vmem>> -> memref<128xi32, #tpu.memory_space<vmem>>
        %dma_wait3A_172 = arith.constant 0 : i32
        %dma_wait3A_173 = arith.constant 0 : i32
        %dma_wait3A_174 = tpu.memref_slice %arg9[%dma_wait3A_172, %dma_wait3A_173] : memref<10240x128xf32, #tpu.memory_space<vmem_shared>> -> memref<10240x128xf32, #tpu.memory_space<vmem_shared>>
        tpu.wait_indirect_dma semaphore(%run_scoped3A_166 : memref<!tpu.dma_semaphore, #tpu.memory_space<semaphore_mem>>) src(%arg7 : memref<128x128xf32, #tpu.memory_space<vmem>>) dst(%dma_wait3A_174 : memref<10240x128xf32, #tpu.memory_space<vmem_shared>>)
        tpu.yield
      }) : () -> ()
      %lt3A_149 = arith.constant 17 : i32
      %lt3A_150 = arith.cmpi slt, %scan3A_129, %lt3A_149 : i32
      %convert_element_type3A_151 = arith.extui %lt3A_150 : i1 to i32
      %cond3A_152 = arith.constant 0 : i32
      %cond3A_153 = arith.cmpi ne, %convert_element_type3A_151, %cond3A_152 : i32
      scf.if %cond3A_153 {
        %add3A_166 = arith.constant 2 : i32
        %add3A_167 = arith.addi %add3A_133, %add3A_166 : i32
        %mul3A_168 = arith.constant 128 : i32
        %mul3A_169 = arith.muli %add3A_167, %mul3A_168 : i32
        %dma_start3A_170 = tpu.memref_slice %arg5[%mul3A_169] : memref<5120xi32, #tpu.memory_space<vmem>> -> memref<128xi32, #tpu.memory_space<vmem>>
        %dma_start3A_171 = arith.constant 0 : i32
        %dma_start3A_172 = arith.constant 0 : i32
        %dma_start3A_173 = tpu.memref_slice %arg2[%dma_start3A_171, %dma_start3A_172] : memref<20480x128xf32, #tpu.memory_space<hbm>> -> memref<20480x128xf32, #tpu.memory_space<hbm>>
        tpu.enqueue_indirect_dma source(%dma_start3A_173 : memref<20480x128xf32, #tpu.memory_space<hbm>>) target(%arg7 : memref<128x128xf32, #tpu.memory_space<vmem>>) offsets(%dma_start3A_170 : memref<128xi32, #tpu.memory_space<vmem>>) semaphore(%arg10 : memref<!tpu.dma_semaphore, #tpu.memory_space<semaphore_mem>>)
      } else {
      }
      %add3A_154 = arith.constant 1 : i32
      %add3A_155 = arith.addi %add3A_133, %add3A_154 : i32
      %mul3A_156 = arith.constant 128 : i32
      %mul3A_157 = arith.muli %add3A_155, %mul3A_156 : i32
      %dma_wait3A_158 = tpu.memref_slice %arg5[%mul3A_157] : memref<5120xi32, #tpu.memory_space<vmem>> -> memref<128xi32, #tpu.memory_space<vmem>>
      %dma_wait3A_159 = arith.constant 0 : i32
      %dma_wait3A_160 = arith.constant 0 : i32
      %dma_wait3A_161 = tpu.memref_slice %arg2[%dma_wait3A_159, %dma_wait3A_160] : memref<20480x128xf32, #tpu.memory_space<hbm>> -> memref<20480x128xf32, #tpu.memory_space<hbm>>
      tpu.wait_indirect_dma semaphore(%arg11 : memref<!tpu.dma_semaphore, #tpu.memory_space<semaphore_mem>>) src(%dma_wait3A_161 : memref<20480x128xf32, #tpu.memory_space<hbm>>) dst(%arg8 : memref<128x128xf32, #tpu.memory_space<vmem>>)
      %add3A_162 = arith.constant 1 : i32
      %add3A_163 = arith.addi %add3A_133, %add3A_162 : i32
      %mul3A_164 = arith.constant 128 : i32
      %mul3A_165 = arith.muli %add3A_163, %mul3A_164 : i32
      "tpu.region"() ({
        %run_scoped3A_166 = tpu.sem_alloc : memref<!tpu.dma_semaphore, #tpu.memory_space<semaphore_mem>>
        %dma_start3A_167 = tpu.memref_slice %arg6[%mul3A_165] : memref<5120xi32, #tpu.memory_space<vmem>> -> memref<128xi32, #tpu.memory_space<vmem>>
        %dma_start3A_168 = arith.constant 0 : i32
        %dma_start3A_169 = arith.constant 0 : i32
        %dma_start3A_170 = tpu.memref_slice %arg9[%dma_start3A_168, %dma_start3A_169] : memref<10240x128xf32, #tpu.memory_space<vmem_shared>> -> memref<10240x128xf32, #tpu.memory_space<vmem_shared>>
        tpu.enqueue_indirect_dma source(%arg8 : memref<128x128xf32, #tpu.memory_space<vmem>>) target(%dma_start3A_170 : memref<10240x128xf32, #tpu.memory_space<vmem_shared>>) offsets(%dma_start3A_167 : memref<128xi32, #tpu.memory_space<vmem>>) semaphore(%run_scoped3A_166 : memref<!tpu.dma_semaphore, #tpu.memory_space<semaphore_mem>>) {add = true}
        %dma_wait3A_171 = tpu.memref_slice %arg6[%mul3A_165] : memref<5120xi32, #tpu.memory_space<vmem>> -> memref<128xi32, #tpu.memory_space<vmem>>
        %dma_wait3A_172 = arith.constant 0 : i32
        %dma_wait3A_173 = arith.constant 0 : i32
        %dma_wait3A_174 = tpu.memref_slice %arg9[%dma_wait3A_172, %dma_wait3A_173] : memref<10240x128xf32, #tpu.memory_space<vmem_shared>> -> memref<10240x128xf32, #tpu.memory_space<vmem_shared>>
        tpu.wait_indirect_dma semaphore(%run_scoped3A_166 : memref<!tpu.dma_semaphore, #tpu.memory_space<semaphore_mem>>) src(%arg8 : memref<128x128xf32, #tpu.memory_space<vmem>>) dst(%dma_wait3A_174 : memref<10240x128xf32, #tpu.memory_space<vmem_shared>>)
        tpu.yield
      }) : () -> ()
    }
    %scan3A_123 = arith.constant 18 : i32
    %barrier3A_124 = arith.constant 0 : index
    tpu.barrier barrier_id(%barrier3A_124)
    %mul3A_125 = arith.constant 640 : i32
    %mul3A_126 = arith.muli %arg1, %mul3A_125 : i32
    %mul3A_127 = arith.constant 640 : i32
    %mul3A_128 = arith.muli %arg1, %mul3A_127 : i32
    "tpu.region"() ({
      %run_scoped3A_129 = tpu.sem_alloc : memref<!tpu.dma_semaphore, #tpu.memory_space<semaphore_mem>>
      %dma_start3A_130 = arith.constant 0 : i32
      %dma_start3A_131 = tpu.memref_slice %arg4[%arg0, %mul3A_128, %dma_start3A_130] : memref<2x10240x128xf32, #tpu.memory_space<hbm>> -> memref<1x640x128xf32, #tpu.memory_space<hbm>>
      %dma_start3A_132 = tpu.memref_squeeze %dma_start3A_131 : memref<1x640x128xf32, #tpu.memory_space<hbm>> -> memref<640x128xf32, #tpu.memory_space<hbm>>
      %dma_start3A_133 = arith.constant 0 : i32
      %dma_start3A_134 = tpu.memref_slice %arg9[%mul3A_126, %dma_start3A_133] : memref<10240x128xf32, #tpu.memory_space<vmem_shared>> -> memref<640x128xf32, #tpu.memory_space<vmem_shared>>
      tpu.enqueue_dma source(%dma_start3A_134 : memref<640x128xf32, #tpu.memory_space<vmem_shared>>) target(%dma_start3A_132 : memref<640x128xf32, #tpu.memory_space<hbm>>) target_semaphore(%run_scoped3A_129 : memref<!tpu.dma_semaphore, #tpu.memory_space<semaphore_mem>>)
      %dma_wait3A = arith.constant 0 : i32
      %dma_wait3A_135 = tpu.memref_slice %arg4[%arg0, %mul3A_128, %dma_wait3A] : memref<2x10240x128xf32, #tpu.memory_space<hbm>> -> memref<1x640x128xf32, #tpu.memory_space<hbm>>
      %dma_wait3A_136 = tpu.memref_squeeze %dma_wait3A_135 : memref<1x640x128xf32, #tpu.memory_space<hbm>> -> memref<640x128xf32, #tpu.memory_space<hbm>>
      %dma_wait3A_137 = arith.constant 0 : i32
      %dma_wait3A_138 = tpu.memref_slice %arg9[%mul3A_126, %dma_wait3A_137] : memref<10240x128xf32, #tpu.memory_space<vmem_shared>> -> memref<640x128xf32, #tpu.memory_space<vmem_shared>>
      tpu.wait_dma2 semaphore(%run_scoped3A_129 : memref<!tpu.dma_semaphore, #tpu.memory_space<semaphore_mem>>) src(%dma_wait3A_138 : memref<640x128xf32, #tpu.memory_space<vmem_shared>>) dst(%dma_wait3A_136 : memref<640x128xf32, #tpu.memory_space<hbm>>)
      tpu.yield
    }) : () -> ()
    return
  }
}

module attributes {stable_mosaic.version = 14 : i64} {
  func.func @_g_body(%arg0: i32, %arg1: i32, %arg2: memref<1x1024x128xf32, #tpu.memory_space<vmem>>, %arg3: memref<1x8x128xf32, #tpu.memory_space<vmem>>, %arg4: memref<1x128x128xf32, #tpu.memory_space<vmem>>, %arg5: memref<1x1024x128xf32, #tpu.memory_space<vmem>>, %arg6: memref<1x8x128xf32, #tpu.memory_space<vmem>>) attributes {dimension_semantics = [#tpu.dimension_semantics<arbitrary>, #tpu.dimension_semantics<arbitrary>], iteration_bounds = array<i64: 2, 10>, scalar_prefetch = 0 : i64, scratch_operands = 0 : i64, tpu.core_type = #tpu.core_type<tc>, window_params = [{transform_indices = @transform_0, window_bounds = array<i64: 1, 1024, 128>}, {transform_indices = @transform_1, window_bounds = array<i64: 1, 8, 128>}, {transform_indices = @transform_2, window_bounds = array<i64: 1, 128, 128>}, {transform_indices = @transform_3, window_bounds = array<i64: 1, 1024, 128>}, {transform_indices = @transform_4, window_bounds = array<i64: 1, 8, 128>}]} {
    %iota3A = tpu.iota {dimensions = array<i32: 0>} : vector<8x128xi32>
    %mul3A = arith.constant 128 : i32
    %mul3A_0 = vector.broadcast %mul3A : i32 to vector<8x128xi32>
    %mul3A_1 = arith.muli %iota3A, %mul3A_0 : vector<8x128xi32>
    %iota3A_2 = tpu.iota {dimensions = array<i32: 1>} : vector<8x128xi32>
    %add3A = arith.addi %mul3A_1, %iota3A_2 : vector<8x128xi32>
    %mul3A_3 = arith.constant 1024 : i32
    %mul3A_4 = arith.muli %arg1, %mul3A_3 : i32
    %add3A_5 = vector.broadcast %mul3A_4 : i32 to vector<8x128xi32>
    %add3A_6 = arith.addi %add3A, %add3A_5 : vector<8x128xi32>
    %lt3A = arith.constant 10000 : i32
    %lt3A_7 = vector.broadcast %lt3A : i32 to vector<8x128xi32>
    %lt3A_8 = arith.cmpi slt, %add3A_6, %lt3A_7 : vector<8x128xi32>
    %get3A = arith.constant 0 : index
    %get3A_9 = arith.constant 0 : index
    %get3A_10 = arith.constant 0 : index
    %get3A_11 = vector.load %arg3[%get3A, %get3A_9, %get3A_10] : memref<1x8x128xf32, #tpu.memory_space<vmem>>, vector<1x8x128xf32>
    %get3A_12 = vector.shape_cast %get3A_11 : vector<1x8x128xf32> to vector<8x128xf32>
    %add3A_13 = arith.constant 1.000000e+00 : f32
    %add3A_14 = vector.broadcast %add3A_13 : f32 to vector<8x128xf32>
    %add3A_15 = arith.addf %get3A_12, %add3A_14 : vector<8x128xf32>
    %rsqrt3A = math.rsqrt %add3A_15 : vector<8x128xf32>
    %jit3A = arith.constant 0.000000e+00 : f32
    %broadcast_in_dim3A = vector.broadcast %jit3A : f32 to vector<8x128xf32>
    %select_n3A = arith.select %lt3A_8, %rsqrt3A, %broadcast_in_dim3A : vector<8x128xi1>, vector<8x128xf32>
    %swap3A = arith.constant 0 : index
    %swap3A_16 = arith.constant 0 : index
    %swap3A_17 = arith.constant 0 : index
    %swap3A_18 = vector.load %arg6[%swap3A, %swap3A_16, %swap3A_17] : memref<1x8x128xf32, #tpu.memory_space<vmem>>, vector<1x8x128xf32>
    %swap3A_19 = vector.shape_cast %swap3A_18 : vector<1x8x128xf32> to vector<8x128xf32>
    %swap3A_20 = vector.shape_cast %select_n3A : vector<8x128xf32> to vector<1x8x128xf32>
    tpu.vector_store %arg6[%swap3A, %swap3A_16, %swap3A_17], %swap3A_20 {strides = array<i32>} : memref<1x8x128xf32, #tpu.memory_space<vmem>>, vector<1x8x128xf32>,
    %iota3A_21 = tpu.iota {dimensions = array<i32: 0>} : vector<128x128xi32>
    %iota3A_22 = tpu.iota {dimensions = array<i32: 1>} : vector<128x128xi32>
    %add3A_23 = arith.constant 0 : i32
    %add3A_24 = vector.broadcast %add3A_23 : i32 to vector<128x128xi32>
    %add3A_25 = arith.addi %iota3A_21, %add3A_24 : vector<128x128xi32>
    %eq3A = arith.cmpi eq, %add3A_25, %iota3A_22 : vector<128x128xi32>
    %convert_element_type3A = arith.extui %eq3A : vector<128x128xi1> to vector<128x128xi32>
    %convert_element_type3A_26 = arith.sitofp %convert_element_type3A : vector<128x128xi32> to vector<128x128xf32>
    %slice3A = vector.extract_strided_slice %select_n3A {offsets = [0, 0], sizes = [1, 128], strides = [1, 1]} : vector<8x128xf32> to vector<1x128xf32>
    %dot_general3A = arith.constant dense<0.000000e+00> : vector<128x1xf32>
    %dot_general3A_27 = tpu.matmul %convert_element_type3A_26, %slice3A, %dot_general3A {dimension_numbers = #tpu.dot_dimension_numbers<[1], [1], [0], [0], [0, 0, 1, 0], [], []>, transpose_lhs_hint = false} : vector<128x128xf32>, vector<1x128xf32>, vector<128x1xf32> -> vector<128x1xf32>
    %slice3A_28 = vector.extract_strided_slice %select_n3A {offsets = [1, 0], sizes = [1, 128], strides = [1, 1]} : vector<8x128xf32> to vector<1x128xf32>
    %dot_general3A_29 = arith.constant dense<0.000000e+00> : vector<128x1xf32>
    %dot_general3A_30 = tpu.matmul %convert_element_type3A_26, %slice3A_28, %dot_general3A_29 {dimension_numbers = #tpu.dot_dimension_numbers<[1], [1], [0], [0], [0, 0, 1, 0], [], []>, transpose_lhs_hint = false} : vector<128x128xf32>, vector<1x128xf32>, vector<128x1xf32> -> vector<128x1xf32>
    %slice3A_31 = vector.extract_strided_slice %select_n3A {offsets = [2, 0], sizes = [1, 128], strides = [1, 1]} : vector<8x128xf32> to vector<1x128xf32>
    %dot_general3A_32 = arith.constant dense<0.000000e+00> : vector<128x1xf32>
    %dot_general3A_33 = tpu.matmul %convert_element_type3A_26, %slice3A_31, %dot_general3A_32 {dimension_numbers = #tpu.dot_dimension_numbers<[1], [1], [0], [0], [0, 0, 1, 0], [], []>, transpose_lhs_hint = false} : vector<128x128xf32>, vector<1x128xf32>, vector<128x1xf32> -> vector<128x1xf32>
    %slice3A_34 = vector.extract_strided_slice %select_n3A {offsets = [3, 0], sizes = [1, 128], strides = [1, 1]} : vector<8x128xf32> to vector<1x128xf32>
    %dot_general3A_35 = arith.constant dense<0.000000e+00> : vector<128x1xf32>
    %dot_general3A_36 = tpu.matmul %convert_element_type3A_26, %slice3A_34, %dot_general3A_35 {dimension_numbers = #tpu.dot_dimension_numbers<[1], [1], [0], [0], [0, 0, 1, 0], [], []>, transpose_lhs_hint = false} : vector<128x128xf32>, vector<1x128xf32>, vector<128x1xf32> -> vector<128x1xf32>
    %slice3A_37 = vector.extract_strided_slice %select_n3A {offsets = [4, 0], sizes = [1, 128], strides = [1, 1]} : vector<8x128xf32> to vector<1x128xf32>
    %dot_general3A_38 = arith.constant dense<0.000000e+00> : vector<128x1xf32>
    %dot_general3A_39 = tpu.matmul %convert_element_type3A_26, %slice3A_37, %dot_general3A_38 {dimension_numbers = #tpu.dot_dimension_numbers<[1], [1], [0], [0], [0, 0, 1, 0], [], []>, transpose_lhs_hint = false} : vector<128x128xf32>, vector<1x128xf32>, vector<128x1xf32> -> vector<128x1xf32>
    %slice3A_40 = vector.extract_strided_slice %select_n3A {offsets = [5, 0], sizes = [1, 128], strides = [1, 1]} : vector<8x128xf32> to vector<1x128xf32>
    %dot_general3A_41 = arith.constant dense<0.000000e+00> : vector<128x1xf32>
    %dot_general3A_42 = tpu.matmul %convert_element_type3A_26, %slice3A_40, %dot_general3A_41 {dimension_numbers = #tpu.dot_dimension_numbers<[1], [1], [0], [0], [0, 0, 1, 0], [], []>, transpose_lhs_hint = false} : vector<128x128xf32>, vector<1x128xf32>, vector<128x1xf32> -> vector<128x1xf32>
    %slice3A_43 = vector.extract_strided_slice %select_n3A {offsets = [6, 0], sizes = [1, 128], strides = [1, 1]} : vector<8x128xf32> to vector<1x128xf32>
    %dot_general3A_44 = arith.constant dense<0.000000e+00> : vector<128x1xf32>
    %dot_general3A_45 = tpu.matmul %convert_element_type3A_26, %slice3A_43, %dot_general3A_44 {dimension_numbers = #tpu.dot_dimension_numbers<[1], [1], [0], [0], [0, 0, 1, 0], [], []>, transpose_lhs_hint = false} : vector<128x128xf32>, vector<1x128xf32>, vector<128x1xf32> -> vector<128x1xf32>
    %slice3A_46 = vector.extract_strided_slice %select_n3A {offsets = [7, 0], sizes = [1, 128], strides = [1, 1]} : vector<8x128xf32> to vector<1x128xf32>
    %dot_general3A_47 = arith.constant dense<0.000000e+00> : vector<128x1xf32>
    %dot_general3A_48 = tpu.matmul %convert_element_type3A_26, %slice3A_46, %dot_general3A_47 {dimension_numbers = #tpu.dot_dimension_numbers<[1], [1], [0], [0], [0, 0, 1, 0], [], []>, transpose_lhs_hint = false} : vector<128x128xf32>, vector<1x128xf32>, vector<128x1xf32> -> vector<128x1xf32>
    %concatenate3A = tpu.concatenate %dot_general3A_27, %dot_general3A_30, %dot_general3A_33, %dot_general3A_36, %dot_general3A_39, %dot_general3A_42, %dot_general3A_45, %dot_general3A_48 in 0 : vector<128x1xf32>, vector<128x1xf32>, vector<128x1xf32>, vector<128x1xf32>, vector<128x1xf32>, vector<128x1xf32>, vector<128x1xf32>, vector<128x1xf32> -> vector<1024x1xf32>
    %get3A_49 = arith.constant 0 : index
    %get3A_50 = arith.constant 0 : index
    %get3A_51 = arith.constant 0 : index
    %get3A_52 = vector.load %arg2[%get3A_49, %get3A_50, %get3A_51] : memref<1x1024x128xf32, #tpu.memory_space<vmem>>, vector<1x1024x128xf32>
    %get3A_53 = vector.shape_cast %get3A_52 : vector<1x1024x128xf32> to vector<1024x128xf32>
    %get3A_54 = arith.constant 0 : index
    %get3A_55 = arith.constant 0 : index
    %get3A_56 = arith.constant 0 : index
    %get3A_57 = vector.load %arg4[%get3A_54, %get3A_55, %get3A_56] : memref<1x128x128xf32, #tpu.memory_space<vmem>>, vector<1x128x128xf32>
    %get3A_58 = vector.shape_cast %get3A_57 : vector<1x128x128xf32> to vector<128x128xf32>
    %dot_general3A_59 = arith.constant dense<0.000000e+00> : vector<1024x128xf32>
    %dot_general3A_60 = tpu.matmul %get3A_53, %get3A_58, %dot_general3A_59 {dimension_numbers = #tpu.dot_dimension_numbers<[1], [0], [0], [1], [0, 0, 1, 1], [], []>, transpose_lhs_hint = false} : vector<1024x128xf32>, vector<128x128xf32>, vector<1024x128xf32> -> vector<1024x128xf32>
    %mul3A_61 = vector.broadcast %concatenate3A : vector<1024x1xf32> to vector<1024x128xf32>
    %mul3A_62 = arith.mulf %mul3A_61, %dot_general3A_60 : vector<1024x128xf32>
    %swap3A_63 = arith.constant 0 : index
    %swap3A_64 = arith.constant 0 : index
    %swap3A_65 = arith.constant 0 : index
    %swap3A_66 = vector.load %arg5[%swap3A_63, %swap3A_64, %swap3A_65] : memref<1x1024x128xf32, #tpu.memory_space<vmem>>, vector<1x1024x128xf32>
    %swap3A_67 = vector.shape_cast %swap3A_66 : vector<1x1024x128xf32> to vector<1024x128xf32>
    %swap3A_68 = vector.shape_cast %mul3A_62 : vector<1024x128xf32> to vector<1x1024x128xf32>
    tpu.vector_store %arg5[%swap3A_63, %swap3A_64, %swap3A_65], %swap3A_68 {strides = array<i32>} : memref<1x1024x128xf32, #tpu.memory_space<vmem>>, vector<1x1024x128xf32>,
    return
  }
  func.func @transform_0(%arg0: i32, %arg1: i32) -> (i32, i32, i32) {
    %c0_i32 = arith.constant 0 : i32
    %c0_i32_0 = arith.constant 0 : i32
    return %arg0, %arg1, %c0_i32 : i32, i32, i32
  }
  func.func @transform_1(%arg0: i32, %arg1: i32) -> (i32, i32, i32) {
    %c0_i32 = arith.constant 0 : i32
    %c0_i32_0 = arith.constant 0 : i32
    return %arg0, %arg1, %c0_i32 : i32, i32, i32
  }
  func.func @transform_2(%arg0: i32, %arg1: i32) -> (i32, i32, i32) {
    %c0_i32 = arith.constant 0 : i32
    %c0_i32_0 = arith.constant 0 : i32
    %c0_i32_1 = arith.constant 0 : i32
    return %arg0, %c0_i32, %c0_i32_0 : i32, i32, i32
  }
  func.func @transform_3(%arg0: i32, %arg1: i32) -> (i32, i32, i32) {
    %c0_i32 = arith.constant 0 : i32
    %c0_i32_0 = arith.constant 0 : i32
    return %arg0, %arg1, %c0_i32 : i32, i32, i32
  }
  func.func @transform_4(%arg0: i32, %arg1: i32) -> (i32, i32, i32) {
    %c0_i32 = arith.constant 0 : i32
    %c0_i32_0 = arith.constant 0 : i32
    return %arg0, %arg1, %c0_i32 : i32, i32, i32
  }
}

module attributes {stable_mosaic.version = 14 : i64} {
  func.func @_pool_body(%arg0: i32, %arg1: i32, %arg2: memref<1x1024x128xf32, #tpu.memory_space<vmem>>, %arg3: memref<1x8x128xf32, #tpu.memory_space<vmem>>, %arg4: memref<1x1x128xf32, #tpu.memory_space<vmem>>, %arg5: memref<1x8x128xi32, #tpu.memory_space<vmem>>, %arg6: memref<2x128x128xf32, #tpu.memory_space<vmem>>, %arg7: memref<2x1x128xf32, #tpu.memory_space<vmem>>, %arg8: memref<256x1xf32, #tpu.memory_space<vmem>>, %arg9: memref<1x1xf32, #tpu.memory_space<vmem>>, %arg10: memref<128x1xf32, #tpu.memory_space<vmem>>, %arg11: memref<2x128x128xf32, #tpu.memory_space<vmem>>, %arg12: memref<2x128x1xf32, #tpu.memory_space<vmem>>) attributes {dimension_semantics = [#tpu.dimension_semantics<arbitrary>, #tpu.dimension_semantics<arbitrary>], iteration_bounds = array<i64: 2, 10>, scalar_prefetch = 0 : i64, scratch_operands = 2 : i64, tpu.core_type = #tpu.core_type<tc>, window_params = [{transform_indices = @transform_0, window_bounds = array<i64: 1, 1024, 128>}, {transform_indices = @transform_1, window_bounds = array<i64: 1, 8, 128>}, {transform_indices = @transform_2, window_bounds = array<i64: 1, 1, 128>}, {transform_indices = @transform_3, window_bounds = array<i64: 1, 8, 128>}, {pipeline_mode = #tpu.pipeline_mode<synchronous>, transform_indices = @transform_4, window_bounds = array<i64: 2, 128, 128>}, {pipeline_mode = #tpu.pipeline_mode<synchronous>, transform_indices = @transform_5, window_bounds = array<i64: 2, 1, 128>}, {pipeline_mode = #tpu.pipeline_mode<synchronous>, transform_indices = @transform_6, window_bounds = array<i64: 256, 1>}, {pipeline_mode = #tpu.pipeline_mode<synchronous>, transform_indices = @transform_7, window_bounds = array<i64: 1, 1>}, {pipeline_mode = #tpu.pipeline_mode<synchronous>, transform_indices = @transform_8, window_bounds = array<i64: 128, 1>}]} {
    %get3A = arith.constant 0 : index
    %get3A_0 = arith.constant 0 : index
    %get3A_1 = arith.constant 0 : index
    %get3A_2 = vector.load %arg3[%get3A, %get3A_0, %get3A_1] : memref<1x8x128xf32, #tpu.memory_space<vmem>>, vector<1x8x128xf32>
    %get3A_3 = vector.shape_cast %get3A_2 : vector<1x8x128xf32> to vector<8x128xf32>
    %iota3A = tpu.iota {dimensions = array<i32: 0>} : vector<128x128xi32>
    %iota3A_4 = tpu.iota {dimensions = array<i32: 1>} : vector<128x128xi32>
    %add3A = arith.constant 0 : i32
    %add3A_5 = vector.broadcast %add3A : i32 to vector<128x128xi32>
    %add3A_6 = arith.addi %iota3A, %add3A_5 : vector<128x128xi32>
    %eq3A = arith.cmpi eq, %add3A_6, %iota3A_4 : vector<128x128xi32>
    %convert_element_type3A = arith.extui %eq3A : vector<128x128xi1> to vector<128x128xi32>
    %convert_element_type3A_7 = arith.sitofp %convert_element_type3A : vector<128x128xi32> to vector<128x128xf32>
    %slice3A = vector.extract_strided_slice %get3A_3 {offsets = [0, 0], sizes = [1, 128], strides = [1, 1]} : vector<8x128xf32> to vector<1x128xf32>
    %dot_general3A = arith.constant dense<0.000000e+00> : vector<128x1xf32>
    %dot_general3A_8 = tpu.matmul %convert_element_type3A_7, %slice3A, %dot_general3A {dimension_numbers = #tpu.dot_dimension_numbers<[1], [1], [0], [0], [0, 0, 1, 0], [], []>, transpose_lhs_hint = false} : vector<128x128xf32>, vector<1x128xf32>, vector<128x1xf32> -> vector<128x1xf32>
    %slice3A_9 = vector.extract_strided_slice %get3A_3 {offsets = [1, 0], sizes = [1, 128], strides = [1, 1]} : vector<8x128xf32> to vector<1x128xf32>
    %dot_general3A_10 = arith.constant dense<0.000000e+00> : vector<128x1xf32>
    %dot_general3A_11 = tpu.matmul %convert_element_type3A_7, %slice3A_9, %dot_general3A_10 {dimension_numbers = #tpu.dot_dimension_numbers<[1], [1], [0], [0], [0, 0, 1, 0], [], []>, transpose_lhs_hint = false} : vector<128x128xf32>, vector<1x128xf32>, vector<128x1xf32> -> vector<128x1xf32>
    %slice3A_12 = vector.extract_strided_slice %get3A_3 {offsets = [2, 0], sizes = [1, 128], strides = [1, 1]} : vector<8x128xf32> to vector<1x128xf32>
    %dot_general3A_13 = arith.constant dense<0.000000e+00> : vector<128x1xf32>
    %dot_general3A_14 = tpu.matmul %convert_element_type3A_7, %slice3A_12, %dot_general3A_13 {dimension_numbers = #tpu.dot_dimension_numbers<[1], [1], [0], [0], [0, 0, 1, 0], [], []>, transpose_lhs_hint = false} : vector<128x128xf32>, vector<1x128xf32>, vector<128x1xf32> -> vector<128x1xf32>
    %slice3A_15 = vector.extract_strided_slice %get3A_3 {offsets = [3, 0], sizes = [1, 128], strides = [1, 1]} : vector<8x128xf32> to vector<1x128xf32>
    %dot_general3A_16 = arith.constant dense<0.000000e+00> : vector<128x1xf32>
    %dot_general3A_17 = tpu.matmul %convert_element_type3A_7, %slice3A_15, %dot_general3A_16 {dimension_numbers = #tpu.dot_dimension_numbers<[1], [1], [0], [0], [0, 0, 1, 0], [], []>, transpose_lhs_hint = false} : vector<128x128xf32>, vector<1x128xf32>, vector<128x1xf32> -> vector<128x1xf32>
    %slice3A_18 = vector.extract_strided_slice %get3A_3 {offsets = [4, 0], sizes = [1, 128], strides = [1, 1]} : vector<8x128xf32> to vector<1x128xf32>
    %dot_general3A_19 = arith.constant dense<0.000000e+00> : vector<128x1xf32>
    %dot_general3A_20 = tpu.matmul %convert_element_type3A_7, %slice3A_18, %dot_general3A_19 {dimension_numbers = #tpu.dot_dimension_numbers<[1], [1], [0], [0], [0, 0, 1, 0], [], []>, transpose_lhs_hint = false} : vector<128x128xf32>, vector<1x128xf32>, vector<128x1xf32> -> vector<128x1xf32>
    %slice3A_21 = vector.extract_strided_slice %get3A_3 {offsets = [5, 0], sizes = [1, 128], strides = [1, 1]} : vector<8x128xf32> to vector<1x128xf32>
    %dot_general3A_22 = arith.constant dense<0.000000e+00> : vector<128x1xf32>
    %dot_general3A_23 = tpu.matmul %convert_element_type3A_7, %slice3A_21, %dot_general3A_22 {dimension_numbers = #tpu.dot_dimension_numbers<[1], [1], [0], [0], [0, 0, 1, 0], [], []>, transpose_lhs_hint = false} : vector<128x128xf32>, vector<1x128xf32>, vector<128x1xf32> -> vector<128x1xf32>
    %slice3A_24 = vector.extract_strided_slice %get3A_3 {offsets = [6, 0], sizes = [1, 128], strides = [1, 1]} : vector<8x128xf32> to vector<1x128xf32>
    %dot_general3A_25 = arith.constant dense<0.000000e+00> : vector<128x1xf32>
    %dot_general3A_26 = tpu.matmul %convert_element_type3A_7, %slice3A_24, %dot_general3A_25 {dimension_numbers = #tpu.dot_dimension_numbers<[1], [1], [0], [0], [0, 0, 1, 0], [], []>, transpose_lhs_hint = false} : vector<128x128xf32>, vector<1x128xf32>, vector<128x1xf32> -> vector<128x1xf32>
    %slice3A_27 = vector.extract_strided_slice %get3A_3 {offsets = [7, 0], sizes = [1, 128], strides = [1, 1]} : vector<8x128xf32> to vector<1x128xf32>
    %dot_general3A_28 = arith.constant dense<0.000000e+00> : vector<128x1xf32>
    %dot_general3A_29 = tpu.matmul %convert_element_type3A_7, %slice3A_27, %dot_general3A_28 {dimension_numbers = #tpu.dot_dimension_numbers<[1], [1], [0], [0], [0, 0, 1, 0], [], []>, transpose_lhs_hint = false} : vector<128x128xf32>, vector<1x128xf32>, vector<128x1xf32> -> vector<128x1xf32>
    %concatenate3A = tpu.concatenate %dot_general3A_8, %dot_general3A_11, %dot_general3A_14, %dot_general3A_17, %dot_general3A_20, %dot_general3A_23, %dot_general3A_26, %dot_general3A_29 in 0 : vector<128x1xf32>, vector<128x1xf32>, vector<128x1xf32>, vector<128x1xf32>, vector<128x1xf32>, vector<128x1xf32>, vector<128x1xf32>, vector<128x1xf32> -> vector<1024x1xf32>
    %get3A_30 = arith.constant 0 : index
    %get3A_31 = arith.constant 0 : index
    %get3A_32 = arith.constant 0 : index
    %get3A_33 = vector.load %arg5[%get3A_30, %get3A_31, %get3A_32] : memref<1x8x128xi32, #tpu.memory_space<vmem>>, vector<1x8x128xi32>
    %get3A_34 = vector.shape_cast %get3A_33 : vector<1x8x128xi32> to vector<8x128xi32>
    %convert_element_type3A_35 = arith.sitofp %get3A_34 : vector<8x128xi32> to vector<8x128xf32>
    %iota3A_36 = tpu.iota {dimensions = array<i32: 0>} : vector<128x128xi32>
    %iota3A_37 = tpu.iota {dimensions = array<i32: 1>} : vector<128x128xi32>
    %add3A_38 = arith.constant 0 : i32
    %add3A_39 = vector.broadcast %add3A_38 : i32 to vector<128x128xi32>
    %add3A_40 = arith.addi %iota3A_36, %add3A_39 : vector<128x128xi32>
    %eq3A_41 = arith.cmpi eq, %add3A_40, %iota3A_37 : vector<128x128xi32>
    %convert_element_type3A_42 = arith.extui %eq3A_41 : vector<128x128xi1> to vector<128x128xi32>
    %convert_element_type3A_43 = arith.sitofp %convert_element_type3A_42 : vector<128x128xi32> to vector<128x128xf32>
    %slice3A_44 = vector.extract_strided_slice %convert_element_type3A_35 {offsets = [0, 0], sizes = [1, 128], strides = [1, 1]} : vector<8x128xf32> to vector<1x128xf32>
    %dot_general3A_45 = arith.constant dense<0.000000e+00> : vector<128x1xf32>
    %dot_general3A_46 = tpu.matmul %convert_element_type3A_43, %slice3A_44, %dot_general3A_45 {dimension_numbers = #tpu.dot_dimension_numbers<[1], [1], [0], [0], [0, 0, 1, 0], [], []>, transpose_lhs_hint = false} : vector<128x128xf32>, vector<1x128xf32>, vector<128x1xf32> -> vector<128x1xf32>
    %slice3A_47 = vector.extract_strided_slice %convert_element_type3A_35 {offsets = [1, 0], sizes = [1, 128], strides = [1, 1]} : vector<8x128xf32> to vector<1x128xf32>
    %dot_general3A_48 = arith.constant dense<0.000000e+00> : vector<128x1xf32>
    %dot_general3A_49 = tpu.matmul %convert_element_type3A_43, %slice3A_47, %dot_general3A_48 {dimension_numbers = #tpu.dot_dimension_numbers<[1], [1], [0], [0], [0, 0, 1, 0], [], []>, transpose_lhs_hint = false} : vector<128x128xf32>, vector<1x128xf32>, vector<128x1xf32> -> vector<128x1xf32>
    %slice3A_50 = vector.extract_strided_slice %convert_element_type3A_35 {offsets = [2, 0], sizes = [1, 128], strides = [1, 1]} : vector<8x128xf32> to vector<1x128xf32>
    %dot_general3A_51 = arith.constant dense<0.000000e+00> : vector<128x1xf32>
    %dot_general3A_52 = tpu.matmul %convert_element_type3A_43, %slice3A_50, %dot_general3A_51 {dimension_numbers = #tpu.dot_dimension_numbers<[1], [1], [0], [0], [0, 0, 1, 0], [], []>, transpose_lhs_hint = false} : vector<128x128xf32>, vector<1x128xf32>, vector<128x1xf32> -> vector<128x1xf32>
    %slice3A_53 = vector.extract_strided_slice %convert_element_type3A_35 {offsets = [3, 0], sizes = [1, 128], strides = [1, 1]} : vector<8x128xf32> to vector<1x128xf32>
    %dot_general3A_54 = arith.constant dense<0.000000e+00> : vector<128x1xf32>
    %dot_general3A_55 = tpu.matmul %convert_element_type3A_43, %slice3A_53, %dot_general3A_54 {dimension_numbers = #tpu.dot_dimension_numbers<[1], [1], [0], [0], [0, 0, 1, 0], [], []>, transpose_lhs_hint = false} : vector<128x128xf32>, vector<1x128xf32>, vector<128x1xf32> -> vector<128x1xf32>
    %slice3A_56 = vector.extract_strided_slice %convert_element_type3A_35 {offsets = [4, 0], sizes = [1, 128], strides = [1, 1]} : vector<8x128xf32> to vector<1x128xf32>
    %dot_general3A_57 = arith.constant dense<0.000000e+00> : vector<128x1xf32>
    %dot_general3A_58 = tpu.matmul %convert_element_type3A_43, %slice3A_56, %dot_general3A_57 {dimension_numbers = #tpu.dot_dimension_numbers<[1], [1], [0], [0], [0, 0, 1, 0], [], []>, transpose_lhs_hint = false} : vector<128x128xf32>, vector<1x128xf32>, vector<128x1xf32> -> vector<128x1xf32>
    %slice3A_59 = vector.extract_strided_slice %convert_element_type3A_35 {offsets = [5, 0], sizes = [1, 128], strides = [1, 1]} : vector<8x128xf32> to vector<1x128xf32>
    %dot_general3A_60 = arith.constant dense<0.000000e+00> : vector<128x1xf32>
    %dot_general3A_61 = tpu.matmul %convert_element_type3A_43, %slice3A_59, %dot_general3A_60 {dimension_numbers = #tpu.dot_dimension_numbers<[1], [1], [0], [0], [0, 0, 1, 0], [], []>, transpose_lhs_hint = false} : vector<128x128xf32>, vector<1x128xf32>, vector<128x1xf32> -> vector<128x1xf32>
    %slice3A_62 = vector.extract_strided_slice %convert_element_type3A_35 {offsets = [6, 0], sizes = [1, 128], strides = [1, 1]} : vector<8x128xf32> to vector<1x128xf32>
    %dot_general3A_63 = arith.constant dense<0.000000e+00> : vector<128x1xf32>
    %dot_general3A_64 = tpu.matmul %convert_element_type3A_43, %slice3A_62, %dot_general3A_63 {dimension_numbers = #tpu.dot_dimension_numbers<[1], [1], [0], [0], [0, 0, 1, 0], [], []>, transpose_lhs_hint = false} : vector<128x128xf32>, vector<1x128xf32>, vector<128x1xf32> -> vector<128x1xf32>
    %slice3A_65 = vector.extract_strided_slice %convert_element_type3A_35 {offsets = [7, 0], sizes = [1, 128], strides = [1, 1]} : vector<8x128xf32> to vector<1x128xf32>
    %dot_general3A_66 = arith.constant dense<0.000000e+00> : vector<128x1xf32>
    %dot_general3A_67 = tpu.matmul %convert_element_type3A_43, %slice3A_65, %dot_general3A_66 {dimension_numbers = #tpu.dot_dimension_numbers<[1], [1], [0], [0], [0, 0, 1, 0], [], []>, transpose_lhs_hint = false} : vector<128x128xf32>, vector<1x128xf32>, vector<128x1xf32> -> vector<128x1xf32>
    %concatenate3A_68 = tpu.concatenate %dot_general3A_46, %dot_general3A_49, %dot_general3A_52, %dot_general3A_55, %dot_general3A_58, %dot_general3A_61, %dot_general3A_64, %dot_general3A_67 in 0 : vector<128x1xf32>, vector<128x1xf32>, vector<128x1xf32>, vector<128x1xf32>, vector<128x1xf32>, vector<128x1xf32>, vector<128x1xf32>, vector<128x1xf32> -> vector<1024x1xf32>
    %get3A_69 = arith.constant 0 : index
    %get3A_70 = arith.constant 0 : index
    %get3A_71 = arith.constant 0 : index
    %get3A_72 = vector.load %arg2[%get3A_69, %get3A_70, %get3A_71] : memref<1x1024x128xf32, #tpu.memory_space<vmem>>, vector<1x1024x128xf32>
    %get3A_73 = vector.shape_cast %get3A_72 : vector<1x1024x128xf32> to vector<1024x128xf32>
    %mul3A = vector.broadcast %concatenate3A : vector<1024x1xf32> to vector<1024x128xf32>
    %mul3A_74 = arith.mulf %mul3A, %get3A_73 : vector<1024x128xf32>
    %get3A_75 = arith.constant 0 : index
    %get3A_76 = arith.constant 0 : index
    %get3A_77 = arith.constant 0 : index
    %get3A_78 = vector.load %arg4[%get3A_75, %get3A_76, %get3A_77] : memref<1x1x128xf32, #tpu.memory_space<vmem>>, vector<1x1x128xf32>
    %get3A_79 = vector.shape_cast %get3A_78 : vector<1x1x128xf32> to vector<1x128xf32>
    %add3A_80 = vector.broadcast %get3A_79 : vector<1x128xf32> to vector<1024x128xf32>
    %add3A_81 = arith.addf %mul3A_74, %add3A_80 : vector<1024x128xf32>
    %ge3A = arith.constant 0.000000e+00 : f32
    %ge3A_82 = vector.broadcast %ge3A : f32 to vector<1024x128xf32>
    %ge3A_83 = arith.cmpf oge, %add3A_81, %ge3A_82 : vector<1024x128xf32>
    %mul3A_84 = arith.constant 0.00999999977 : f32
    %mul3A_85 = vector.broadcast %mul3A_84 : f32 to vector<1024x128xf32>
    %mul3A_86 = arith.mulf %mul3A_85, %add3A_81 : vector<1024x128xf32>
    %select_n3A = arith.select %ge3A_83, %add3A_81, %mul3A_86 : vector<1024x128xi1>, vector<1024x128xf32>
    %iota3A_87 = tpu.iota {dimensions = array<i32: 1>} : vector<1x128xi32>
    %convert_element_type3A_88 = arith.sitofp %iota3A_87 : vector<1x128xi32> to vector<1x128xf32>
    %eq3A_89 = vector.broadcast %concatenate3A_68 : vector<1024x1xf32> to vector<1024x128xf32>
    %eq3A_90 = vector.broadcast %convert_element_type3A_88 : vector<1x128xf32> to vector<1024x128xf32>
    %eq3A_91 = arith.cmpf oeq, %eq3A_89, %eq3A_90 : vector<1024x128xf32>
    %convert_element_type3A_92 = arith.extui %eq3A_91 : vector<1024x128xi1> to vector<1024x128xi32>
    %convert_element_type3A_93 = arith.sitofp %convert_element_type3A_92 : vector<1024x128xi32> to vector<1024x128xf32>
    %dot_general3A_94 = arith.constant dense<0.000000e+00> : vector<128x128xf32>
    %dot_general3A_95 = tpu.matmul %convert_element_type3A_93, %select_n3A, %dot_general3A_94 {dimension_numbers = #tpu.dot_dimension_numbers<[0], [0], [1], [1], [0, 1, 1, 1], [], []>, transpose_lhs_hint = false} : vector<1024x128xf32>, vector<1024x128xf32>, vector<128x128xf32> -> vector<128x128xf32>
    %broadcast_in_dim3A = arith.constant 1.000000e+00 : f32
    %broadcast_in_dim3A_96 = vector.broadcast %broadcast_in_dim3A : f32 to vector<1024x1xf32>
    %dot_general3A_97 = arith.constant dense<0.000000e+00> : vector<128x1xf32>
    %dot_general3A_98 = tpu.matmul %convert_element_type3A_93, %broadcast_in_dim3A_96, %dot_general3A_97 {dimension_numbers = #tpu.dot_dimension_numbers<[0], [0], [1], [1], [0, 1, 1, 1], [], []>, transpose_lhs_hint = false} : vector<1024x128xf32>, vector<1024x1xf32>, vector<128x1xf32> -> vector<128x1xf32>
    %eq3A_99 = arith.constant 0 : i32
    %eq3A_100 = arith.cmpi eq, %arg0, %eq3A_99 : i32
    %eq3A_101 = arith.constant 0 : i32
    %eq3A_102 = arith.cmpi eq, %arg1, %eq3A_101 : i32
    %and3A = arith.andi %eq3A_100, %eq3A_102 : i1
    %convert_element_type3A_103 = arith.extui %and3A : i1 to i32
    %cond3A = arith.constant 0 : i32
    %cond3A_104 = arith.cmpi ne, %convert_element_type3A_103, %cond3A : i32
    scf.if %cond3A_104 {
      %broadcast_in_dim3A_123 = arith.constant 0.000000e+00 : f32
      %broadcast_in_dim3A_124 = vector.broadcast %broadcast_in_dim3A_123 : f32 to vector<2x128x128xf32>
      %swap3A = arith.constant 0 : index
      %swap3A_125 = arith.constant 0 : index
      %swap3A_126 = arith.constant 0 : index
      %swap3A_127 = vector.load %arg11[%swap3A, %swap3A_125, %swap3A_126] : memref<2x128x128xf32, #tpu.memory_space<vmem>>, vector<2x128x128xf32>
      tpu.vector_store %arg11[%swap3A, %swap3A_125, %swap3A_126], %broadcast_in_dim3A_124 {strides = array<i32>} : memref<2x128x128xf32, #tpu.memory_space<vmem>>, vector<2x128x128xf32>,
      %broadcast_in_dim3A_128 = arith.constant 0.000000e+00 : f32
      %broadcast_in_dim3A_129 = vector.broadcast %broadcast_in_dim3A_128 : f32 to vector<2x128x1xf32>
      %swap3A_130 = arith.constant 0 : index
      %swap3A_131 = arith.constant 0 : index
      %swap3A_132 = arith.constant 0 : index
      %swap3A_133 = vector.load %arg12[%swap3A_130, %swap3A_131, %swap3A_132] : memref<2x128x1xf32, #tpu.memory_space<vmem>>, vector<2x128x1xf32>
      tpu.vector_store %arg12[%swap3A_130, %swap3A_131, %swap3A_132], %broadcast_in_dim3A_129 {strides = array<i32>} : memref<2x128x1xf32, #tpu.memory_space<vmem>>, vector<2x128x1xf32>,
    } else {
    }
    %eq3A_105 = arith.constant 0 : i32
    %eq3A_106 = arith.cmpi eq, %arg0, %eq3A_105 : i32
    %convert_element_type3A_107 = arith.extui %eq3A_106 : i1 to i32
    %cond3A_108 = arith.constant 0 : i32
    %cond3A_109 = arith.cmpi ne, %convert_element_type3A_107, %cond3A_108 : i32
    scf.if %cond3A_109 {
      %get3A_123 = arith.constant 0 : index
      %get3A_124 = arith.constant 0 : index
      %get3A_125 = arith.constant 0 : index
      %get3A_126 = vector.load %arg11[%get3A_123, %get3A_124, %get3A_125] : memref<2x128x128xf32, #tpu.memory_space<vmem>>, vector<1x128x128xf32>
      %get3A_127 = vector.shape_cast %get3A_126 : vector<1x128x128xf32> to vector<128x128xf32>
      %add3A_128 = arith.addf %get3A_127, %dot_general3A_95 : vector<128x128xf32>
      %swap3A = arith.constant 0 : index
      %swap3A_129 = arith.constant 0 : index
      %swap3A_130 = arith.constant 0 : index
      %swap3A_131 = vector.load %arg11[%swap3A, %swap3A_129, %swap3A_130] : memref<2x128x128xf32, #tpu.memory_space<vmem>>, vector<1x128x128xf32>
      %swap3A_132 = vector.shape_cast %swap3A_131 : vector<1x128x128xf32> to vector<128x128xf32>
      %swap3A_133 = vector.shape_cast %add3A_128 : vector<128x128xf32> to vector<1x128x128xf32>
      tpu.vector_store %arg11[%swap3A, %swap3A_129, %swap3A_130], %swap3A_133 {strides = array<i32>} : memref<2x128x128xf32, #tpu.memory_space<vmem>>, vector<1x128x128xf32>,
      %get3A_134 = arith.constant 0 : index
      %get3A_135 = arith.constant 0 : index
      %get3A_136 = arith.constant 0 : index
      %get3A_137 = vector.load %arg12[%get3A_134, %get3A_135, %get3A_136] : memref<2x128x1xf32, #tpu.memory_space<vmem>>, vector<1x128x1xf32>
      %get3A_138 = vector.shape_cast %get3A_137 : vector<1x128x1xf32> to vector<128x1xf32>
      %add3A_139 = arith.addf %get3A_138, %dot_general3A_98 : vector<128x1xf32>
      %swap3A_140 = arith.constant 0 : index
      %swap3A_141 = arith.constant 0 : index
      %swap3A_142 = arith.constant 0 : index
      %swap3A_143 = vector.load %arg12[%swap3A_140, %swap3A_141, %swap3A_142] : memref<2x128x1xf32, #tpu.memory_space<vmem>>, vector<1x128x1xf32>
      %swap3A_144 = vector.shape_cast %swap3A_143 : vector<1x128x1xf32> to vector<128x1xf32>
      %swap3A_145 = vector.shape_cast %add3A_139 : vector<128x1xf32> to vector<1x128x1xf32>
      tpu.vector_store %arg12[%swap3A_140, %swap3A_141, %swap3A_142], %swap3A_145 {strides = array<i32>} : memref<2x128x1xf32, #tpu.memory_space<vmem>>, vector<1x128x1xf32>,
    } else {
    }
    %eq3A_110 = arith.constant 1 : i32
    %eq3A_111 = arith.cmpi eq, %arg0, %eq3A_110 : i32
    %convert_element_type3A_112 = arith.extui %eq3A_111 : i1 to i32
    %cond3A_113 = arith.constant 0 : i32
    %cond3A_114 = arith.cmpi ne, %convert_element_type3A_112, %cond3A_113 : i32
    scf.if %cond3A_114 {
      %get3A_123 = arith.constant 1 : index
      %get3A_124 = arith.constant 0 : index
      %get3A_125 = arith.constant 0 : index
      %get3A_126 = vector.load %arg11[%get3A_123, %get3A_124, %get3A_125] : memref<2x128x128xf32, #tpu.memory_space<vmem>>, vector<1x128x128xf32>
      %get3A_127 = vector.shape_cast %get3A_126 : vector<1x128x128xf32> to vector<128x128xf32>
      %add3A_128 = arith.addf %get3A_127, %dot_general3A_95 : vector<128x128xf32>
      %swap3A = arith.constant 1 : index
      %swap3A_129 = arith.constant 0 : index
      %swap3A_130 = arith.constant 0 : index
      %swap3A_131 = vector.load %arg11[%swap3A, %swap3A_129, %swap3A_130] : memref<2x128x128xf32, #tpu.memory_space<vmem>>, vector<1x128x128xf32>
      %swap3A_132 = vector.shape_cast %swap3A_131 : vector<1x128x128xf32> to vector<128x128xf32>
      %swap3A_133 = vector.shape_cast %add3A_128 : vector<128x128xf32> to vector<1x128x128xf32>
      tpu.vector_store %arg11[%swap3A, %swap3A_129, %swap3A_130], %swap3A_133 {strides = array<i32>} : memref<2x128x128xf32, #tpu.memory_space<vmem>>, vector<1x128x128xf32>,
      %get3A_134 = arith.constant 1 : index
      %get3A_135 = arith.constant 0 : index
      %get3A_136 = arith.constant 0 : index
      %get3A_137 = vector.load %arg12[%get3A_134, %get3A_135, %get3A_136] : memref<2x128x1xf32, #tpu.memory_space<vmem>>, vector<1x128x1xf32>
      %get3A_138 = vector.shape_cast %get3A_137 : vector<1x128x1xf32> to vector<128x1xf32>
      %add3A_139 = arith.addf %get3A_138, %dot_general3A_98 : vector<128x1xf32>
      %swap3A_140 = arith.constant 1 : index
      %swap3A_141 = arith.constant 0 : index
      %swap3A_142 = arith.constant 0 : index
      %swap3A_143 = vector.load %arg12[%swap3A_140, %swap3A_141, %swap3A_142] : memref<2x128x1xf32, #tpu.memory_space<vmem>>, vector<1x128x1xf32>
      %swap3A_144 = vector.shape_cast %swap3A_143 : vector<1x128x1xf32> to vector<128x1xf32>
      %swap3A_145 = vector.shape_cast %add3A_139 : vector<128x1xf32> to vector<1x128x1xf32>
      tpu.vector_store %arg12[%swap3A_140, %swap3A_141, %swap3A_142], %swap3A_145 {strides = array<i32>} : memref<2x128x1xf32, #tpu.memory_space<vmem>>, vector<1x128x1xf32>,
    } else {
    }
    %eq3A_115 = arith.constant 1 : i32
    %eq3A_116 = arith.cmpi eq, %arg0, %eq3A_115 : i32
    %eq3A_117 = arith.constant 9 : i32
    %eq3A_118 = arith.cmpi eq, %arg1, %eq3A_117 : i32
    %and3A_119 = arith.andi %eq3A_116, %eq3A_118 : i1
    %convert_element_type3A_120 = arith.extui %and3A_119 : i1 to i32
    %cond3A_121 = arith.constant 0 : i32
    %cond3A_122 = arith.cmpi ne, %convert_element_type3A_120, %cond3A_121 : i32
    scf.if %cond3A_122 {
      %get3A_123 = arith.constant 0 : index
      %get3A_124 = arith.constant 0 : index
      %get3A_125 = arith.constant 0 : index
      %get3A_126 = vector.load %arg11[%get3A_123, %get3A_124, %get3A_125] : memref<2x128x128xf32, #tpu.memory_space<vmem>>, vector<1x128x128xf32>
      %get3A_127 = vector.shape_cast %get3A_126 : vector<1x128x128xf32> to vector<128x128xf32>
      %get3A_128 = arith.constant 0 : index
      %get3A_129 = arith.constant 0 : index
      %get3A_130 = arith.constant 0 : index
      %get3A_131 = vector.load %arg12[%get3A_128, %get3A_129, %get3A_130] : memref<2x128x1xf32, #tpu.memory_space<vmem>>, vector<1x128x1xf32>
      %get3A_132 = vector.shape_cast %get3A_131 : vector<1x128x1xf32> to vector<128x1xf32>
      %max3A = arith.constant 1.000000e+00 : f32
      %max3A_133 = vector.broadcast %max3A : f32 to vector<128x1xf32>
      %max3A_134 = arith.maximumf %get3A_132, %max3A_133 : vector<128x1xf32>
      %div3A = vector.broadcast %max3A_134 : vector<128x1xf32> to vector<128x128xf32>
      %div3A_135 = arith.divf %get3A_127, %div3A : vector<128x128xf32>
      %get3A_136 = arith.constant 0 : index
      %get3A_137 = arith.constant 0 : index
      %get3A_138 = arith.constant 0 : index
      %get3A_139 = vector.load %arg6[%get3A_136, %get3A_137, %get3A_138] : memref<2x128x128xf32, #tpu.memory_space<vmem>>, vector<1x128x128xf32>
      %get3A_140 = vector.shape_cast %get3A_139 : vector<1x128x128xf32> to vector<128x128xf32>
      %dot_general3A_141 = arith.constant dense<0.000000e+00> : vector<128x128xf32>
      %dot_general3A_142 = tpu.matmul %div3A_135, %get3A_140, %dot_general3A_141 {dimension_numbers = #tpu.dot_dimension_numbers<[1], [0], [0], [1], [0, 0, 1, 1], [], []>, transpose_lhs_hint = false} : vector<128x128xf32>, vector<128x128xf32>, vector<128x128xf32> -> vector<128x128xf32>
      %get3A_143 = arith.constant 0 : index
      %get3A_144 = arith.constant 0 : index
      %get3A_145 = arith.constant 0 : index
      %get3A_146 = vector.load %arg7[%get3A_143, %get3A_144, %get3A_145] : memref<2x1x128xf32, #tpu.memory_space<vmem>>, vector<1x1x128xf32>
      %get3A_147 = vector.shape_cast %get3A_146 : vector<1x1x128xf32> to vector<1x128xf32>
      %add3A_148 = vector.broadcast %get3A_147 : vector<1x128xf32> to vector<128x128xf32>
      %add3A_149 = arith.addf %dot_general3A_142, %add3A_148 : vector<128x128xf32>
      %ge3A_150 = arith.constant 0.000000e+00 : f32
      %ge3A_151 = vector.broadcast %ge3A_150 : f32 to vector<128x128xf32>
      %ge3A_152 = arith.cmpf oge, %add3A_149, %ge3A_151 : vector<128x128xf32>
      %mul3A_153 = arith.constant 0.00999999977 : f32
      %mul3A_154 = vector.broadcast %mul3A_153 : f32 to vector<128x128xf32>
      %mul3A_155 = arith.mulf %mul3A_154, %add3A_149 : vector<128x128xf32>
      %select_n3A_156 = arith.select %ge3A_152, %add3A_149, %mul3A_155 : vector<128x128xi1>, vector<128x128xf32>
      %get3A_157 = arith.constant 0 : index
      %get3A_158 = arith.constant 0 : index
      %get3A_159 = vector.load %arg8[%get3A_157, %get3A_158] : memref<256x1xf32, #tpu.memory_space<vmem>>, vector<128x1xf32>
      %dot_general3A_160 = arith.constant dense<0.000000e+00> : vector<128x1xf32>
      %dot_general3A_161 = tpu.matmul %select_n3A_156, %get3A_159, %dot_general3A_160 {dimension_numbers = #tpu.dot_dimension_numbers<[1], [0], [0], [1], [0, 0, 1, 1], [], []>, transpose_lhs_hint = false} : vector<128x128xf32>, vector<128x1xf32>, vector<128x1xf32> -> vector<128x1xf32>
      %get3A_162 = arith.constant 1 : index
      %get3A_163 = arith.constant 0 : index
      %get3A_164 = arith.constant 0 : index
      %get3A_165 = vector.load %arg11[%get3A_162, %get3A_163, %get3A_164] : memref<2x128x128xf32, #tpu.memory_space<vmem>>, vector<1x128x128xf32>
      %get3A_166 = vector.shape_cast %get3A_165 : vector<1x128x128xf32> to vector<128x128xf32>
      %get3A_167 = arith.constant 1 : index
      %get3A_168 = arith.constant 0 : index
      %get3A_169 = arith.constant 0 : index
      %get3A_170 = vector.load %arg12[%get3A_167, %get3A_168, %get3A_169] : memref<2x128x1xf32, #tpu.memory_space<vmem>>, vector<1x128x1xf32>
      %get3A_171 = vector.shape_cast %get3A_170 : vector<1x128x1xf32> to vector<128x1xf32>
      %max3A_172 = arith.constant 1.000000e+00 : f32
      %max3A_173 = vector.broadcast %max3A_172 : f32 to vector<128x1xf32>
      %max3A_174 = arith.maximumf %get3A_171, %max3A_173 : vector<128x1xf32>
      %div3A_175 = vector.broadcast %max3A_174 : vector<128x1xf32> to vector<128x128xf32>
      %div3A_176 = arith.divf %get3A_166, %div3A_175 : vector<128x128xf32>
      %get3A_177 = arith.constant 1 : index
      %get3A_178 = arith.constant 0 : index
      %get3A_179 = arith.constant 0 : index
      %get3A_180 = vector.load %arg6[%get3A_177, %get3A_178, %get3A_179] : memref<2x128x128xf32, #tpu.memory_space<vmem>>, vector<1x128x128xf32>
      %get3A_181 = vector.shape_cast %get3A_180 : vector<1x128x128xf32> to vector<128x128xf32>
      %dot_general3A_182 = arith.constant dense<0.000000e+00> : vector<128x128xf32>
      %dot_general3A_183 = tpu.matmul %div3A_176, %get3A_181, %dot_general3A_182 {dimension_numbers = #tpu.dot_dimension_numbers<[1], [0], [0], [1], [0, 0, 1, 1], [], []>, transpose_lhs_hint = false} : vector<128x128xf32>, vector<128x128xf32>, vector<128x128xf32> -> vector<128x128xf32>
      %get3A_184 = arith.constant 1 : index
      %get3A_185 = arith.constant 0 : index
      %get3A_186 = arith.constant 0 : index
      %get3A_187 = vector.load %arg7[%get3A_184, %get3A_185, %get3A_186] : memref<2x1x128xf32, #tpu.memory_space<vmem>>, vector<1x1x128xf32>
      %get3A_188 = vector.shape_cast %get3A_187 : vector<1x1x128xf32> to vector<1x128xf32>
      %add3A_189 = vector.broadcast %get3A_188 : vector<1x128xf32> to vector<128x128xf32>
      %add3A_190 = arith.addf %dot_general3A_183, %add3A_189 : vector<128x128xf32>
      %ge3A_191 = arith.constant 0.000000e+00 : f32
      %ge3A_192 = vector.broadcast %ge3A_191 : f32 to vector<128x128xf32>
      %ge3A_193 = arith.cmpf oge, %add3A_190, %ge3A_192 : vector<128x128xf32>
      %mul3A_194 = arith.constant 0.00999999977 : f32
      %mul3A_195 = vector.broadcast %mul3A_194 : f32 to vector<128x128xf32>
      %mul3A_196 = arith.mulf %mul3A_195, %add3A_190 : vector<128x128xf32>
      %select_n3A_197 = arith.select %ge3A_193, %add3A_190, %mul3A_196 : vector<128x128xi1>, vector<128x128xf32>
      %get3A_198 = arith.constant 128 : index
      %get3A_199 = arith.constant 0 : index
      %get3A_200 = vector.load %arg8[%get3A_198, %get3A_199] : memref<256x1xf32, #tpu.memory_space<vmem>>, vector<128x1xf32>
      %dot_general3A_201 = arith.constant dense<0.000000e+00> : vector<128x1xf32>
      %dot_general3A_202 = tpu.matmul %select_n3A_197, %get3A_200, %dot_general3A_201 {dimension_numbers = #tpu.dot_dimension_numbers<[1], [0], [0], [1], [0, 0, 1, 1], [], []>, transpose_lhs_hint = false} : vector<128x128xf32>, vector<128x1xf32>, vector<128x1xf32> -> vector<128x1xf32>
      %add3A_203 = arith.addf %dot_general3A_161, %dot_general3A_202 : vector<128x1xf32>
      %get3A_204 = arith.constant 0 : index
      %get3A_205 = arith.constant 0 : index
      %get3A_206 = vector.load %arg9[%get3A_204, %get3A_205] : memref<1x1xf32, #tpu.memory_space<vmem>>, vector<1x1xf32>
      %add3A_207 = vector.broadcast %get3A_206 : vector<1x1xf32> to vector<128x1xf32>
      %add3A_208 = arith.addf %add3A_203, %add3A_207 : vector<128x1xf32>
      %swap3A = arith.constant 0 : index
      %swap3A_209 = arith.constant 0 : index
      %swap3A_210 = vector.load %arg10[%swap3A, %swap3A_209] : memref<128x1xf32, #tpu.memory_space<vmem>>, vector<128x1xf32>
      tpu.vector_store %arg10[%swap3A, %swap3A_209], %add3A_208 {strides = array<i32>} : memref<128x1xf32, #tpu.memory_space<vmem>>, vector<128x1xf32>,
    } else {
    }
    return
  }
  func.func @transform_0(%arg0: i32, %arg1: i32) -> (i32, i32, i32) {
    %c0_i32 = arith.constant 0 : i32
    %c0_i32_0 = arith.constant 0 : i32
    return %arg0, %arg1, %c0_i32 : i32, i32, i32
  }
  func.func @transform_1(%arg0: i32, %arg1: i32) -> (i32, i32, i32) {
    %c0_i32 = arith.constant 0 : i32
    %c0_i32_0 = arith.constant 0 : i32
    return %arg0, %arg1, %c0_i32 : i32, i32, i32
  }
  func.func @transform_2(%arg0: i32, %arg1: i32) -> (i32, i32, i32) {
    %c0_i32 = arith.constant 0 : i32
    %c0_i32_0 = arith.constant 0 : i32
    %c0_i32_1 = arith.constant 0 : i32
    return %arg0, %c0_i32, %c0_i32_0 : i32, i32, i32
  }
  func.func @transform_3(%arg0: i32, %arg1: i32) -> (i32, i32, i32) {
    %c0_i32 = arith.constant 0 : i32
    %c0_i32_0 = arith.constant 0 : i32
    return %arg0, %arg1, %c0_i32 : i32, i32, i32
  }
  func.func @transform_4(%arg0: i32, %arg1: i32) -> (i32, i32, i32) {
    %c0_i32 = arith.constant 0 : i32
    %c0_i32_0 = arith.constant 0 : i32
    %c0_i32_1 = arith.constant 0 : i32
    %c0_i32_2 = arith.constant 0 : i32
    return %c0_i32, %c0_i32_0, %c0_i32_1 : i32, i32, i32
  }
  func.func @transform_5(%arg0: i32, %arg1: i32) -> (i32, i32, i32) {
    %c0_i32 = arith.constant 0 : i32
    %c0_i32_0 = arith.constant 0 : i32
    %c0_i32_1 = arith.constant 0 : i32
    %c0_i32_2 = arith.constant 0 : i32
    return %c0_i32, %c0_i32_0, %c0_i32_1 : i32, i32, i32
  }
  func.func @transform_6(%arg0: i32, %arg1: i32) -> (i32, i32) {
    %c0_i32 = arith.constant 0 : i32
    %c0_i32_0 = arith.constant 0 : i32
    %c0_i32_1 = arith.constant 0 : i32
    return %c0_i32, %c0_i32_0 : i32, i32
  }
  func.func @transform_7(%arg0: i32, %arg1: i32) -> (i32, i32) {
    %c0_i32 = arith.constant 0 : i32
    %c0_i32_0 = arith.constant 0 : i32
    %c0_i32_1 = arith.constant 0 : i32
    return %c0_i32, %c0_i32_0 : i32, i32
  }
  func.func @transform_8(%arg0: i32, %arg1: i32) -> (i32, i32) {
    %c0_i32 = arith.constant 0 : i32
    %c0_i32_0 = arith.constant 0 : i32
    %c0_i32_1 = arith.constant 0 : i32
    return %c0_i32, %c0_i32_0 : i32, i32
  }
}

</mosaic_0001>

<sc_bundles>
// kernel: kernel.6.cloned.1.call-start
scs
__scs_entry_jumppad:
0x0: {  	(pc) =	sbr.rel $0x88, $3  }
0x1: {  	(tag) =	ssettag $0x0;
	lr =	simm.s32 $0x1  }
0x2: {  	[smem:$0x3F91] =	sst lr;
	_ =	strace $0xD0000000  }
0x3: {  	_ = 	snop  }
0x4: {  	_ = 	snop  }
0x5: {  	_ = 	snop  }
0x6: {  	_ = 	snop  }
0x7: {  	_ = 	snop  }
__scs_overlays_trampoline_lowered:
0x8: {  	[smem:$0x3FA0] =	sst s0  }
0x9: {  	[smem:$0x3FA1] =	sst s1  }
0xa: {  	[smem:$0x3FA2] =	sst s2  }
0xb: {  	[smem:$0x3FA3] =	sst s3  }
0xc: {  	[smem:$0x3FA4] =	sst s4  }
0xd: {  	[smem:$0x3FA5] =	sst s5  }
0xe: {  	[smem:$0x3FA6] =	sst s6  }
0xf: {  	[smem:$0x3FA7] =	sst s7  }
0x10: {  	[smem:$0x3FA8] =	sst s8  }
0x11: {  	[smem:$0x3FA9] =	sst s9;
	s0 =	simm.s32 @!p0 $0x0  }
0x12: {  	s1 =	sld [smem:$0x3F8F];
	s0 =	simm.s32 @p0 $0x1  }
0x13: {  	[smem:$0x3FAA] =	sst s0;
	s0 =	simm.s32 @!p1 $0x0  }
0x14: {  	s2 =	sld [smem:$0x3F8E];
	s0 =	simm.s32 @p1 $0x1  }
0x15: {  	[smem:$0x3FAB] =	sst s0;
	s0 =	simm.s32 @!p2 $0x0  }
0x16: {  	s3 =	sld [smem:$0x3FDB];
	s0 =	simm.s32 @p2 $0x1  }
0x17: {  	s4 =	simm.s32 $0x1BF5;
	[smem:$0x3FAD] =	sst s0  }
0x18: {  	s0 =	sld [smem:$0x3F90];
	_ =	swait.ge [sflag:s4], $0x0  }
0x19: {  	s7 =	sld [smem:$0x3F91]  }
0x1a: {  	s8 =	sadd.s32 $0xFFFFE003, lr  }
0x1b: {  	s9 =	sadd.s32 $0xFFFFFEF7, lr;
	s5 =	simm.s32 $0xFFFFFFFF;
	p2 =	slt.u32 s8, $0xFFFFF086  }
0x1c: {  	p1 =	slt.u32 s9, $0xF7A;
	s5 =	simm.s32 @!p2 $0x0  }
0x1d: {  	s5 =	simm.s32 @p1 $0x1;
	p0 =	seq.s32 s7, s2  }
0x1e: {  	s7 =	smul.u32 @!p0 $0xF7A, s2;
	p2 =	seq.s32 @!p0 s5, $0x0  }
0x1f: {  	s9 =	smul.u32 $0xF7A, s1;
	s8 =	simm.s32 @!p0 $0x1BF5;
	p2 =	por !p2, p0  }
0x20: {  	[sflag:s8] =	ssyncset.s32 @!p0 $0xFFFFF086;
	s6 =	sadd.s32 @!p0 s3, s7;
	s7 =	simm.s32 @!p0 $0x108  }
0x21: {  	s3 =	sadd.s32 s3, s9;
	s6 =	sadd.s32 @!p0 $0x88, s6;
	s7 =	simm.s32 @p2 $0x1082  }
0x22: {  	[simem:s7], [sflag:s8] =	dma.local @!p0 [hbm:s6], $0xF7A  }
0x23: {  	s9 =	sor.u32 $0xD0000000, s2;
	s6 =	simm.s32 $0x108;
	_ =	swait.ge @!p0 [sflag:s8], $0x0  }
0x24: {  	s3 =	sadd.s32 $0x88, s3;
	s6 =	simm.s32 @!p1 $0x1082;
	[sflag:s4] =	ssyncset.s32 $0xFFFFF086  }
0x25: {  	[simem:s6], [sflag:s4] =	dma.local [hbm:s3], $0xF7A  }
0x26: {  	[smem:$0x3F91] =	sst s1;
	(tag) =	ssettag s2;
	_ =	strace s9  }
0x27: {  	s1 =	sld [smem:$0x3FA1]  }
0x28: {  	s2 =	sld [smem:$0x3FA2]  }
0x29: {  	s4 =	sld [smem:$0x3FA4]  }
0x2a: {  	p0 =	seq.s32 s5, $0x0;
	s5 =	sld [smem:$0x3FA5]  }
0x2b: {  	s6 =	sld [smem:$0x3FA6]  }
0x2c: {  	s7 =	sld [smem:$0x3FA7]  }
0x2d: {  	s3 =	simm.s32 $0x108;
	s8 =	sld [smem:$0x3FA8]  }
0x2e: {  	s3 =	simm.s32 @!p0 $0x1082;
	s9 =	sld [smem:$0x3FA9]  }
0x2f: {  	lr =	sadd.s32 s0, s3;
	s0 =	sld [smem:$0x3FA0]  }
0x30: {  	s3 =	sld [smem:$0x3FA3]  }
0x31: {  	[smem:$0x3FAC] =	sst s10  }
0x32: {  	s10 =	sld [smem:$0x3FAA];
	_ =	sdelay $0x3  }
0x33: {  	p0 =	seq.s32 s10, $0x1;
	s10 =	sld [smem:$0x3FAC];
	_ =	sdelay $0x3  }
0x34: {  	[smem:$0x3FAC] =	sst s10  }
0x35: {  	s10 =	sld [smem:$0x3FAB];
	_ =	sdelay $0x3  }
0x36: {  	p1 =	seq.s32 s10, $0x1;
	s10 =	sld [smem:$0x3FAC];
	_ =	sdelay $0x3  }
0x37: {  	[smem:$0x3FAC] =	sst s10  }
0x38: {  	s10 =	sld [smem:$0x3FAD]  }
0x39: {  	_ = 	snop;
	(pc) =	sbr.ind lr, $3  }
0x3a: {  	_ = 	snop  }
0x3b: {  	_ = 	snop  }
0x3c: {  	p2 =	seq.s32 s10, $0x1;
	s10 =	sld [smem:$0x3FAC]  }
0x3d: {  	_ =	shalt  }
0x3e: {  	_ =	shalt  }
0x3f: {  	_ =	shalt  }
0x40: {  	_ =	shalt  }
0x41: {  	_ =	shalt  }
0x42: {  	_ =	shalt  }
0x43: {  	_ =	shalt  }
0x44: {  	_ =	shalt  }
0x45: {  	_ =	shalt  }
0x46: {  	_ =	shalt  }
0x47: {  	_ =	shalt  }
0x48: {  	_ =	shalt  }
0x49: {  	_ =	shalt  }
0x4a: {  	_ =	shalt  }
0x4b: {  	_ =	shalt  }
0x4c: {  	_ =	shalt  }
0x4d: {  	_ =	shalt  }
0x4e: {  	_ =	shalt  }
0x4f: {  	_ =	shalt  }
0x50: {  	_ =	shalt  }
0x51: {  	_ =	shalt  }
0x52: {  	_ =	shalt  }
0x53: {  	_ =	shalt  }
0x54: {  	_ =	shalt  }
0x55: {  	_ =	shalt  }
0x56: {  	_ =	shalt  }
0x57: {  	_ =	shalt  }
0x58: {  	_ =	shalt  }
0x59: {  	_ =	shalt  }
0x5a: {  	_ =	shalt  }
0x5b: {  	_ =	shalt  }
0x5c: {  	_ =	shalt  }
0x5d: {  	_ =	shalt  }
0x5e: {  	_ =	shalt  }
0x5f: {  	_ =	shalt  }
0x60: {  	_ =	shalt  }
0x61: {  	_ =	shalt  }
0x62: {  	_ =	shalt  }
0x63: {  	_ =	shalt  }
0x64: {  	_ =	shalt  }
0x65: {  	_ =	shalt  }
0x66: {  	_ =	shalt  }
0x67: {  	_ =	shalt  }
0x68: {  	_ =	shalt  }
0x69: {  	_ =	shalt  }
0x6a: {  	_ =	shalt  }
0x6b: {  	_ =	shalt  }
0x6c: {  	_ =	shalt  }
0x6d: {  	_ =	shalt  }
0x6e: {  	_ =	shalt  }
0x6f: {  	_ =	shalt  }
0x70: {  	_ =	shalt  }
0x71: {  	_ =	shalt  }
0x72: {  	_ =	shalt  }
0x73: {  	_ =	shalt  }
0x74: {  	_ =	shalt  }
0x75: {  	_ =	shalt  }
0x76: {  	_ =	shalt  }
0x77: {  	_ =	shalt  }
0x78: {  	_ =	shalt  }
0x79: {  	_ =	shalt  }
0x7a: {  	_ =	shalt  }
0x7b: {  	_ =	shalt  }
0x7c: {  	_ =	shalt  }
0x7d: {  	_ =	shalt  }
0x7e: {  	_ =	shalt  }
0x7f: {  	_ =	shalt  }
0x80: {  	_ =	shalt  }
0x81: {  	_ =	shalt  }
0x82: {  	_ =	shalt  }
0x83: {  	_ =	shalt  }
0x84: {  	_ =	shalt  }
0x85: {  	_ =	shalt  }
0x86: {  	_ =	shalt  }
0x87: {  	_ =	shalt  }
.Lfunc_end0:
.L_simem_size_0:
called_computation_lowered:
.L_overlay_start_0:
0x88: {  	s2 =	sld [smem:$0x3FD9]  }
0x89: {  	s3 =	sld [smem:$0x3FFE];
	_ =	sdelay $0x1  }
0x8a: {  	s1 =	srdreg.scid  }
0x8b: {  	s0 =	sand.u32 $0x1, s1  }
0x8c: {  	s17 =	sshll.u32 s0, $0xA;
	s2 =	sadd.s32 s3, s2  }
0x8d: {  	s2 =	sadd.s32 s2, s17  }
0x8e: {  	[smem:$0x3FB8] =	sst s2  }
0x8f: {  	_ = 	snop  }
0x90: {  	s2 =	sld [smem:$0x3FD0];
	(tm) =	ssettm $0x1  }
0x91: {  	s18 =	sld [smem:$0x3FFB];
	_ =	sdelay $0x3  }
0x92: {  	_ =	strace s18  }
0x93: {  	s3 =	sld [smem:$0x3FFC];
	_ =	sdelay $0x3  }
0x94: {  	_ =	strace s3  }
0x95: {  	s3 =	sld [smem:$0x3FFD];
	_ =	sdelay $0x3  }
0x96: {  	_ =	strace s3  }
0x97: {  	_ =	strace $0x8FFFFFFF  }
0x98: {  	s19 =	sld [smem:$0x3FDB];
	_ =	sdelay $0x1  }
0x99: {  	s4 =	simm.s32 $_scs_section_size  }
0x9a: {  	s5 =	simm.s32 $_size__tile_overlayer_lowered;
	s6 =	simm.s32 $_tile_overlayer_lowered  }
0x9b: {  	s22 =	simm.s32 $0x1BFF;
	s21 =	sshll.u32 s6, $0x1;
	s3 =	sadd.s32 s4, s19  }
0x9c: {  	s7 =	simm.s32 $0x0;
	s20 =	sshll.u32 s5, $0x1;
	s5 =	sadd.s32 s21, s3  }
0x9d: {  	[timem:s7], [sflag:s22] =	dma.local [hbm:s5], s20  }
0x9e: {  	_ =	swait.ge [sflag:s22], s20  }
0x9f: {  	s4 =	ssub.s32 $0x0, s20;
	[sflag:s22] =	ssyncset.done $0x0  }
0xa0: {  	[sflag:s22] =	ssyncadd.s32 s4;
	_ =	sdelay $0x1  }
0xa1: {  	s23 =	simm.s32 $0x1B8B  }
0xa2: {  	_ =	swait.ge [sflag:s23], $0x1  }
0xa3: {  	[sflag:s23] =	ssyncset.done $0x0  }
0xa4: {  	s25 =	simm.s32 $0x1B8E;
	s24 =	sld [smem:$0x3FFE];
	[sflag:s23] =	ssyncadd.s32 $0xFFFFFFFF  }
0xa5: {  	s26 =	simm.s32 $execute0_lowered;
	[smem:$0x3FD2] =	sst s25  }
0xa6: {  	s5 =	sshll.u32 s26, $0x1;
	_ =	strace $0x80000046;
	[dreg:$0x1] =	wrdreg $0xFFFFFFFF  }
0xa7: {  	s28 =	simm.s32 $_size_execute0_lowered;
	s3 =	sadd.s32 s3, s5;
	[dreg:$0x0] =	wrdreg $0x0  }
0xa8: {  	s5 =	sshll.u32 s28, $0x1;
	[dreg:$0x2] =	wrdreg s3  }
0xa9: {  	[dreg:$0x3] =	wrdreg s5  }
0xaa: {  	[dreg:$0x4] =	wrdreg $0xC0  }
0xab: {  	_ =	task [dreg:s7], $0x5FFFF  }
0xac: {  	[dreg:$0x1] =	wrdreg $0xFFFFFFFF  }
0xad: {  	[dreg:$0x0] =	wrdreg $0x60  }
0xae: {  	[dreg:$0x2] =	wrdreg s24  }
0xaf: {  	[dreg:$0x3] =	wrdreg s2  }
0xb0: {  	[dreg:$0x4] =	wrdreg $0xA0800  }
0xb1: {  	[dreg:$0x5] =	wrdreg $0x9  }
0xb2: {  	_ =	task.clear_ibuf [dreg:s7], $0x6FFFF;
	_ =	strace $0x90000046  }
0xb3: {  	s29 =	simm.s32 $0x9;
	_ =	strace $0x80000048  }
0xb4: {  	_ =	swait.ge [sflag:s29], $0x1  }
0xb5: {  	[sflag:s29] =	ssyncadd.s32 $0xFFFFFFFF  }
0xb6: {  	_ =	strace $0x90000048  }
0xb7: {  	_ =	sfence  }
0xb8: {  	s30 =	sld [smem:$0x0];
	_ =	sdelay $0x2  }
0xb9: {  	s31 =	sshll.u32 s1, $0xD;
	s1 =	sshrl.u32 s1, $0x2  }
0xba: {  	s3 =	sand.u32 $0x4000, s31;
	s1 =	sadd.s32 s1, s30  }
0xbb: {  	s0 =	sor.u32 s3, s0;
	s1 =	sshll.u32 s1, $0x11  }
0xbc: {  	s0 =	sor.u32 s1, s0  }
0xbd: {  	s0 =	sadd.s32 $0x8F2B, s0  }
0xbe: {  	[sflag:s0] =	ssyncadd.remote.s32 $0x1  }
0xbf: {  	_ =	sfence.sel $0xFFFF  }
0xc0: {  	[dreg:$0x0] =	wrdreg $0xFFFFFFFF;
	(pc) =	sbr.abs _section_cstart, $3  }
0xc1: {  	[dreg:$0x1] =	wrdreg $0xFFFFFFFF  }
0xc2: {  	_ =	task.clear_ibuf [dreg:s7], $0x2FFFF;
	_ =	strace $0x9FFFFFFF  }
0xc3: {  	(tm) =	ssettm $0x7FFFFFFF  }
tec
execute0_lowered:
.L_overlay_start_1:
0x0: {  	(tag) =	ssettag $0x1  }
0x1: {  	s7 =	rddreg [dreg:$0x0]  }
0x2: {  	s2 =	rddreg [dreg:$0x1];
	s0 =	srdreg.scid  }
0x3: {  	s3 =	rddreg [dreg:$0x2];
	s1 =	stileid.u32  }
0x4: {  	s4 =	simm.s32 $0x0;
	s12 =	simm.s32 $0x4D;
	s14 =	simm.s32 $0x1  }
0x5: {  	s15 =	simm.s32 $0x2800;
	s16 =	simm.s32 $0xA000;
	s17 =	simm.s32 $0x5000  }
0x6: {  	s18 =	simm.s32 $0x50;
	s5 =	sand.u32 $0x1, s0;
	s0 =	rddreg [dreg:$0x3]  }
0x7: {  	s19 =	simm.s32 $0x7800;
	s8 =	sshll.u32 s1, $0xA;
	[smem:$0x7FF] =	sst s4  }
0x8: {  	s9 =	smul.u32 $0x9C, s1;
	p0 =	slt.u32 s1, $0x4;
	s11 =	smin.u32 s1, $0x4  }
0x9: {  	s31 =	sadd.s32 $0x3610, s7;
	s6 =	smul.u32 $0x2800, s5;
	_ =	strace $0x80000047  }
0xa: {  	s24 =	ssub.s32 $0x2, s5;
	s12 =	simm.s32 @!p0 $0x4C;
	s26 =	smul.u32 $0x9C400, s5  }
0xb: {  	s5 =	sadd.s32 s8, s3;
	s13 =	sshrl.u32 s24, $0x1;
	s9 =	sadd.s32 s11, s9  }
0xc: {  	s6 =	sadd.s32 s8, s6;
	s25 =	ssub.s32 s24, s13;
	s28 =	sadd.s32 s9, s12  }
0xd: {  	s9 =	sshll.u32 s9, $0x8;
	s13 =	simm.s32 $0x100;
	s6 =	sshrl.u32 s6, $0x3  }
0xe: {  	s12 =	sshll.u32 s28, $0x8;
	s29 =	sadd.s32 s26, s9;
	s11 =	smax.u32 s25, $0x1  }
0xf: {  	s10 =	sadd.s32 s6, s7;
	s6 =	sadd.s32 $0x7800, s8;
	s30 =	sadd.s32 s26, s12  }
0x10: {  	s8 =	sshrl.u32 s29, $0x3;
	s12 =	simm.s32 $0x80;
	s9 =	sshrl.u32 s30, $0x3  }
0x11: {  	s7 =	sadd.s32 s8, s31;
	s8 =	sadd.s32 s9, s31;
	s9 =	simm.s32 $0x600  }
0x12: {  	v0 =	vimm.f32 $0.0e+00;
	v1 =	vimm.f32 $1.000000000e+00;
	s10 =	sadd.s32 $0x2A800, s10;
	s9 =	simm.s32 @!p0 $0x800;
	p0 =	sgt.u32 s1, $0x9  }
.LBB2_1:
0x13: {  	s20 =	simm.s32 $0x0  }
.LBB2_2:
0x14: {  	p1 =	sne.s32 s20, $0x9FC0  }
.Ltmp0:
0x15: {  	_ = 	snop;
	(pc) =	sbr.rel @p1 .LBB2_2-.Ltmp0, $3  }
0x16: {  	_ =	sdelay $0x1  }
0x17: {  	s21 =	sshra.s32 s20, $0x2  }
0x18: {  	s20 =	sadd.s32 $0x40, s20;
	[tilespmem:s21+$0x5000] =	vst v0  }
0x19: {  	s20 =	simm.s32 $0x0;
	s21 =	simm.s32 $0x200  }
.LBB2_4:
0x1a: {  	p1 =	sne.s32 s21, $0x9E00;
	[tilespmem:s20+$0x7870] =	vst v0  }
0x1b: {  	[tilespmem:s20+$0x7800] =	vst v0  }
0x1c: {  	[tilespmem:s20+$0x7810] =	vst v0  }
.Ltmp1:
0x1d: {  	[tilespmem:s20+$0x7820] =	vst v0;
	(pc) =	sbr.rel @p1 .LBB2_4-.Ltmp1, $4  }
0x1e: {  	[tilespmem:s20+$0x7830] =	vst v0  }
0x1f: {  	[tilespmem:s20+$0x7840] =	vst v0  }
0x20: {  	[tilespmem:s20+$0x7850] =	vst v0  }
0x21: {  	[tilespmem:s20+$0x7860] =	vst v0;
	s20 =	sshra.s32 s21, $0x2;
	s21 =	sadd.s32 $0x200, s21  }
0x22: {  	[tilespmem:s20+$0x7870] =	vst v0  }
0x23: {  	[tilespmem:s20+$0x7800] =	vst v0  }
0x24: {  	[tilespmem:s20+$0x7810] =	vst v0  }
0x25: {  	[tilespmem:s20+$0x7820] =	vst v0  }
0x26: {  	[tilespmem:s20+$0x7830] =	vst v0  }
0x27: {  	[tilespmem:s20+$0x7840] =	vst v0  }
0x28: {  	[tilespmem:s20+$0x7850] =	vst v0  }
0x29: {  	[tilespmem:s20+$0x7860] =	vst v0;
	s20 =	simm.s32 @!p0 $0x1  }
0x2a: {  	[spmem:s5] =	stream.linear.scatter @!p0 [tilespmem:s6], [sflag:$0x1], $0x400, $0x38;
	[tilespmem:$0xA300] =	vst v63  }
0x2b: {  	_ =	swait.ge @!p0 [sflag:s20], $0x400  }
0x2c: {  	[sflag:s20] =	ssyncset.done @!p0 $0x0  }
0x2d: {  	[sflag:s20] =	ssyncadd.s32 @!p0 $0xFFFFFC00  }
0x2e: {  	s20 =	simm.s32 $0x0;
	[bflag:$0x0] =	sbarrier.arrive $0xFFFF  }
0x2f: {  	[tilespmem:s20], [sflag:$0x1] =	stream.strided.gather [hbm4b:s7+s12], $0x2800, s13, s12, $0x38;
	[tilespmem:$0xA300] =	vst v63  }
0x30: {  	_ =	swait.ge [sflag:s14], $0x2800  }
0x31: {  	[sflag:s14] =	ssyncset.done $0x0  }
0x32: {  	[sflag:s14] =	ssyncadd.s32 $0xFFFFD800  }
0x33: {  	[tilespmem:s15], [sflag:$0x1] =	stream.strided.gather [hbm4b:s8+s12], $0x2800, s13, s12, $0x38;
	[tilespmem:$0xA300] =	vst v63  }
0x34: {  	_ =	swait.ge [sflag:s14], $0x2800  }
0x35: {  	[sflag:s14] =	ssyncset.done $0x0  }
0x36: {  	[sflag:s14] =	ssyncadd.s32 $0xFFFFD800  }
0x37: {  	[tilespmem:s16], [sflag:$0x1] =	stream.linear.gather [hbm4b:s2+s20], $0x80, $0x38;
	[tilespmem:$0xA300] =	vst v63  }
0x38: {  	_ =	swait.ge [sflag:s14], $0x80  }
0x39: {  	[sflag:s14] =	ssyncset.done $0x0  }
0x3a: {  	[sflag:s14] =	ssyncadd.s32 $0xFFFFFF80  }
.LBB2_6:
0x3b: {  	s21 =	sshra.s32 s20, $0x2  }
0x3c: {  	v2 =	vld [tilespmem:s21+$0x0];
	_ =	sdelay $0x7  }
0x3d: {  	[tilespmem:v2+s17+$0x0] =	vst.idx.add.f32.msk $0xffff, v1  }
0x3e: {  	v2 =	vld [tilespmem:s21+$0x10];
	_ =	sdelay $0x7  }
0x3f: {  	[tilespmem:v2+s17+$0x0] =	vst.idx.add.f32.msk $0xffff, v1  }
0x40: {  	v2 =	vld [tilespmem:s21+$0x20];
	_ =	sdelay $0x7  }
0x41: {  	[tilespmem:v2+s17+$0x0] =	vst.idx.add.f32.msk $0xffff, v1  }
0x42: {  	v2 =	vld [tilespmem:s21+$0x30];
	_ =	sdelay $0x7  }
0x43: {  	[tilespmem:v2+s17+$0x0] =	vst.idx.add.f32.msk $0xffff, v1  }
0x44: {  	v2 =	vld [tilespmem:s21+$0x40];
	_ =	sdelay $0x7  }
0x45: {  	[tilespmem:v2+s17+$0x0] =	vst.idx.add.f32.msk $0xffff, v1  }
0x46: {  	v2 =	vld [tilespmem:s21+$0x50];
	_ =	sdelay $0x7  }
0x47: {  	[tilespmem:v2+s17+$0x0] =	vst.idx.add.f32.msk $0xffff, v1  }
0x48: {  	v2 =	vld [tilespmem:s21+$0x60];
	_ =	sdelay $0x7  }
0x49: {  	[tilespmem:v2+s17+$0x0] =	vst.idx.add.f32.msk $0xffff, v1  }
0x4a: {  	v2 =	vld [tilespmem:s21+$0x70];
	_ =	sdelay $0x2  }
0x4b: {  	p1 =	sne.s32 s20, $0x9E00  }
.Ltmp2:
0x4c: {  	_ = 	snop;
	(pc) =	sbr.rel @p1 .LBB2_6-.Ltmp2, $2  }
0x4d: {  	_ =	sdelay $0x2  }
0x4e: {  	s20 =	sadd.s32 $0x200, s20;
	[tilespmem:v2+s17+$0x0] =	vst.idx.add.f32.msk $0xffff, v1  }
0x4f: {  	s20 =	smov.u32 s9  }
.LBB2_8:
0x50: {  	s21 =	sshra.s32 s20, $0x2  }
0x51: {  	v2 =	vld [tilespmem:s21+$0x2800];
	_ =	sdelay $0x7  }
0x52: {  	[tilespmem:v2+s17+$0x0] =	vst.idx.add.f32.msk $0xffff, v1  }
0x53: {  	v2 =	vld [tilespmem:s21+$0x2810];
	_ =	sdelay $0x7  }
0x54: {  	[tilespmem:v2+s17+$0x0] =	vst.idx.add.f32.msk $0xffff, v1  }
0x55: {  	v2 =	vld [tilespmem:s21+$0x2820];
	_ =	sdelay $0x7  }
0x56: {  	[tilespmem:v2+s17+$0x0] =	vst.idx.add.f32.msk $0xffff, v1  }
0x57: {  	v2 =	vld [tilespmem:s21+$0x2830];
	_ =	sdelay $0x7  }
0x58: {  	[tilespmem:v2+s17+$0x0] =	vst.idx.add.f32.msk $0xffff, v1  }
0x59: {  	v2 =	vld [tilespmem:s21+$0x2840];
	_ =	sdelay $0x7  }
0x5a: {  	[tilespmem:v2+s17+$0x0] =	vst.idx.add.f32.msk $0xffff, v1  }
0x5b: {  	v2 =	vld [tilespmem:s21+$0x2850];
	_ =	sdelay $0x7  }
0x5c: {  	[tilespmem:v2+s17+$0x0] =	vst.idx.add.f32.msk $0xffff, v1  }
0x5d: {  	v2 =	vld [tilespmem:s21+$0x2860];
	_ =	sdelay $0x7  }
0x5e: {  	[tilespmem:v2+s17+$0x0] =	vst.idx.add.f32.msk $0xffff, v1  }
0x5f: {  	v2 =	vld [tilespmem:s21+$0x2870];
	_ =	sdelay $0x2  }
0x60: {  	p1 =	sne.s32 s20, $0x9E00  }
.Ltmp3:
0x61: {  	_ = 	snop;
	(pc) =	sbr.rel @p1 .LBB2_8-.Ltmp3, $2  }
0x62: {  	_ =	sdelay $0x2  }
0x63: {  	s20 =	sadd.s32 $0x200, s20;
	[tilespmem:v2+s17+$0x0] =	vst.idx.add.f32.msk $0xffff, v1  }
0x64: {  	s20 =	simm.s32 $0x0  }
0x65: {  	v5 =	vld [tilespmem:s20+$0x5070]  }
0x66: {  	v6 =	vld [tilespmem:s20+$0x5000]  }
0x67: {  	v7 =	vld [tilespmem:s20+$0x5010]  }
0x68: {  	v4 =	vld [tilespmem:s20+$0x5020]  }
0x69: {  	v2 =	vld [tilespmem:s20+$0x5030]  }
0x6a: {  	v3 =	vld [tilespmem:s20+$0x5040];
	[tilespmem:s20+$0x7870] =	vst v5  }
0x6b: {  	[tilespmem:s20+$0x7800] =	vst v6;
	v5 =	vld [tilespmem:s20+$0x5050]  }
0x6c: {  	s21 =	simm.s32 $0x80;
	s22 =	simm.s32 $0x400;
	[tilespmem:s20+$0x7810] =	vst v7;
	v6 =	vld [tilespmem:s20+$0x5060]  }
.LBB2_10:
0x6d: {  	p1 =	sne.s32 s22, $0x9E00;
	v7 =	vld [tilespmem:s21+$0x5070];
	[tilespmem:s20+$0x7820] =	vst v4  }
0x6e: {  	v8 =	vld [tilespmem:s21+$0x5000];
	[tilespmem:s20+$0x7830] =	vst v2  }
0x6f: {  	v9 =	vld [tilespmem:s21+$0x5010];
	[tilespmem:s20+$0x7840] =	vst v3  }
.Ltmp4:
0x70: {  	v4 =	vld [tilespmem:s21+$0x5020];
	[tilespmem:s20+$0x7850] =	vst v5;
	(pc) =	sbr.rel @p1 .LBB2_10-.Ltmp4, $4  }
0x71: {  	v2 =	vld [tilespmem:s21+$0x5030];
	[tilespmem:s20+$0x7860] =	vst v6;
	s20 =	smov.u32 s21  }
0x72: {  	v3 =	vld [tilespmem:s20+$0x5040];
	[tilespmem:s20+$0x7870] =	vst v7  }
0x73: {  	[tilespmem:s20+$0x7800] =	vst v8;
	v5 =	vld [tilespmem:s20+$0x5050]  }
0x74: {  	s21 =	sshra.s32 s22, $0x2;
	s22 =	sadd.s32 $0x200, s22;
	[tilespmem:s20+$0x7810] =	vst v9;
	v6 =	vld [tilespmem:s20+$0x5060]  }
0x75: {  	v7 =	vld [tilespmem:s21+$0x5070];
	[tilespmem:s20+$0x7820] =	vst v4  }
0x76: {  	v4 =	vld [tilespmem:s21+$0x5000];
	[tilespmem:s20+$0x7830] =	vst v2  }
0x77: {  	v2 =	vld [tilespmem:s21+$0x5010];
	[tilespmem:s20+$0x7840] =	vst v3  }
0x78: {  	v3 =	vld [tilespmem:s21+$0x5020];
	[tilespmem:s20+$0x7850] =	vst v5  }
0x79: {  	v5 =	vld [tilespmem:s21+$0x5030];
	[tilespmem:s20+$0x7860] =	vst v6  }
0x7a: {  	v6 =	vld [tilespmem:s21+$0x5040];
	[tilespmem:s21+$0x7870] =	vst v7  }
0x7b: {  	v63 =	vld [tilespmem:s21+$0x5050];
	[tilespmem:s21+$0x7800] =	vst v4  }
0x7c: {  	[tilespmem:s21+$0x7810] =	vst v2;
	v2 =	vld [tilespmem:s21+$0x5060]  }
0x7d: {  	[tilespmem:s21+$0x7820] =	vst v3  }
0x7e: {  	[tilespmem:s21+$0x7830] =	vst v5  }
0x7f: {  	[tilespmem:s21+$0x7840] =	vst v6  }
0x80: {  	[tilespmem:s21+$0x7850] =	vst v63  }
0x81: {  	[tilespmem:s21+$0x7860] =	vst v2  }
0x82: {  	[spmem:s3] =	stream.indirect.scatter.add.f32 [tilespmem:s19], [sflag:$0x1], $0x80, s16, s18, $0xb8;
	[tilespmem:$0xA300] =	vst v63  }
0x83: {  	_ =	swait.ge [sflag:s14], $0x2800  }
0x84: {  	s4 =	sadd.s32 $0x1, s4;
	[sflag:s14] =	ssyncset.done $0x0  }
0x85: {  	p1 =	sne.s32 s4, s11;
	s20 =	sshll.u32 @!p0 s1, $0x6;
	[sflag:s14] =	ssyncadd.s32 $0xFFFFD800  }
0x86: {  	s20 =	sor.u32 @!p0 $0x1C01, s20;
	s21 =	sshrl.u32 @!p0 s5, $0x3;
	[bflag:$0x0] =	sbarrier.arrive $0xFFFF  }
0x87: {  	[hbm:s10], [sflag:s20] =	dma.local @!p0 [spmem:s21], $0x80  }
.Ltmp5:
0x88: {  	_ = 	snop;
	(pc) =	sbr.rel @p1 .LBB2_1-.Ltmp5, $4  }
0x89: {  	s20 =	simm.s32 @!p0 $0x1  }
0x8a: {  	_ =	swait.ge @!p0 [sflag:s20], $0x80  }
0x8b: {  	[sflag:s20] =	ssyncset.done @!p0 $0x0  }
0x8c: {  	[sflag:s20] =	ssyncadd.s32 @!p0 $0xFFFFFF80  }
0x8d: {  	_ =	sfence.sel $0x180000  }
0x8e: {  	[bflag:$0x0] =	sbarrier.arrive $0xFFFF  }
0x8f: {  	p0 =	sne.s32 s1, $0x0;
	_ =	strace $0x90000047  }
0x90: {  	s0 =	sadd.s32 @!p0 $0x100000, s0;
	[bflag:$0x2] =	sbarrier.arrive $0xFFFF  }
0x91: {  	[sflag:s0] =	ssyncadd.tile.s32 @!p0 $0x1;
	_ =	shalt  }
.Lfunc_end2:
_tile_overlayer_lowered:
.L_overlay_start_2:
0x92: {  	(tag) =	ssettag $0x2  }
0x93: {  	s0 =	rddreg [dreg:$0x0];
	s2 =	stileid.u32  }
0x94: {  	s1 =	rddreg [dreg:$0x1];
	p0 =	sne.s32 s2, $0x0  }
0x95: {  	s3 =	rddreg [dreg:$0x2];
	[bflag:$0x3] =	sbarrier.arrive $0xFFFF;
	s2 =	simm.s32 @!p0 $0x1C01  }
0x96: {  	[timem:s3], [sflag:s2] =	dma.local @!p0 [hbm:s0], s1  }
0x97: {  	s0 =	simm.s32 @!p0 $0x1  }
0x98: {  	_ =	swait.ge @!p0 [sflag:s0], s1  }
0x99: {  	s1 =	ssub.s32 @!p0 $0x0, s1;
	[sflag:s0] =	ssyncset.done @!p0 $0x0  }
0x9a: {  	[sflag:s0] =	ssyncadd.s32 @!p0 s1  }
0x9b: {  	[bflag:$0x3] =	sbarrier.arrive $0xFFFF  }
0x9c: {  	_ =	shalt  }

// kernel: kernel.9.cloned.1.call-start
scs
__scs_entry_jumppad:
0x0: {  	(pc) =	sbr.rel $0x88, $3  }
0x1: {  	(tag) =	ssettag $0x0;
	lr =	simm.s32 $0x1  }
0x2: {  	[smem:$0x3F91] =	sst lr;
	_ =	strace $0xD0000000  }
0x3: {  	_ = 	snop  }
0x4: {  	_ = 	snop  }
0x5: {  	_ = 	snop  }
0x6: {  	_ = 	snop  }
0x7: {  	_ = 	snop  }
__scs_overlays_trampoline_lowered:
0x8: {  	[smem:$0x3FA0] =	sst s0  }
0x9: {  	[smem:$0x3FA1] =	sst s1  }
0xa: {  	[smem:$0x3FA2] =	sst s2  }
0xb: {  	[smem:$0x3FA3] =	sst s3  }
0xc: {  	[smem:$0x3FA4] =	sst s4  }
0xd: {  	[smem:$0x3FA5] =	sst s5  }
0xe: {  	[smem:$0x3FA6] =	sst s6  }
0xf: {  	[smem:$0x3FA7] =	sst s7  }
0x10: {  	[smem:$0x3FA8] =	sst s8  }
0x11: {  	[smem:$0x3FA9] =	sst s9;
	s0 =	simm.s32 @!p0 $0x0  }
0x12: {  	s1 =	sld [smem:$0x3F8F];
	s0 =	simm.s32 @p0 $0x1  }
0x13: {  	[smem:$0x3FAA] =	sst s0;
	s0 =	simm.s32 @!p1 $0x0  }
0x14: {  	s2 =	sld [smem:$0x3F8E];
	s0 =	simm.s32 @p1 $0x1  }
0x15: {  	[smem:$0x3FAB] =	sst s0;
	s0 =	simm.s32 @!p2 $0x0  }
0x16: {  	s3 =	sld [smem:$0x3FDB];
	s0 =	simm.s32 @p2 $0x1  }
0x17: {  	s4 =	simm.s32 $0x1BF5;
	[smem:$0x3FAD] =	sst s0  }
0x18: {  	s0 =	sld [smem:$0x3F90];
	_ =	swait.ge [sflag:s4], $0x0  }
0x19: {  	s7 =	sld [smem:$0x3F91]  }
0x1a: {  	s8 =	sadd.s32 $0xFFFFE003, lr  }
0x1b: {  	s9 =	sadd.s32 $0xFFFFFEF7, lr;
	s5 =	simm.s32 $0xFFFFFFFF;
	p2 =	slt.u32 s8, $0xFFFFF086  }
0x1c: {  	p1 =	slt.u32 s9, $0xF7A;
	s5 =	simm.s32 @!p2 $0x0  }
0x1d: {  	s5 =	simm.s32 @p1 $0x1;
	p0 =	seq.s32 s7, s2  }
0x1e: {  	s7 =	smul.u32 @!p0 $0xF7A, s2;
	p2 =	seq.s32 @!p0 s5, $0x0  }
0x1f: {  	s9 =	smul.u32 $0xF7A, s1;
	s8 =	simm.s32 @!p0 $0x1BF5;
	p2 =	por !p2, p0  }
0x20: {  	[sflag:s8] =	ssyncset.s32 @!p0 $0xFFFFF086;
	s6 =	sadd.s32 @!p0 s3, s7;
	s7 =	simm.s32 @!p0 $0x108  }
0x21: {  	s3 =	sadd.s32 s3, s9;
	s6 =	sadd.s32 @!p0 $0x88, s6;
	s7 =	simm.s32 @p2 $0x1082  }
0x22: {  	[simem:s7], [sflag:s8] =	dma.local @!p0 [hbm:s6], $0xF7A  }
0x23: {  	s9 =	sor.u32 $0xD0000000, s2;
	s6 =	simm.s32 $0x108;
	_ =	swait.ge @!p0 [sflag:s8], $0x0  }
0x24: {  	s3 =	sadd.s32 $0x88, s3;
	s6 =	simm.s32 @!p1 $0x1082;
	[sflag:s4] =	ssyncset.s32 $0xFFFFF086  }
0x25: {  	[simem:s6], [sflag:s4] =	dma.local [hbm:s3], $0xF7A  }
0x26: {  	[smem:$0x3F91] =	sst s1;
	(tag) =	ssettag s2;
	_ =	strace s9  }
0x27: {  	s1 =	sld [smem:$0x3FA1]  }
0x28: {  	s2 =	sld [smem:$0x3FA2]  }
0x29: {  	s4 =	sld [smem:$0x3FA4]  }
0x2a: {  	p0 =	seq.s32 s5, $0x0;
	s5 =	sld [smem:$0x3FA5]  }
0x2b: {  	s6 =	sld [smem:$0x3FA6]  }
0x2c: {  	s7 =	sld [smem:$0x3FA7]  }
0x2d: {  	s3 =	simm.s32 $0x108;
	s8 =	sld [smem:$0x3FA8]  }
0x2e: {  	s3 =	simm.s32 @!p0 $0x1082;
	s9 =	sld [smem:$0x3FA9]  }
0x2f: {  	lr =	sadd.s32 s0, s3;
	s0 =	sld [smem:$0x3FA0]  }
0x30: {  	s3 =	sld [smem:$0x3FA3]  }
0x31: {  	[smem:$0x3FAC] =	sst s10  }
0x32: {  	s10 =	sld [smem:$0x3FAA];
	_ =	sdelay $0x3  }
0x33: {  	p0 =	seq.s32 s10, $0x1;
	s10 =	sld [smem:$0x3FAC];
	_ =	sdelay $0x3  }
0x34: {  	[smem:$0x3FAC] =	sst s10  }
0x35: {  	s10 =	sld [smem:$0x3FAB];
	_ =	sdelay $0x3  }
0x36: {  	p1 =	seq.s32 s10, $0x1;
	s10 =	sld [smem:$0x3FAC];
	_ =	sdelay $0x3  }
0x37: {  	[smem:$0x3FAC] =	sst s10  }
0x38: {  	s10 =	sld [smem:$0x3FAD]  }
0x39: {  	_ = 	snop;
	(pc) =	sbr.ind lr, $3  }
0x3a: {  	_ = 	snop  }
0x3b: {  	_ = 	snop  }
0x3c: {  	p2 =	seq.s32 s10, $0x1;
	s10 =	sld [smem:$0x3FAC]  }
0x3d: {  	_ =	shalt  }
0x3e: {  	_ =	shalt  }
0x3f: {  	_ =	shalt  }
0x40: {  	_ =	shalt  }
0x41: {  	_ =	shalt  }
0x42: {  	_ =	shalt  }
0x43: {  	_ =	shalt  }
0x44: {  	_ =	shalt  }
0x45: {  	_ =	shalt  }
0x46: {  	_ =	shalt  }
0x47: {  	_ =	shalt  }
0x48: {  	_ =	shalt  }
0x49: {  	_ =	shalt  }
0x4a: {  	_ =	shalt  }
0x4b: {  	_ =	shalt  }
0x4c: {  	_ =	shalt  }
0x4d: {  	_ =	shalt  }
0x4e: {  	_ =	shalt  }
0x4f: {  	_ =	shalt  }
0x50: {  	_ =	shalt  }
0x51: {  	_ =	shalt  }
0x52: {  	_ =	shalt  }
0x53: {  	_ =	shalt  }
0x54: {  	_ =	shalt  }
0x55: {  	_ =	shalt  }
0x56: {  	_ =	shalt  }
0x57: {  	_ =	shalt  }
0x58: {  	_ =	shalt  }
0x59: {  	_ =	shalt  }
0x5a: {  	_ =	shalt  }
0x5b: {  	_ =	shalt  }
0x5c: {  	_ =	shalt  }
0x5d: {  	_ =	shalt  }
0x5e: {  	_ =	shalt  }
0x5f: {  	_ =	shalt  }
0x60: {  	_ =	shalt  }
0x61: {  	_ =	shalt  }
0x62: {  	_ =	shalt  }
0x63: {  	_ =	shalt  }
0x64: {  	_ =	shalt  }
0x65: {  	_ =	shalt  }
0x66: {  	_ =	shalt  }
0x67: {  	_ =	shalt  }
0x68: {  	_ =	shalt  }
0x69: {  	_ =	shalt  }
0x6a: {  	_ =	shalt  }
0x6b: {  	_ =	shalt  }
0x6c: {  	_ =	shalt  }
0x6d: {  	_ =	shalt  }
0x6e: {  	_ =	shalt  }
0x6f: {  	_ =	shalt  }
0x70: {  	_ =	shalt  }
0x71: {  	_ =	shalt  }
0x72: {  	_ =	shalt  }
0x73: {  	_ =	shalt  }
0x74: {  	_ =	shalt  }
0x75: {  	_ =	shalt  }
0x76: {  	_ =	shalt  }
0x77: {  	_ =	shalt  }
0x78: {  	_ =	shalt  }
0x79: {  	_ =	shalt  }
0x7a: {  	_ =	shalt  }
0x7b: {  	_ =	shalt  }
0x7c: {  	_ =	shalt  }
0x7d: {  	_ =	shalt  }
0x7e: {  	_ =	shalt  }
0x7f: {  	_ =	shalt  }
0x80: {  	_ =	shalt  }
0x81: {  	_ =	shalt  }
0x82: {  	_ =	shalt  }
0x83: {  	_ =	shalt  }
0x84: {  	_ =	shalt  }
0x85: {  	_ =	shalt  }
0x86: {  	_ =	shalt  }
0x87: {  	_ =	shalt  }
.Lfunc_end0:
.L_simem_size_0:
called_computation.1_lowered:
.L_overlay_start_0:
0x88: {  	s2 =	sld [smem:$0x3FD9]  }
0x89: {  	s3 =	sld [smem:$0x3FFE];
	_ =	sdelay $0x1  }
0x8a: {  	s1 =	srdreg.scid  }
0x8b: {  	s0 =	sand.u32 $0x1, s1  }
0x8c: {  	s16 =	sshll.u32 s0, $0xA;
	s2 =	sadd.s32 s3, s2  }
0x8d: {  	s2 =	sadd.s32 s2, s16  }
0x8e: {  	[smem:$0x3FB8] =	sst s2  }
0x8f: {  	_ = 	snop  }
0x90: {  	(tm) =	ssettm $0x1  }
0x91: {  	s17 =	sld [smem:$0x3FFB];
	_ =	sdelay $0x3  }
0x92: {  	_ =	strace s17  }
0x93: {  	s2 =	sld [smem:$0x3FFC];
	_ =	sdelay $0x3  }
0x94: {  	_ =	strace s2  }
0x95: {  	s2 =	sld [smem:$0x3FFD];
	_ =	sdelay $0x3  }
0x96: {  	_ =	strace s2  }
0x97: {  	_ =	strace $0x8FFFFFFF  }
0x98: {  	s18 =	sld [smem:$0x3FDB];
	_ =	sdelay $0x1  }
0x99: {  	s19 =	simm.s32 $_scs_section_size  }
0x9a: {  	s4 =	simm.s32 $_size__tile_overlayer_lowered;
	s5 =	simm.s32 $_tile_overlayer_lowered  }
0x9b: {  	s22 =	simm.s32 $0x1BFF;
	s21 =	sshll.u32 s5, $0x1;
	s2 =	sadd.s32 s19, s18  }
0x9c: {  	s6 =	simm.s32 $0x0;
	s20 =	sshll.u32 s4, $0x1;
	s4 =	sadd.s32 s21, s2  }
0x9d: {  	[timem:s6], [sflag:s22] =	dma.local [hbm:s4], s20  }
0x9e: {  	_ =	swait.ge [sflag:s22], s20  }
0x9f: {  	s3 =	ssub.s32 $0x0, s20;
	[sflag:s22] =	ssyncset.done $0x0  }
0xa0: {  	[sflag:s22] =	ssyncadd.s32 s3;
	_ =	sdelay $0x1  }
0xa1: {  	s23 =	simm.s32 $0x1B8B  }
0xa2: {  	_ =	swait.ge [sflag:s23], $0x1  }
0xa3: {  	[sflag:s23] =	ssyncset.done $0x0  }
0xa4: {  	s25 =	simm.s32 $0x1B8E;
	s24 =	sld [smem:$0x3FFE];
	[sflag:s23] =	ssyncadd.s32 $0xFFFFFFFF  }
0xa5: {  	s26 =	simm.s32 $execute0_lowered;
	[smem:$0x3FD2] =	sst s25  }
0xa6: {  	s4 =	sshll.u32 s26, $0x1;
	_ =	strace $0x80000049;
	[dreg:$0x1] =	wrdreg $0xFFFFFFFF  }
0xa7: {  	s28 =	simm.s32 $_size_execute0_lowered;
	s2 =	sadd.s32 s2, s4;
	[dreg:$0x0] =	wrdreg $0x0  }
0xa8: {  	s4 =	sshll.u32 s28, $0x1;
	[dreg:$0x2] =	wrdreg s2  }
0xa9: {  	[dreg:$0x3] =	wrdreg s4  }
0xaa: {  	[dreg:$0x4] =	wrdreg $0xC0  }
0xab: {  	_ =	task [dreg:s6], $0x5FFFF  }
0xac: {  	[dreg:$0x1] =	wrdreg $0xFFFFFFFF  }
0xad: {  	[dreg:$0x0] =	wrdreg $0x60  }
0xae: {  	[dreg:$0x2] =	wrdreg s24  }
0xaf: {  	[dreg:$0x3] =	wrdreg $0xA8000  }
0xb0: {  	[dreg:$0x4] =	wrdreg $0x9  }
0xb1: {  	_ =	task.clear_ibuf [dreg:s6], $0x5FFFF;
	_ =	strace $0x90000049  }
0xb2: {  	s29 =	simm.s32 $0x9;
	_ =	strace $0x8000004B  }
0xb3: {  	_ =	swait.ge [sflag:s29], $0x1  }
0xb4: {  	[sflag:s29] =	ssyncadd.s32 $0xFFFFFFFF  }
0xb5: {  	_ =	strace $0x9000004B  }
0xb6: {  	_ =	sfence  }
0xb7: {  	s30 =	sld [smem:$0x0];
	_ =	sdelay $0x2  }
0xb8: {  	s31 =	sshll.u32 s1, $0xD;
	s1 =	sshrl.u32 s1, $0x2  }
0xb9: {  	s3 =	sand.u32 $0x4000, s31;
	s1 =	sadd.s32 s1, s30  }
0xba: {  	s0 =	sor.u32 s3, s0;
	s1 =	sshll.u32 s1, $0x11  }
0xbb: {  	s0 =	sor.u32 s1, s0  }
0xbc: {  	s0 =	sadd.s32 $0x8F2B, s0  }
0xbd: {  	[sflag:s0] =	ssyncadd.remote.s32 $0x1  }
0xbe: {  	_ =	sfence.sel $0xFFFF  }
0xbf: {  	[dreg:$0x0] =	wrdreg $0xFFFFFFFF;
	(pc) =	sbr.abs _section_cstart, $3  }
0xc0: {  	[dreg:$0x1] =	wrdreg $0xFFFFFFFF  }
0xc1: {  	_ =	task.clear_ibuf [dreg:s6], $0x2FFFF;
	_ =	strace $0x9FFFFFFF  }
0xc2: {  	(tm) =	ssettm $0x7FFFFFFF  }
0xc3: {  	_ =	shalt  }
tec
execute0_lowered:
.L_overlay_start_1:
0x0: {  	(tag) =	ssettag $0x1  }
0x1: {  	s3 =	simm.s32 $0x0;
	s2 =	srdreg.scid  }
0x2: {  	[smem:$0x7FF] =	sst s3;
	s2 =	sand.u32 $0x1, s2  }
0x3: {  	s3 =	stileid.u32;
	s5 =	smul.u32 $0x140000, s2  }
0x4: {  	s0 =	rddreg [dreg:$0x0];
	s6 =	smul.u32 $0x14000, s3  }
0x5: {  	s1 =	rddreg [dreg:$0x1];
	s29 =	smul.u32 $0x2800, s2  }
0x6: {  	s18 =	simm.s32 $0x3;
	s28 =	simm.s32 $0x2700;
	s7 =	smul.u32 $0x50000, s3  }
0x7: {  	s31 =	simm.s32 $0x0;
	s4 =	sadd.s32 $0x2A800, s0;
	s9 =	smul.u32 $0x280, s3  }
0x8: {  	s13 =	sadd.s32 $0x3600, s0;
	_ =	strace $0x8000004A;
	s20 =	smul.u32 $0x9C, s3  }
0x9: {  	s19 =	ssub.s32 $0x2, s2;
	s23 =	smin.u32 s3, $0x4;
	s2 =	smul.u32 $0x9C400, s2  }
0xa: {  	p0 =	slt.u32 s3, $0x4;
	s26 =	sshll.u32 s3, $0x6;
	s8 =	sshrl.u32 s19, $0x1  }
0xb: {  	s5 =	sadd.s32 s6, s5;
	s16 =	ssub.s32 s19, s8;
	s21 =	sshrl.u32 s7, $0x2  }
0xc: {  	s22 =	sadd.s32 s9, s29;
	s8 =	sadd.s32 s23, s20;
	s9 =	simm.s32 $0x75  }
0xd: {  	s19 =	simm.s32 $0x80;
	s20 =	simm.s32 $0x100;
	s23 =	simm.s32 $0x6800  }
0xe: {  	v0 =	vmov s29;
	s29 =	simm.s32 $0x2780;
	s5 =	sshrl.u32 s5, $0x3;
	s7 =	sshll.u32 s22, $0x4  }
0xf: {  	s17 =	sadd.s32 s21, s1;
	s25 =	sshll.u32 s8, $0x8;
	s9 =	simm.s32 @!p0 $0x74  }
0x10: {  	s16 =	smax.u32 s16, $0x1;
	s21 =	simm.s32 $0x1400;
	s22 =	simm.s32 $0x2800  }
0x11: {  	p0 =	sgt.u32 s3, $0x3;
	s15 =	sadd.s32 s5, s0;
	s24 =	sadd.s32 s4, s7  }
0x12: {  	s6 =	sadd.s32 s2, s25;
	s8 =	sadd.s32 s8, s9;
	s0 =	sadd.s32 $0x3610, s0  }
0x13: {  	s17 =	sshrl.u32 s17, $0x3;
	s25 =	simm.s32 $0x2;
	[dreg:$0x3] =	wrdreg s24  }
0x14: {  	s11 =	sshrl.u32 s6, $0x3;
	s6 =	sor.u32 $0x1C03, s26;
	s12 =	sshll.u32 s8, $0x8  }
0x15: {  	s15 =	sadd.s32 $0x7A800, s15;
	s24 =	simm.s32 $0x1;
	s26 =	simm.s32 $0x1380  }
0x16: {  	s7 =	sadd.s32 s13, s11;
	s10 =	sadd.s32 $0x500, s11;
	s8 =	sadd.s32 s11, s0  }
0x17: {  	s2 =	sadd.s32 s2, s12;
	s30 =	sadd.s32 $0xA00, s11;
	s9 =	sadd.s32 s13, s10  }
0x18: {  	s10 =	sadd.s32 s10, s0;
	s2 =	sshrl.u32 s2, $0x3;
	s11 =	sadd.s32 s13, s30  }
0x19: {  	s12 =	sadd.s32 s30, s0;
	s13 =	sadd.s32 s13, s2;
	s14 =	sadd.s32 s2, s0  }
.LBB2_1:
0x1a: {  	s0 =	rddreg [dreg:$0x3]  }
0x1b: {  	[spmem:s17], [sflag:s6] =	dma.local [hbm:s0], $0x2800  }
0x1c: {  	_ =	swait.ge [sflag:s18], $0x2800  }
0x1d: {  	[sflag:s18] =	ssyncset.done $0x0  }
0x1e: {  	[sflag:s18] =	ssyncadd.s32 $0xFFFFD800  }
0x1f: {  	s30 =	simm.s32 $0x0;
	[bflag:$0x0] =	sbarrier.arrive $0xFFFF  }
0x20: {  	[tilespmem:s30], [sflag:$0x3] =	stream.strided.gather [hbm4b:s7+s19], $0x1400, s20, s19, $0x38;
	[tilespmem:$0x1E800] =	vst v63  }
0x21: {  	_ =	swait.ge [sflag:s18], $0x1400  }
0x22: {  	[sflag:s18] =	ssyncset.done $0x0  }
0x23: {  	[sflag:s18] =	ssyncadd.s32 $0xFFFFEC00  }
0x24: {  	[tilespmem:s21], [sflag:$0x3] =	stream.strided.gather [hbm4b:s8+s19], $0x1400, s20, s19, $0x38;
	[tilespmem:$0x1E800] =	vst v63  }
0x25: {  	_ =	swait.ge [sflag:s18], $0x1400  }
0x26: {  	[sflag:s18] =	ssyncset.done $0x0  }
0x27: {  	s2 =	simm.s32 $0x40;
	s0 =	simm.s32 $0x0;
	[sflag:s18] =	ssyncadd.s32 $0xFFFFEC00  }
.LBB2_2:
0x28: {  	p1 =	sne.s32 s2, $0x4FC0;
	v1 =	vld [tilespmem:s0+$0x0];
	_ =	sdelay $0x1  }
.Ltmp0:
0x29: {  	(pc) =	sbr.rel @p1 .LBB2_2-.Ltmp0, $3  }
0x2a: {  	_ =	sdelay $0x1  }
0x2b: {  	v1 =	vadd.s32 v0, v1  }
0x2c: {  	[tilespmem:s0+$0x0] =	vst v1;
	s0 =	sshra.s32 s2, $0x2;
	s2 =	sadd.s32 $0x40, s2  }
0x2d: {  	v1 =	vld [tilespmem:s0+$0x0];
	_ =	sdelay $0x4  }
0x2e: {  	v1 =	vadd.s32 v0, v1  }
0x2f: {  	s30 =	simm.s32 $0x0;
	[tilespmem:s0+$0x0] =	vst v1  }
0x30: {  	[tilespmem:s22], [sflag:$0x1] =	stream.indirect.gather [hbm4b:s4+s19], $0x80, s30, s19, $0xb8;
	[tilespmem:$0x1E800] =	vst v63  }
0x31: {  	s2 =	simm.s32 $0x80  }
0x32: {  	[tilespmem:s23], [sflag:$0x2] =	stream.indirect.gather [hbm4b:s4+s19], $0x80, s2, s19, $0xb8;
	[tilespmem:$0x1E800] =	vst v63  }
0x33: {  	_ =	swait.ge [sflag:s24], $0x4000  }
0x34: {  	[sflag:s24] =	ssyncset.done $0x0  }
0x35: {  	s3 =	simm.s32 $0x1400;
	[sflag:s24] =	ssyncadd.s32 $0xFFFFC000  }
0x36: {  	[spmem:s1] =	stream.indirect.scatter.add.f32 [tilespmem:s22], [sflag:$0x3], $0x80, s3, s19, $0xb8;
	[tilespmem:$0x1E800] =	vst v63  }
0x37: {  	_ =	swait.ge [sflag:s18], $0x4000  }
0x38: {  	[sflag:s18] =	ssyncset.done $0x0  }
0x39: {  	s5 =	simm.s32 $0x100;
	[sflag:s18] =	ssyncadd.s32 $0xFFFFC000  }
0x3a: {  	[tilespmem:s22], [sflag:$0x1] =	stream.indirect.gather [hbm4b:s4+s19], $0x80, s5, s19, $0xb8;
	[tilespmem:$0x1E800] =	vst v63  }
0x3b: {  	_ =	swait.ge [sflag:s25], $0x4000  }
0x3c: {  	[sflag:s25] =	ssyncset.done $0x0  }
0x3d: {  	s30 =	simm.s32 $0x1480;
	[sflag:s25] =	ssyncadd.s32 $0xFFFFC000  }
0x3e: {  	[spmem:s1] =	stream.indirect.scatter.add.f32 [tilespmem:s23], [sflag:$0x3], $0x80, s30, s19, $0xb8;
	[tilespmem:$0x1E800] =	vst v63  }
0x3f: {  	_ =	swait.ge [sflag:s18], $0x4000  }
0x40: {  	s0 =	simm.s32 $0x100;
	s2 =	simm.s32 $0x800;
	[sflag:s18] =	ssyncset.done $0x0  }
.LBB2_4:
0x41: {  	s3 =	sadd.s32 $0x80, s0  }
0x42: {  	[sflag:s18] =	ssyncadd.s32 $0xFFFFC000;
	s30 =	smov.u32 s2;
	s5 =	sadd.s32 $0x400, s2  }
0x43: {  	[tilespmem:s23], [sflag:$0x2] =	stream.indirect.gather [hbm4b:s4+s19], $0x80, s3, s19, $0xb8;
	[tilespmem:$0x1E800] =	vst v63  }
0x44: {  	p1 =	sne.s32 s2, $0x4800;
	_ =	swait.ge [sflag:s24], $0x4000  }
0x45: {  	[sflag:s24] =	ssyncset.done $0x0  }
0x46: {  	s2 =	sadd.s32 $0x1400, s0;
	[sflag:s24] =	ssyncadd.s32 $0xFFFFC000  }
0x47: {  	[spmem:s1] =	stream.indirect.scatter.add.f32 [tilespmem:s22], [sflag:$0x3], $0x80, s2, s19, $0xb8;
	[tilespmem:$0x1E800] =	vst v63  }
0x48: {  	_ =	swait.ge [sflag:s18], $0x4000  }
0x49: {  	[sflag:s18] =	ssyncset.done $0x0  }
0x4a: {  	s2 =	sadd.s32 $0x100, s0;
	[sflag:s18] =	ssyncadd.s32 $0xFFFFC000  }
0x4b: {  	[tilespmem:s22], [sflag:$0x1] =	stream.indirect.gather [hbm4b:s4+s19], $0x80, s2, s19, $0xb8;
	[tilespmem:$0x1E800] =	vst v63  }
0x4c: {  	_ =	swait.ge [sflag:s25], $0x4000  }
.Ltmp1:
0x4d: {  	[sflag:s25] =	ssyncset.done $0x0;
	(pc) =	sbr.rel @p1 .LBB2_4-.Ltmp1, $4  }
0x4e: {  	s0 =	sadd.s32 $0x1480, s0;
	[sflag:s25] =	ssyncadd.s32 $0xFFFFC000  }
0x4f: {  	[spmem:s1] =	stream.indirect.scatter.add.f32 [tilespmem:s23], [sflag:$0x3], $0x80, s0, s19, $0xb8;
	[tilespmem:$0x1E800] =	vst v63  }
0x50: {  	_ =	swait.ge [sflag:s18], $0x4000  }
0x51: {  	s2 =	smov.u32 s5;
	s0 =	sshra.s32 s30, $0x2;
	[sflag:s18] =	ssyncset.done $0x0  }
0x52: {  	s2 =	sadd.s32 $0x80, s0;
	[sflag:s18] =	ssyncadd.s32 $0xFFFFC000  }
0x53: {  	[tilespmem:s23], [sflag:$0x2] =	stream.indirect.gather [hbm4b:s4+s19], $0x80, s2, s19, $0xb8;
	[tilespmem:$0x1E800] =	vst v63  }
0x54: {  	_ =	swait.ge [sflag:s24], $0x4000  }
0x55: {  	[sflag:s24] =	ssyncset.done $0x0  }
0x56: {  	s30 =	sadd.s32 $0x1400, s0;
	[sflag:s24] =	ssyncadd.s32 $0xFFFFC000  }
0x57: {  	[spmem:s1] =	stream.indirect.scatter.add.f32 [tilespmem:s22], [sflag:$0x3], $0x80, s30, s19, $0xb8;
	[tilespmem:$0x1E800] =	vst v63  }
0x58: {  	_ =	swait.ge [sflag:s18], $0x4000  }
0x59: {  	[sflag:s18] =	ssyncset.done $0x0  }
0x5a: {  	s3 =	sadd.s32 $0x100, s0;
	[sflag:s18] =	ssyncadd.s32 $0xFFFFC000  }
0x5b: {  	[tilespmem:s22], [sflag:$0x1] =	stream.indirect.gather [hbm4b:s4+s19], $0x80, s3, s19, $0xb8;
	[tilespmem:$0x1E800] =	vst v63  }
0x5c: {  	_ =	swait.ge [sflag:s25], $0x4000  }
0x5d: {  	[sflag:s25] =	ssyncset.done $0x0  }
0x5e: {  	s5 =	sadd.s32 $0x1480, s0;
	[sflag:s25] =	ssyncadd.s32 $0xFFFFC000  }
0x5f: {  	[spmem:s1] =	stream.indirect.scatter.add.f32 [tilespmem:s23], [sflag:$0x3], $0x80, s5, s19, $0xb8;
	[tilespmem:$0x1E800] =	vst v63  }
0x60: {  	_ =	swait.ge [sflag:s18], $0x4000  }
0x61: {  	[sflag:s18] =	ssyncset.done $0x0  }
0x62: {  	[sflag:s18] =	ssyncadd.s32 $0xFFFFC000  }
0x63: {  	[tilespmem:s23], [sflag:$0x2] =	stream.indirect.gather [hbm4b:s4+s19], $0x80, s26, s19, $0xb8;
	[tilespmem:$0x1E800] =	vst v63  }
0x64: {  	_ =	swait.ge [sflag:s24], $0x4000  }
0x65: {  	[sflag:s24] =	ssyncset.done $0x0  }
0x66: {  	[sflag:s24] =	ssyncadd.s32 $0xFFFFC000  }
0x67: {  	[spmem:s1] =	stream.indirect.scatter.add.f32 [tilespmem:s22], [sflag:$0x3], $0x80, s28, s19, $0xb8;
	[tilespmem:$0x1E800] =	vst v63  }
0x68: {  	_ =	swait.ge [sflag:s18], $0x4000  }
0x69: {  	[sflag:s18] =	ssyncset.done $0x0  }
0x6a: {  	[sflag:s18] =	ssyncadd.s32 $0xFFFFC000  }
0x6b: {  	_ =	swait.ge [sflag:s25], $0x4000  }
0x6c: {  	[sflag:s25] =	ssyncset.done $0x0  }
0x6d: {  	[sflag:s25] =	ssyncadd.s32 $0xFFFFC000  }
0x6e: {  	[spmem:s1] =	stream.indirect.scatter.add.f32 [tilespmem:s23], [sflag:$0x3], $0x80, s29, s19, $0xb8;
	[tilespmem:$0x1E800] =	vst v63  }
0x6f: {  	_ =	swait.ge [sflag:s18], $0x4000  }
0x70: {  	[sflag:s18] =	ssyncset.done $0x0  }
0x71: {  	s30 =	simm.s32 $0x0;
	[sflag:s18] =	ssyncadd.s32 $0xFFFFC000  }
0x72: {  	[tilespmem:s30], [sflag:$0x3] =	stream.strided.gather [hbm4b:s9+s19], $0x1400, s20, s19, $0x38;
	[tilespmem:$0x1E800] =	vst v63  }
0x73: {  	_ =	swait.ge [sflag:s18], $0x1400  }
0x74: {  	[sflag:s18] =	ssyncset.done $0x0  }
0x75: {  	[sflag:s18] =	ssyncadd.s32 $0xFFFFEC00  }
0x76: {  	[tilespmem:s21], [sflag:$0x3] =	stream.strided.gather [hbm4b:s10+s19], $0x1400, s20, s19, $0x38;
	[tilespmem:$0x1E800] =	vst v63  }
0x77: {  	_ =	swait.ge [sflag:s18], $0x1400  }
0x78: {  	[sflag:s18] =	ssyncset.done $0x0  }
0x79: {  	s0 =	simm.s32 $0x0;
	s2 =	simm.s32 $0x40;
	[sflag:s18] =	ssyncadd.s32 $0xFFFFEC00  }
.LBB2_6:
0x7a: {  	p1 =	sne.s32 s2, $0x4FC0;
	v1 =	vld [tilespmem:s0+$0x0];
	_ =	sdelay $0x1  }
.Ltmp2:
0x7b: {  	(pc) =	sbr.rel @p1 .LBB2_6-.Ltmp2, $3  }
0x7c: {  	_ =	sdelay $0x1  }
0x7d: {  	v1 =	vadd.s32 v0, v1  }
0x7e: {  	[tilespmem:s0+$0x0] =	vst v1;
	s0 =	sshra.s32 s2, $0x2;
	s2 =	sadd.s32 $0x40, s2  }
0x7f: {  	v1 =	vld [tilespmem:s0+$0x0];
	_ =	sdelay $0x4  }
0x80: {  	v1 =	vadd.s32 v0, v1  }
0x81: {  	s30 =	simm.s32 $0x0;
	[tilespmem:s0+$0x0] =	vst v1  }
0x82: {  	[tilespmem:s22], [sflag:$0x1] =	stream.indirect.gather [hbm4b:s4+s19], $0x80, s30, s19, $0xb8;
	[tilespmem:$0x1E800] =	vst v63  }
0x83: {  	s2 =	simm.s32 $0x80  }
0x84: {  	[tilespmem:s23], [sflag:$0x2] =	stream.indirect.gather [hbm4b:s4+s19], $0x80, s2, s19, $0xb8;
	[tilespmem:$0x1E800] =	vst v63  }
0x85: {  	_ =	swait.ge [sflag:s24], $0x4000  }
0x86: {  	[sflag:s24] =	ssyncset.done $0x0  }
0x87: {  	s3 =	simm.s32 $0x1400;
	[sflag:s24] =	ssyncadd.s32 $0xFFFFC000  }
0x88: {  	[spmem:s1] =	stream.indirect.scatter.add.f32 [tilespmem:s22], [sflag:$0x3], $0x80, s3, s19, $0xb8;
	[tilespmem:$0x1E800] =	vst v63  }
0x89: {  	_ =	swait.ge [sflag:s18], $0x4000  }
0x8a: {  	[sflag:s18] =	ssyncset.done $0x0  }
0x8b: {  	s5 =	simm.s32 $0x100;
	[sflag:s18] =	ssyncadd.s32 $0xFFFFC000  }
0x8c: {  	[tilespmem:s22], [sflag:$0x1] =	stream.indirect.gather [hbm4b:s4+s19], $0x80, s5, s19, $0xb8;
	[tilespmem:$0x1E800] =	vst v63  }
0x8d: {  	_ =	swait.ge [sflag:s25], $0x4000  }
0x8e: {  	[sflag:s25] =	ssyncset.done $0x0  }
0x8f: {  	s30 =	simm.s32 $0x1480;
	[sflag:s25] =	ssyncadd.s32 $0xFFFFC000  }
0x90: {  	[spmem:s1] =	stream.indirect.scatter.add.f32 [tilespmem:s23], [sflag:$0x3], $0x80, s30, s19, $0xb8;
	[tilespmem:$0x1E800] =	vst v63  }
0x91: {  	_ =	swait.ge [sflag:s18], $0x4000  }
0x92: {  	s0 =	simm.s32 $0x100;
	s2 =	simm.s32 $0x800;
	[sflag:s18] =	ssyncset.done $0x0  }
.LBB2_8:
0x93: {  	s3 =	sadd.s32 $0x80, s0  }
0x94: {  	[sflag:s18] =	ssyncadd.s32 $0xFFFFC000;
	s5 =	smov.u32 s2;
	s30 =	sadd.s32 $0x400, s2  }
0x95: {  	[tilespmem:s23], [sflag:$0x2] =	stream.indirect.gather [hbm4b:s4+s19], $0x80, s3, s19, $0xb8;
	[tilespmem:$0x1E800] =	vst v63  }
0x96: {  	p1 =	sne.s32 s2, $0x4800;
	_ =	swait.ge [sflag:s24], $0x4000  }
0x97: {  	[sflag:s24] =	ssyncset.done $0x0  }
0x98: {  	s2 =	sadd.s32 $0x1400, s0;
	[sflag:s24] =	ssyncadd.s32 $0xFFFFC000  }
0x99: {  	[spmem:s1] =	stream.indirect.scatter.add.f32 [tilespmem:s22], [sflag:$0x3], $0x80, s2, s19, $0xb8;
	[tilespmem:$0x1E800] =	vst v63  }
0x9a: {  	_ =	swait.ge [sflag:s18], $0x4000  }
0x9b: {  	[sflag:s18] =	ssyncset.done $0x0  }
0x9c: {  	s2 =	sadd.s32 $0x100, s0;
	[sflag:s18] =	ssyncadd.s32 $0xFFFFC000  }
0x9d: {  	[tilespmem:s22], [sflag:$0x1] =	stream.indirect.gather [hbm4b:s4+s19], $0x80, s2, s19, $0xb8;
	[tilespmem:$0x1E800] =	vst v63  }
0x9e: {  	_ =	swait.ge [sflag:s25], $0x4000  }
.Ltmp3:
0x9f: {  	[sflag:s25] =	ssyncset.done $0x0;
	(pc) =	sbr.rel @p1 .LBB2_8-.Ltmp3, $4  }
0xa0: {  	s0 =	sadd.s32 $0x1480, s0;
	[sflag:s25] =	ssyncadd.s32 $0xFFFFC000  }
0xa1: {  	[spmem:s1] =	stream.indirect.scatter.add.f32 [tilespmem:s23], [sflag:$0x3], $0x80, s0, s19, $0xb8;
	[tilespmem:$0x1E800] =	vst v63  }
0xa2: {  	_ =	swait.ge [sflag:s18], $0x4000  }
0xa3: {  	s2 =	smov.u32 s30;
	s0 =	sshra.s32 s5, $0x2;
	[sflag:s18] =	ssyncset.done $0x0  }
0xa4: {  	s2 =	sadd.s32 $0x80, s0;
	[sflag:s18] =	ssyncadd.s32 $0xFFFFC000  }
0xa5: {  	[tilespmem:s23], [sflag:$0x2] =	stream.indirect.gather [hbm4b:s4+s19], $0x80, s2, s19, $0xb8;
	[tilespmem:$0x1E800] =	vst v63  }
0xa6: {  	_ =	swait.ge [sflag:s24], $0x4000  }
0xa7: {  	[sflag:s24] =	ssyncset.done $0x0  }
0xa8: {  	s30 =	sadd.s32 $0x1400, s0;
	[sflag:s24] =	ssyncadd.s32 $0xFFFFC000  }
0xa9: {  	[spmem:s1] =	stream.indirect.scatter.add.f32 [tilespmem:s22], [sflag:$0x3], $0x80, s30, s19, $0xb8;
	[tilespmem:$0x1E800] =	vst v63  }
0xaa: {  	_ =	swait.ge [sflag:s18], $0x4000  }
0xab: {  	[sflag:s18] =	ssyncset.done $0x0  }
0xac: {  	s3 =	sadd.s32 $0x100, s0;
	[sflag:s18] =	ssyncadd.s32 $0xFFFFC000  }
0xad: {  	[tilespmem:s22], [sflag:$0x1] =	stream.indirect.gather [hbm4b:s4+s19], $0x80, s3, s19, $0xb8;
	[tilespmem:$0x1E800] =	vst v63  }
0xae: {  	_ =	swait.ge [sflag:s25], $0x4000  }
0xaf: {  	[sflag:s25] =	ssyncset.done $0x0  }
0xb0: {  	s5 =	sadd.s32 $0x1480, s0;
	[sflag:s25] =	ssyncadd.s32 $0xFFFFC000  }
0xb1: {  	[spmem:s1] =	stream.indirect.scatter.add.f32 [tilespmem:s23], [sflag:$0x3], $0x80, s5, s19, $0xb8;
	[tilespmem:$0x1E800] =	vst v63  }
0xb2: {  	_ =	swait.ge [sflag:s18], $0x4000  }
0xb3: {  	[sflag:s18] =	ssyncset.done $0x0  }
0xb4: {  	[sflag:s18] =	ssyncadd.s32 $0xFFFFC000  }
0xb5: {  	[tilespmem:s23], [sflag:$0x2] =	stream.indirect.gather [hbm4b:s4+s19], $0x80, s26, s19, $0xb8;
	[tilespmem:$0x1E800] =	vst v63  }
0xb6: {  	_ =	swait.ge [sflag:s24], $0x4000  }
0xb7: {  	[sflag:s24] =	ssyncset.done $0x0  }
0xb8: {  	[sflag:s24] =	ssyncadd.s32 $0xFFFFC000  }
0xb9: {  	[spmem:s1] =	stream.indirect.scatter.add.f32 [tilespmem:s22], [sflag:$0x3], $0x80, s28, s19, $0xb8;
	[tilespmem:$0x1E800] =	vst v63  }
0xba: {  	_ =	swait.ge [sflag:s18], $0x4000  }
0xbb: {  	[sflag:s18] =	ssyncset.done $0x0  }
0xbc: {  	[sflag:s18] =	ssyncadd.s32 $0xFFFFC000  }
0xbd: {  	_ =	swait.ge [sflag:s25], $0x4000  }
0xbe: {  	[sflag:s25] =	ssyncset.done $0x0  }
0xbf: {  	[sflag:s25] =	ssyncadd.s32 $0xFFFFC000  }
0xc0: {  	[spmem:s1] =	stream.indirect.scatter.add.f32 [tilespmem:s23], [sflag:$0x3], $0x80, s29, s19, $0xb8;
	[tilespmem:$0x1E800] =	vst v63  }
0xc1: {  	_ =	swait.ge [sflag:s18], $0x4000  }
0xc2: {  	[sflag:s18] =	ssyncset.done $0x0  }
0xc3: {  	s30 =	simm.s32 $0x0;
	[sflag:s18] =	ssyncadd.s32 $0xFFFFC000  }
0xc4: {  	[tilespmem:s30], [sflag:$0x3] =	stream.strided.gather [hbm4b:s11+s19], $0x1400, s20, s19, $0x38;
	[tilespmem:$0x1E800] =	vst v63  }
0xc5: {  	_ =	swait.ge [sflag:s18], $0x1400  }
0xc6: {  	[sflag:s18] =	ssyncset.done $0x0  }
0xc7: {  	[sflag:s18] =	ssyncadd.s32 $0xFFFFEC00  }
0xc8: {  	[tilespmem:s21], [sflag:$0x3] =	stream.strided.gather [hbm4b:s12+s19], $0x1400, s20, s19, $0x38;
	[tilespmem:$0x1E800] =	vst v63  }
0xc9: {  	_ =	swait.ge [sflag:s18], $0x1400  }
0xca: {  	[sflag:s18] =	ssyncset.done $0x0  }
0xcb: {  	s0 =	simm.s32 $0x0;
	s2 =	simm.s32 $0x40;
	[sflag:s18] =	ssyncadd.s32 $0xFFFFEC00  }
.LBB2_10:
0xcc: {  	p1 =	sne.s32 s2, $0x4FC0;
	v1 =	vld [tilespmem:s0+$0x0];
	_ =	sdelay $0x1  }
.Ltmp4:
0xcd: {  	(pc) =	sbr.rel @p1 .LBB2_10-.Ltmp4, $3  }
0xce: {  	_ =	sdelay $0x1  }
0xcf: {  	v1 =	vadd.s32 v0, v1  }
0xd0: {  	[tilespmem:s0+$0x0] =	vst v1;
	s0 =	sshra.s32 s2, $0x2;
	s2 =	sadd.s32 $0x40, s2  }
0xd1: {  	v1 =	vld [tilespmem:s0+$0x0];
	_ =	sdelay $0x4  }
0xd2: {  	v1 =	vadd.s32 v0, v1  }
0xd3: {  	s30 =	simm.s32 $0x0;
	[tilespmem:s0+$0x0] =	vst v1  }
0xd4: {  	[tilespmem:s22], [sflag:$0x1] =	stream.indirect.gather [hbm4b:s4+s19], $0x80, s30, s19, $0xb8;
	[tilespmem:$0x1E800] =	vst v63  }
0xd5: {  	s2 =	simm.s32 $0x80  }
0xd6: {  	[tilespmem:s23], [sflag:$0x2] =	stream.indirect.gather [hbm4b:s4+s19], $0x80, s2, s19, $0xb8;
	[tilespmem:$0x1E800] =	vst v63  }
0xd7: {  	_ =	swait.ge [sflag:s24], $0x4000  }
0xd8: {  	[sflag:s24] =	ssyncset.done $0x0  }
0xd9: {  	s3 =	simm.s32 $0x1400;
	[sflag:s24] =	ssyncadd.s32 $0xFFFFC000  }
0xda: {  	[spmem:s1] =	stream.indirect.scatter.add.f32 [tilespmem:s22], [sflag:$0x3], $0x80, s3, s19, $0xb8;
	[tilespmem:$0x1E800] =	vst v63  }
0xdb: {  	_ =	swait.ge [sflag:s18], $0x4000  }
0xdc: {  	[sflag:s18] =	ssyncset.done $0x0  }
0xdd: {  	s5 =	simm.s32 $0x100;
	[sflag:s18] =	ssyncadd.s32 $0xFFFFC000  }
0xde: {  	[tilespmem:s22], [sflag:$0x1] =	stream.indirect.gather [hbm4b:s4+s19], $0x80, s5, s19, $0xb8;
	[tilespmem:$0x1E800] =	vst v63  }
0xdf: {  	_ =	swait.ge [sflag:s25], $0x4000  }
0xe0: {  	[sflag:s25] =	ssyncset.done $0x0  }
0xe1: {  	s30 =	simm.s32 $0x1480;
	[sflag:s25] =	ssyncadd.s32 $0xFFFFC000  }
0xe2: {  	[spmem:s1] =	stream.indirect.scatter.add.f32 [tilespmem:s23], [sflag:$0x3], $0x80, s30, s19, $0xb8;
	[tilespmem:$0x1E800] =	vst v63  }
0xe3: {  	_ =	swait.ge [sflag:s18], $0x4000  }
0xe4: {  	s0 =	simm.s32 $0x100;
	s2 =	simm.s32 $0x800;
	[sflag:s18] =	ssyncset.done $0x0  }
.LBB2_12:
0xe5: {  	s3 =	sadd.s32 $0x80, s0  }
0xe6: {  	[sflag:s18] =	ssyncadd.s32 $0xFFFFC000;
	s5 =	smov.u32 s2;
	s30 =	sadd.s32 $0x400, s2  }
0xe7: {  	[tilespmem:s23], [sflag:$0x2] =	stream.indirect.gather [hbm4b:s4+s19], $0x80, s3, s19, $0xb8;
	[tilespmem:$0x1E800] =	vst v63  }
0xe8: {  	p1 =	sne.s32 s2, $0x4800;
	_ =	swait.ge [sflag:s24], $0x4000  }
0xe9: {  	[sflag:s24] =	ssyncset.done $0x0  }
0xea: {  	s2 =	sadd.s32 $0x1400, s0;
	[sflag:s24] =	ssyncadd.s32 $0xFFFFC000  }
0xeb: {  	[spmem:s1] =	stream.indirect.scatter.add.f32 [tilespmem:s22], [sflag:$0x3], $0x80, s2, s19, $0xb8;
	[tilespmem:$0x1E800] =	vst v63  }
0xec: {  	_ =	swait.ge [sflag:s18], $0x4000  }
0xed: {  	[sflag:s18] =	ssyncset.done $0x0  }
0xee: {  	s2 =	sadd.s32 $0x100, s0;
	[sflag:s18] =	ssyncadd.s32 $0xFFFFC000  }
0xef: {  	[tilespmem:s22], [sflag:$0x1] =	stream.indirect.gather [hbm4b:s4+s19], $0x80, s2, s19, $0xb8;
	[tilespmem:$0x1E800] =	vst v63  }
0xf0: {  	_ =	swait.ge [sflag:s25], $0x4000  }
.Ltmp5:
0xf1: {  	[sflag:s25] =	ssyncset.done $0x0;
	(pc) =	sbr.rel @p1 .LBB2_12-.Ltmp5, $4  }
0xf2: {  	s0 =	sadd.s32 $0x1480, s0;
	[sflag:s25] =	ssyncadd.s32 $0xFFFFC000  }
0xf3: {  	[spmem:s1] =	stream.indirect.scatter.add.f32 [tilespmem:s23], [sflag:$0x3], $0x80, s0, s19, $0xb8;
	[tilespmem:$0x1E800] =	vst v63  }
0xf4: {  	_ =	swait.ge [sflag:s18], $0x4000  }
0xf5: {  	s2 =	smov.u32 s30;
	s0 =	sshra.s32 s5, $0x2;
	[sflag:s18] =	ssyncset.done $0x0  }
0xf6: {  	s2 =	sadd.s32 $0x80, s0;
	[sflag:s18] =	ssyncadd.s32 $0xFFFFC000  }
0xf7: {  	[tilespmem:s23], [sflag:$0x2] =	stream.indirect.gather [hbm4b:s4+s19], $0x80, s2, s19, $0xb8;
	[tilespmem:$0x1E800] =	vst v63  }
0xf8: {  	_ =	swait.ge [sflag:s24], $0x4000  }
0xf9: {  	[sflag:s24] =	ssyncset.done $0x0  }
0xfa: {  	s30 =	sadd.s32 $0x1400, s0;
	[sflag:s24] =	ssyncadd.s32 $0xFFFFC000  }
0xfb: {  	[spmem:s1] =	stream.indirect.scatter.add.f32 [tilespmem:s22], [sflag:$0x3], $0x80, s30, s19, $0xb8;
	[tilespmem:$0x1E800] =	vst v63  }
0xfc: {  	_ =	swait.ge [sflag:s18], $0x4000  }
0xfd: {  	[sflag:s18] =	ssyncset.done $0x0  }
0xfe: {  	s3 =	sadd.s32 $0x100, s0;
	[sflag:s18] =	ssyncadd.s32 $0xFFFFC000  }
0xff: {  	[tilespmem:s22], [sflag:$0x1] =	stream.indirect.gather [hbm4b:s4+s19], $0x80, s3, s19, $0xb8;
	[tilespmem:$0x1E800] =	vst v63  }
0x100: {  	_ =	swait.ge [sflag:s25], $0x4000  }
0x101: {  	[sflag:s25] =	ssyncset.done $0x0  }
0x102: {  	s5 =	sadd.s32 $0x1480, s0;
	[sflag:s25] =	ssyncadd.s32 $0xFFFFC000  }
0x103: {  	[spmem:s1] =	stream.indirect.scatter.add.f32 [tilespmem:s23], [sflag:$0x3], $0x80, s5, s19, $0xb8;
	[tilespmem:$0x1E800] =	vst v63  }
0x104: {  	_ =	swait.ge [sflag:s18], $0x4000  }
0x105: {  	[sflag:s18] =	ssyncset.done $0x0  }
0x106: {  	[sflag:s18] =	ssyncadd.s32 $0xFFFFC000  }
0x107: {  	[tilespmem:s23], [sflag:$0x2] =	stream.indirect.gather [hbm4b:s4+s19], $0x80, s26, s19, $0xb8;
	[tilespmem:$0x1E800] =	vst v63  }
0x108: {  	_ =	swait.ge [sflag:s24], $0x4000  }
0x109: {  	[sflag:s24] =	ssyncset.done $0x0  }
0x10a: {  	[sflag:s24] =	ssyncadd.s32 $0xFFFFC000  }
0x10b: {  	[spmem:s1] =	stream.indirect.scatter.add.f32 [tilespmem:s22], [sflag:$0x3], $0x80, s28, s19, $0xb8;
	[tilespmem:$0x1E800] =	vst v63  }
0x10c: {  	_ =	swait.ge [sflag:s18], $0x4000  }
0x10d: {  	[sflag:s18] =	ssyncset.done $0x0  }
0x10e: {  	[sflag:s18] =	ssyncadd.s32 $0xFFFFC000  }
0x10f: {  	_ =	swait.ge [sflag:s25], $0x4000  }
0x110: {  	[sflag:s25] =	ssyncset.done $0x0  }
0x111: {  	[sflag:s25] =	ssyncadd.s32 $0xFFFFC000  }
0x112: {  	[spmem:s1] =	stream.indirect.scatter.add.f32 [tilespmem:s23], [sflag:$0x3], $0x80, s29, s19, $0xb8;
	[tilespmem:$0x1E800] =	vst v63  }
0x113: {  	_ =	swait.ge [sflag:s18], $0x4000  }
0x114: {  	[sflag:s18] =	ssyncset.done $0x0  }
0x115: {  	s30 =	simm.s32 $0x0;
	[sflag:s18] =	ssyncadd.s32 $0xFFFFC000  }
0x116: {  	[tilespmem:s30], [sflag:$0x3] =	stream.strided.gather [hbm4b:s13+s19], $0x1400, s20, s19, $0x38;
	[tilespmem:$0x1E800] =	vst v63  }
0x117: {  	_ =	swait.ge [sflag:s18], $0x1400  }
0x118: {  	[sflag:s18] =	ssyncset.done $0x0  }
0x119: {  	[sflag:s18] =	ssyncadd.s32 $0xFFFFEC00  }
0x11a: {  	[tilespmem:s21], [sflag:$0x3] =	stream.strided.gather [hbm4b:s14+s19], $0x1400, s20, s19, $0x38;
	[tilespmem:$0x1E800] =	vst v63  }
0x11b: {  	_ =	swait.ge [sflag:s18], $0x1400  }
0x11c: {  	[sflag:s18] =	ssyncset.done $0x0  }
0x11d: {  	s0 =	simm.s32 $0x0;
	s2 =	simm.s32 $0x40;
	[sflag:s18] =	ssyncadd.s32 $0xFFFFEC00  }
.LBB2_14:
0x11e: {  	p1 =	sne.s32 s2, $0x4FC0;
	v1 =	vld [tilespmem:s0+$0x0];
	_ =	sdelay $0x1  }
.Ltmp6:
0x11f: {  	(pc) =	sbr.rel @p1 .LBB2_14-.Ltmp6, $3  }
0x120: {  	_ =	sdelay $0x1  }
0x121: {  	v1 =	vadd.s32 v0, v1  }
0x122: {  	[tilespmem:s0+$0x0] =	vst v1;
	s0 =	sshra.s32 s2, $0x2;
	s2 =	sadd.s32 $0x40, s2  }
0x123: {  	v1 =	vld [tilespmem:s0+$0x0];
	_ =	sdelay $0x4  }
0x124: {  	v1 =	vadd.s32 v0, v1  }
0x125: {  	s2 =	simm.s32 @!p0 $0x180;
	s3 =	simm.s32 @!p0 $0x2800;
	[tilespmem:s0+$0x0] =	vst v1;
	s0 =	simm.s32 @!p0 $0x80  }
0x126: {  	[tilespmem:s3], [sflag:$0x3] =	stream.indirect.gather @!p0 [hbm4b:s4+s0], $0x80, s2, s0, $0xb8;
	[tilespmem:$0x1E800] =	vst v63  }
0x127: {  	s2 =	simm.s32 @!p0 $0x3  }
0x128: {  	_ =	swait.ge @!p0 [sflag:s2], $0x4000  }
0x129: {  	[sflag:s2] =	ssyncset.done @!p0 $0x0  }
0x12a: {  	s5 =	simm.s32 @!p0 $0x1580;
	[sflag:s2] =	ssyncadd.s32 @!p0 $0xFFFFC000  }
0x12b: {  	[spmem:s1] =	stream.indirect.scatter.add.f32 @!p0 [tilespmem:s3], [sflag:$0x3], $0x80, s5, s0, $0xb8;
	[tilespmem:$0x1E800] =	vst v63  }
0x12c: {  	_ =	swait.ge @!p0 [sflag:s2], $0x4000  }
0x12d: {  	[sflag:s2] =	ssyncset.done @!p0 $0x0  }
0x12e: {  	s30 =	simm.s32 $0x200;
	[sflag:s2] =	ssyncadd.s32 @!p0 $0xFFFFC000  }
0x12f: {  	[tilespmem:s22], [sflag:$0x1] =	stream.indirect.gather [hbm4b:s4+s19], $0x80, s30, s19, $0xb8;
	[tilespmem:$0x1E800] =	vst v63  }
0x130: {  	s2 =	simm.s32 $0x280  }
0x131: {  	[tilespmem:s23], [sflag:$0x2] =	stream.indirect.gather [hbm4b:s4+s19], $0x80, s2, s19, $0xb8;
	[tilespmem:$0x1E800] =	vst v63  }
0x132: {  	_ =	swait.ge [sflag:s24], $0x4000  }
0x133: {  	[sflag:s24] =	ssyncset.done $0x0  }
0x134: {  	s3 =	simm.s32 $0x1600;
	[sflag:s24] =	ssyncadd.s32 $0xFFFFC000  }
0x135: {  	[spmem:s1] =	stream.indirect.scatter.add.f32 [tilespmem:s22], [sflag:$0x3], $0x80, s3, s19, $0xb8;
	[tilespmem:$0x1E800] =	vst v63  }
0x136: {  	_ =	swait.ge [sflag:s18], $0x4000  }
0x137: {  	[sflag:s18] =	ssyncset.done $0x0  }
0x138: {  	s5 =	simm.s32 $0x300;
	[sflag:s18] =	ssyncadd.s32 $0xFFFFC000  }
0x139: {  	[tilespmem:s22], [sflag:$0x1] =	stream.indirect.gather [hbm4b:s4+s19], $0x80, s5, s19, $0xb8;
	[tilespmem:$0x1E800] =	vst v63  }
0x13a: {  	_ =	swait.ge [sflag:s25], $0x4000  }
0x13b: {  	[sflag:s25] =	ssyncset.done $0x0  }
0x13c: {  	s30 =	simm.s32 $0x1680;
	[sflag:s25] =	ssyncadd.s32 $0xFFFFC000  }
0x13d: {  	[spmem:s1] =	stream.indirect.scatter.add.f32 [tilespmem:s23], [sflag:$0x3], $0x80, s30, s19, $0xb8;
	[tilespmem:$0x1E800] =	vst v63  }
0x13e: {  	_ =	swait.ge [sflag:s18], $0x4000  }
0x13f: {  	s0 =	simm.s32 $0xFFFFF000;
	s2 =	simm.s32 $0xFFFFC400;
	[sflag:s18] =	ssyncset.done $0x0  }
.LBB2_16:
0x140: {  	s3 =	sadd.s32 $0x1380, s0  }
0x141: {  	[sflag:s18] =	ssyncadd.s32 $0xFFFFC000;
	s5 =	smov.u32 s2;
	s30 =	sadd.s32 $0x400, s2  }
0x142: {  	[tilespmem:s23], [sflag:$0x2] =	stream.indirect.gather [hbm4b:s4+s19], $0x80, s3, s19, $0xb8;
	[tilespmem:$0x1E800] =	vst v63  }
0x143: {  	p1 =	sne.s32 s2, $0xFFFFFC00;
	_ =	swait.ge [sflag:s24], $0x4000  }
0x144: {  	[sflag:s24] =	ssyncset.done $0x0  }
0x145: {  	s2 =	sadd.s32 $0x2700, s0;
	[sflag:s24] =	ssyncadd.s32 $0xFFFFC000  }
0x146: {  	[spmem:s1] =	stream.indirect.scatter.add.f32 [tilespmem:s22], [sflag:$0x3], $0x80, s2, s19, $0xb8;
	[tilespmem:$0x1E800] =	vst v63  }
0x147: {  	_ =	swait.ge [sflag:s18], $0x4000  }
0x148: {  	[sflag:s18] =	ssyncset.done $0x0  }
0x149: {  	s2 =	sadd.s32 $0x1400, s0;
	[sflag:s18] =	ssyncadd.s32 $0xFFFFC000  }
0x14a: {  	[tilespmem:s22], [sflag:$0x1] =	stream.indirect.gather [hbm4b:s4+s19], $0x80, s2, s19, $0xb8;
	[tilespmem:$0x1E800] =	vst v63  }
0x14b: {  	_ =	swait.ge [sflag:s25], $0x4000  }
.Ltmp7:
0x14c: {  	[sflag:s25] =	ssyncset.done $0x0;
	(pc) =	sbr.rel @p1 .LBB2_16-.Ltmp7, $4  }
0x14d: {  	s0 =	sadd.s32 $0x2780, s0;
	[sflag:s25] =	ssyncadd.s32 $0xFFFFC000  }
0x14e: {  	[spmem:s1] =	stream.indirect.scatter.add.f32 [tilespmem:s23], [sflag:$0x3], $0x80, s0, s19, $0xb8;
	[tilespmem:$0x1E800] =	vst v63  }
0x14f: {  	_ =	swait.ge [sflag:s18], $0x4000  }
0x150: {  	s2 =	smov.u32 s30;
	s0 =	sshra.s32 s5, $0x2;
	[sflag:s18] =	ssyncset.done $0x0  }
0x151: {  	s2 =	sadd.s32 $0x1380, s0;
	[sflag:s18] =	ssyncadd.s32 $0xFFFFC000  }
0x152: {  	[tilespmem:s23], [sflag:$0x2] =	stream.indirect.gather [hbm4b:s4+s19], $0x80, s2, s19, $0xb8;
	[tilespmem:$0x1E800] =	vst v63  }
0x153: {  	_ =	swait.ge [sflag:s24], $0x4000  }
0x154: {  	[sflag:s24] =	ssyncset.done $0x0  }
0x155: {  	s3 =	sadd.s32 $0x2700, s0;
	[sflag:s24] =	ssyncadd.s32 $0xFFFFC000  }
0x156: {  	[spmem:s1] =	stream.indirect.scatter.add.f32 [tilespmem:s22], [sflag:$0x3], $0x80, s3, s19, $0xb8;
	[tilespmem:$0x1E800] =	vst v63  }
0x157: {  	_ =	swait.ge [sflag:s18], $0x4000  }
0x158: {  	[sflag:s18] =	ssyncset.done $0x0  }
0x159: {  	s5 =	sadd.s32 $0x1400, s0;
	[sflag:s18] =	ssyncadd.s32 $0xFFFFC000  }
0x15a: {  	[tilespmem:s22], [sflag:$0x1] =	stream.indirect.gather [hbm4b:s4+s19], $0x80, s5, s19, $0xb8;
	[tilespmem:$0x1E800] =	vst v63  }
0x15b: {  	_ =	swait.ge [sflag:s25], $0x4000  }
0x15c: {  	[sflag:s25] =	ssyncset.done $0x0  }
0x15d: {  	s30 =	sadd.s32 $0x2780, s0;
	[sflag:s25] =	ssyncadd.s32 $0xFFFFC000  }
0x15e: {  	[spmem:s1] =	stream.indirect.scatter.add.f32 [tilespmem:s23], [sflag:$0x3], $0x80, s30, s19, $0xb8;
	[tilespmem:$0x1E800] =	vst v63  }
0x15f: {  	_ =	swait.ge [sflag:s18], $0x4000  }
0x160: {  	[sflag:s18] =	ssyncset.done $0x0  }
0x161: {  	[sflag:s18] =	ssyncadd.s32 $0xFFFFC000  }
0x162: {  	[tilespmem:s23], [sflag:$0x2] =	stream.indirect.gather [hbm4b:s4+s19], $0x80, s26, s19, $0xb8;
	[tilespmem:$0x1E800] =	vst v63  }
0x163: {  	_ =	swait.ge [sflag:s24], $0x4000  }
0x164: {  	[sflag:s24] =	ssyncset.done $0x0  }
0x165: {  	[sflag:s24] =	ssyncadd.s32 $0xFFFFC000  }
0x166: {  	[spmem:s1] =	stream.indirect.scatter.add.f32 [tilespmem:s22], [sflag:$0x3], $0x80, s28, s19, $0xb8;
	[tilespmem:$0x1E800] =	vst v63  }
0x167: {  	_ =	swait.ge [sflag:s18], $0x4000  }
0x168: {  	[sflag:s18] =	ssyncset.done $0x0  }
0x169: {  	[sflag:s18] =	ssyncadd.s32 $0xFFFFC000  }
0x16a: {  	_ =	swait.ge [sflag:s25], $0x4000  }
0x16b: {  	[sflag:s25] =	ssyncset.done $0x0  }
0x16c: {  	[sflag:s25] =	ssyncadd.s32 $0xFFFFC000  }
0x16d: {  	[spmem:s1] =	stream.indirect.scatter.add.f32 [tilespmem:s23], [sflag:$0x3], $0x80, s29, s19, $0xb8;
	[tilespmem:$0x1E800] =	vst v63  }
0x16e: {  	_ =	swait.ge [sflag:s18], $0x4000  }
0x16f: {  	s31 =	sadd.s32 $0x1, s31;
	[sflag:s18] =	ssyncset.done $0x0  }
0x170: {  	p1 =	sne.s32 s31, s16;
	[sflag:s18] =	ssyncadd.s32 $0xFFFFC000  }
.Ltmp8:
0x171: {  	[bflag:$0x0] =	sbarrier.arrive $0xFFFF;
	(pc) =	sbr.rel @p1 .LBB2_1-.Ltmp8, $4  }
0x172: {  	[hbm:s15], [sflag:s6] =	dma.local [spmem:s17], $0x2800  }
0x173: {  	_ =	swait.ge [sflag:s18], $0x2800  }
0x174: {  	[sflag:s18] =	ssyncset.done $0x0  }
0x175: {  	[sflag:s18] =	ssyncadd.s32 $0xFFFFD800  }
0x176: {  	_ =	sfence.sel $0x180000  }
0x177: {  	[bflag:$0x0] =	sbarrier.arrive $0xFFFF  }
0x178: {  	_ =	strace $0x9000004A  }
0x179: {  	s0 =	stileid.u32;
	[bflag:$0x2] =	sbarrier.arrive $0xFFFF  }
0x17a: {  	p0 =	sne.s32 s0, $0x0;
	s0 =	rddreg [dreg:$0x2]  }
0x17b: {  	s0 =	sadd.s32 @!p0 $0x100000, s0  }
0x17c: {  	[sflag:s0] =	ssyncadd.tile.s32 @!p0 $0x1;
	_ =	shalt  }
.Lfunc_end2:
_tile_overlayer_lowered:
.L_overlay_start_2:
0x17d: {  	(tag) =	ssettag $0x2  }
0x17e: {  	s0 =	rddreg [dreg:$0x0];
	s2 =	stileid.u32  }
0x17f: {  	s1 =	rddreg [dreg:$0x1];
	p0 =	sne.s32 s2, $0x0  }
0x180: {  	s3 =	rddreg [dreg:$0x2];
	[bflag:$0x3] =	sbarrier.arrive $0xFFFF;
	s2 =	simm.s32 @!p0 $0x1C03  }
0x181: {  	[timem:s3], [sflag:s2] =	dma.local @!p0 [hbm:s0], s1  }
0x182: {  	s0 =	simm.s32 @!p0 $0x3  }
0x183: {  	_ =	swait.ge @!p0 [sflag:s0], s1  }
0x184: {  	s1 =	ssub.s32 @!p0 $0x0, s1;
	[sflag:s0] =	ssyncset.done @!p0 $0x0  }
0x185: {  	[sflag:s0] =	ssyncadd.s32 @!p0 s1  }
0x186: {  	[bflag:$0x3] =	sbarrier.arrive $0xFFFF  }
0x187: {  	_ =	shalt  }

</sc_bundles>
